<compile_context>
chip_gen: v7x
topology: tpu7x:2x2x1
jax: 0.10.2.dev20260603
libtpu: 0.0.44.dev20260713+nightly
codegen_flags: <defaults>
</compile_context>

<pallas_src>
import functools

import jax
import jax.numpy as jnp
from jax import lax
from jax.experimental import pallas as pl
from jax.experimental.pallas import tpu as pltpu
from jax.experimental.pallas import tpu_sc as plsc

_D = 10
_NC, _NS, _L = 2, 16, 16
_NW = _NC * _NS
_N = 8 * 4096
_TPW = _N // _NW
_GROUPS = _TPW // _L
_CHUNK = _TPW * _D
_ROWS = 8
_COLS = _N // _ROWS
_WPR = _COLS // _TPW
_BLK = 2048
_GRID = _COLS // _BLK

_SC_PARAMS = pltpu.CompilerParams(needs_layout_passes=False,
                                  skip_device_barrier=True)


def _sc_mesh():
    return plsc.VectorSubcoreMesh(
        core_axis_name="c", subcore_axis_name="s",
        num_cores=_NC, num_subcores=_NS)


def _worker_id():
    return lax.axis_index("s") * _NC + lax.axis_index("c")


def _sc_transpose_body(x_hbm, xT_hbm, x_v, xT_v):
    wid = _worker_id()
    pltpu.sync_copy(x_hbm.at[pl.ds(wid * _CHUNK, _CHUNK)], x_v)
    lane = lax.iota(jnp.int32, _L)

    def group(g2, carry):
        for u in range(2):
            g = g2 * 2 + u
            pos0 = (g * _L + lane) * _D
            for d in range(_D):
                xT_v[d, pl.ds(g * _L, _L)] = plsc.load_gather(x_v, [pos0 + d])
        return carry

    lax.fori_loop(0, _GROUPS // 2, group, jnp.int32(0))
    row = wid // _WPR
    col0 = (wid % _WPR) * _TPW
    for d in range(_D):
        pltpu.sync_copy(xT_v.at[d], xT_hbm.at[d, row, pl.ds(col0, _TPW)])


@functools.lru_cache(maxsize=None)
def _sc_transpose():
    return pl.kernel(
        _sc_transpose_body,
        out_type=jax.ShapeDtypeStruct((_D, _ROWS, _COLS), jnp.float32),
        mesh=_sc_mesh(),
        scratch_types=[
            pltpu.VMEM((_CHUNK,), jnp.float32),
            pltpu.VMEM((_D, _TPW), jnp.float32),
        ],
        compiler_params=_SC_PARAMS,
    )


def _tc_math_body(xT_ref, idx_ref, loss_ref):
    step = pl.program_id(0)

    xs = [xT_ref[d] for d in range(_D)]
    xbs = [x.astype(jnp.bfloat16).astype(jnp.float32) for x in xs]
    bits = [xb > 0.5 for xb in xbs]
    ties = [xb == 0.5 for xb in xbs]

    x2 = xs[0] * xs[0]
    for d in range(1, _D):
        x2 = x2 + xs[d] * xs[d]

    big = jnp.int32(99)
    d1 = jnp.full_like(x2, big, dtype=jnp.int32)
    for d in range(_D - 1, -1, -1):
        d1 = jnp.where(ties[d], jnp.int32(d), d1)
    d2 = jnp.full_like(x2, big, dtype=jnp.int32)
    for d in range(_D - 1, -1, -1):
        d2 = jnp.where(ties[d] & (jnp.int32(d) > d1), jnp.int32(d), d2)
    has1 = d1 < big
    has2 = d2 < big

    zero = jnp.zeros_like(x2)
    dots = [zero, zero, zero, zero]
    c2 = zero
    for d in range(_D):
        v = jnp.where(bits[d], xbs[d], 0.0)
        c2 = c2 + jnp.where(bits[d], 1.0, 0.0)
        is1 = d1 == d
        is2 = d2 == d
        vh = jnp.where(is1, jnp.float32(0.5), v)
        vl = jnp.where(is2, jnp.float32(0.5), v)
        vhl = jnp.where(is1 | is2, jnp.float32(0.5), v)
        dots = [dots[0] + v, dots[1] + vl, dots[2] + vh, dots[3] + vhl]

    f1 = jnp.where(has1, 1.0, 0.0)
    f2 = jnp.where(has2, 1.0, 0.0)
    c2s = [c2, c2 + f2, c2 + f1, c2 + f1 + f2]
    valid = [None,
             has2,
             has1,
             has1 & has2]
    inf = jnp.float32(jnp.inf)

    def dist(c2_c, dot_c):
        d2v = (x2 + c2_c) - 2.0 * dot_c
        return lax.sqrt(jnp.maximum(d2v, 0.0))

    best = dist(c2s[0], dots[0])
    bhi_i = jnp.zeros_like(d1)
    blo_i = jnp.zeros_like(d1)
    for c in (1, 2, 3):
        dc = jnp.where(valid[c], dist(c2s[c], dots[c]), inf)
        win = dc < best
        best = jnp.where(win, dc, best)
        bhi_i = jnp.where(win, jnp.int32(c >> 1), bhi_i)
        blo_i = jnp.where(win, jnp.int32(c & 1), blo_i)
    bhi = bhi_i == 1
    blo = blo_i == 1

    idx = jnp.zeros_like(d1)
    part = jnp.zeros_like(x2)
    for d in range(_D):
        fb = bits[d] | (bhi & (d1 == d)) | (blo & (d2 == d))
        q = jnp.where(fb, jnp.float32(1.0), jnp.float32(0.0))
        idx = idx + jnp.where(fb, jnp.int32(1 << (_D - 1 - d)), jnp.int32(0))
        diff = q - xs[d]
        part = part + diff * diff
    idx_ref[...] = idx

    @pl.when(step == 0)
    def _():
        loss_ref[...] = jnp.zeros_like(loss_ref)

    loss_ref[...] += jnp.sum(part)[None, None] * jnp.float32(1.0 / (_N * _D))


_tc_math = pl.pallas_call(
    _tc_math_body,
    grid=(_GRID,),
    in_specs=[pl.BlockSpec((_D, _ROWS, _BLK), lambda i: (0, 0, i))],
    out_specs=[
        pl.BlockSpec((_ROWS, _BLK), lambda i: (0, i)),
        pl.BlockSpec((1, 1), lambda i: (0, 0)),
    ],
    out_shape=[
        jax.ShapeDtypeStruct((_ROWS, _COLS), jnp.int32),
        jax.ShapeDtypeStruct((1, 1), jnp.float32),
    ],
)


def _sc_untranspose_body(idx_hbm, q_hbm, idxf_hbm, idx_v, q_v):
    wid = _worker_id()
    row = wid // _WPR
    col0 = (wid % _WPR) * _TPW
    pltpu.sync_copy(idx_hbm.at[row, pl.ds(col0, _TPW)], idx_v)
    lane = lax.iota(jnp.int32, _L)

    def group(g2, carry):
        for u in range(2):
            g = g2 * 2 + u
            pos0 = (g * _L + lane) * _D
            iv = idx_v[pl.ds(g * _L, _L)]
            for d in range(_D):
                bit = lax.shift_right_logical(iv, jnp.int32(_D - 1 - d)) & 1
                plsc.store_scatter(q_v, [pos0 + d], bit.astype(jnp.float32))
        return carry

    lax.fori_loop(0, _GROUPS // 2, group, jnp.int32(0))
    pltpu.sync_copy(q_v, q_hbm.at[pl.ds(wid * _CHUNK, _CHUNK)])
    pltpu.sync_copy(idx_v, idxf_hbm.at[pl.ds(wid * _TPW, _TPW)])


@functools.lru_cache(maxsize=None)
def _sc_untranspose():
    return pl.kernel(
        _sc_untranspose_body,
        out_type=(jax.ShapeDtypeStruct((_N * _D,), jnp.float32),
                  jax.ShapeDtypeStruct((_N,), jnp.int32)),
        mesh=_sc_mesh(),
        scratch_types=[
            pltpu.VMEM((_TPW,), jnp.int32),
            pltpu.VMEM((_CHUNK,), jnp.float32),
        ],
        compiler_params=_SC_PARAMS,
    )


def kernel(inputs, codebook):
    del codebook
    flat = inputs.reshape(-1)
    xT = _sc_transpose()(flat)
    idx, loss = _tc_math(xT)
    q_flat, idx_flat = _sc_untranspose()(idx)
    return (q_flat.reshape(inputs.shape), loss.reshape(()), idx_flat)

# --- scband reference (transcript-rebuilt; emitter-appended) ---
"""Pipeline reference for scband-binary-vector-quantizer-78924319031719 (READ-ONLY COPY).

The authoritative reference and input builder live on the scoring server;
editing this copy changes nothing except your own understanding.
"""

import jax, jax.numpy as jnp
import numpy as np

NUM_LATENTS = 10


def _make_codebook(n):
    # equivalent to itertools.product([0, 1], repeat=n): first bit is most significant
    idx = np.arange(2 ** n, dtype=np.int64)
    shifts = np.arange(n - 1, -1, -1)
    bits = ((idx[:, None] >> shifts[None, :]) & 1).astype(np.float32)
    return jnp.asarray(bits)


def setup_inputs(seed: int = 0) -> dict:
    key = jax.random.key(seed)
    inputs = jax.random.normal(key, (8, 4096, NUM_LATENTS), dtype=jnp.float32)
    codebook = _make_codebook(NUM_LATENTS)  # buffer: [2**n, n]
    return {"inputs": inputs, "codebook": codebook}


def reference(inputs, codebook):
    flat_input = inputs.reshape(-1, NUM_LATENTS)
    # Euclidean cdist via expanded quadratic form (same math as torch.cdist, p=2)
    x2 = jnp.sum(flat_input ** 2, axis=1, keepdims=True)
    c2 = jnp.sum(codebook ** 2, axis=1)[None, :]
    d2 = x2 + c2 - 2.0 * (flat_input @ codebook.T)
    distances = jnp.sqrt(jnp.maximum(d2, 0.0))
    encoding_indices = jnp.argmin(distances, axis=1)
    quantized = jnp.take(codebook, encoding_indices, axis=0)
    # straight-through estimator
    quantized_st = flat_input + jax.lax.stop_gradient(quantized - flat_input)
    quantized_st = quantized_st.reshape(inputs.shape)
    commitment_loss = jnp.mean((jax.lax.stop_gradient(quantized_st) - inputs) ** 2)
    return (quantized_st, commitment_loss, encoding_indices)

if __name__ == "__main__":
    import jax
    _d = setup_inputs()
    print(jax.jit(kernel)(*tuple(_d.values())))

</pallas_src>

<mosaic_0001>
#map = affine_map<(d0, d1) -> (0)>
#map1 = affine_map<(d0, d1) -> (0, 0, 0)>
module attributes {stable_mosaic.version = 14 : i64} {
  func.func @_sc_transpose_body(%arg0: i32, %arg1: i32, %arg2: memref<327680xf32, #tpu.memory_space<hbm>>, %arg3: memref<10x8x4096xf32, #tpu.memory_space<hbm>>, %arg4: memref<10240xf32, #tpu.memory_space<vmem>>, %arg5: memref<10x1024xf32, #tpu.memory_space<vmem>>) attributes {dimension_semantics = [#tpu.dimension_semantics<core_parallel>, #tpu.dimension_semantics<subcore_parallel>], iteration_bounds = array<i64: 2, 16>, scalar_prefetch = 0 : i64, scratch_operands = 2 : i64, tpu.core_type = #tpu.core_type<sc_vector_subcore>, window_params = [{transform_indices = #map}, {transform_indices = #map1}]} {
    %mul3A = arith.constant 2 : i32
    %mul3A_0 = arith.muli %arg1, %mul3A : i32
    %add3A = arith.addi %mul3A_0, %arg0 : i32
    %mul3A_1 = arith.constant 10240 : i32
    %mul3A_2 = arith.muli %add3A, %mul3A_1 : i32
    "tpu.region"() ({
      %run_scoped3A_59 = tpu.sem_alloc : memref<!tpu.dma_semaphore, #tpu.memory_space<semaphore_mem>>
      %dma_start3A = tpu.memref_slice %arg2[%mul3A_2] : memref<327680xf32, #tpu.memory_space<hbm>> -> memref<10240xf32, #tpu.memory_space<hbm>>
      %dma_start3A_60 = tpu.memref_slice %arg2[%mul3A_2] : memref<327680xf32, #tpu.memory_space<hbm>> -> memref<10240xf32, #tpu.memory_space<hbm>>
      tpu.enqueue_dma source(%dma_start3A_60 : memref<10240xf32, #tpu.memory_space<hbm>>) target(%arg4 : memref<10240xf32, #tpu.memory_space<vmem>>) target_semaphore(%run_scoped3A_59 : memref<!tpu.dma_semaphore, #tpu.memory_space<semaphore_mem>>)
      %dma_wait3A = tpu.memref_slice %arg2[%mul3A_2] : memref<327680xf32, #tpu.memory_space<hbm>> -> memref<10240xf32, #tpu.memory_space<hbm>>
      %dma_wait3A_61 = tpu.memref_slice %arg2[%mul3A_2] : memref<327680xf32, #tpu.memory_space<hbm>> -> memref<10240xf32, #tpu.memory_space<hbm>>
      tpu.wait_dma2 semaphore(%run_scoped3A_59 : memref<!tpu.dma_semaphore, #tpu.memory_space<semaphore_mem>>) src(%dma_wait3A_61 : memref<10240xf32, #tpu.memory_space<hbm>>) dst(%arg4 : memref<10240xf32, #tpu.memory_space<vmem>>)
      tpu.yield
    }) : () -> ()
    %iota3A = tpu.iota {dimensions = array<i32: 0>} : vector<16xi32>
    %scan3A = arith.constant 0 : i32
    %scan3A_3 = arith.constant 0 : i32
    %scan3A_4 = arith.constant 32 : i32
    %scan3A_5 = arith.addi %scan3A_3, %scan3A_4 : i32
    %scan3A_6 = arith.constant 1 : i32
    scf.for %scan3A_59 = %scan3A_3 to %scan3A_5 step %scan3A_6  : i32 {
      %mul3A_60 = arith.constant 2 : i32
      %mul3A_61 = arith.muli %scan3A_59, %mul3A_60 : i32
      %add3A_62 = arith.constant 0 : i32
      %add3A_63 = arith.addi %mul3A_61, %add3A_62 : i32
      %mul3A_64 = arith.constant 16 : i32
      %mul3A_65 = arith.muli %add3A_63, %mul3A_64 : i32
      %add3A_66 = vector.broadcast %mul3A_65 : i32 to vector<16xi32>
      %add3A_67 = arith.addi %add3A_66, %iota3A : vector<16xi32>
      %mul3A_68 = arith.constant 10 : i32
      %mul3A_69 = vector.broadcast %mul3A_68 : i32 to vector<16xi32>
      %mul3A_70 = arith.muli %add3A_67, %mul3A_69 : vector<16xi32>
      %add3A_71 = arith.constant 0 : i32
      %add3A_72 = vector.broadcast %add3A_71 : i32 to vector<16xi32>
      %add3A_73 = arith.addi %mul3A_70, %add3A_72 : vector<16xi32>
      %gather3A = tpu.vector_load_idx %arg4[%add3A_73] : memref<10240xf32, #tpu.memory_space<vmem>>[vector<16xi32>], vector<16xf32>,
      %mul3A_74 = arith.constant 16 : i32
      %mul3A_75 = arith.muli %add3A_63, %mul3A_74 : i32
      %swap3A = arith.constant 0 : i32
      %swap3A_76 = arith.index_cast %swap3A : i32 to index
      %swap3A_77 = arith.index_cast %mul3A_75 : i32 to index
      %swap3A_78 = tpu.vector_load %arg5[%swap3A_76, %swap3A_77] {strides = array<i32>} : memref<10x1024xf32, #tpu.memory_space<vmem>>, vector<16xf32>,
      tpu.vector_store %arg5[%swap3A_76, %swap3A_77], %gather3A {strides = array<i32>} : memref<10x1024xf32, #tpu.memory_space<vmem>>, vector<16xf32>,
      %add3A_79 = arith.constant 1 : i32
      %add3A_80 = vector.broadcast %add3A_79 : i32 to vector<16xi32>
      %add3A_81 = arith.addi %mul3A_70, %add3A_80 : vector<16xi32>
      %gather3A_82 = tpu.vector_load_idx %arg4[%add3A_81] : memref<10240xf32, #tpu.memory_space<vmem>>[vector<16xi32>], vector<16xf32>,
      %mul3A_83 = arith.constant 16 : i32
      %mul3A_84 = arith.muli %add3A_63, %mul3A_83 : i32
      %swap3A_85 = arith.constant 1 : i32
      %swap3A_86 = arith.index_cast %swap3A_85 : i32 to index
      %swap3A_87 = arith.index_cast %mul3A_84 : i32 to index
      %swap3A_88 = tpu.vector_load %arg5[%swap3A_86, %swap3A_87] {strides = array<i32>} : memref<10x1024xf32, #tpu.memory_space<vmem>>, vector<16xf32>,
      tpu.vector_store %arg5[%swap3A_86, %swap3A_87], %gather3A_82 {strides = array<i32>} : memref<10x1024xf32, #tpu.memory_space<vmem>>, vector<16xf32>,
      %add3A_89 = arith.constant 2 : i32
      %add3A_90 = vector.broadcast %add3A_89 : i32 to vector<16xi32>
      %add3A_91 = arith.addi %mul3A_70, %add3A_90 : vector<16xi32>
      %gather3A_92 = tpu.vector_load_idx %arg4[%add3A_91] : memref<10240xf32, #tpu.memory_space<vmem>>[vector<16xi32>], vector<16xf32>,
      %mul3A_93 = arith.constant 16 : i32
      %mul3A_94 = arith.muli %add3A_63, %mul3A_93 : i32
      %swap3A_95 = arith.constant 2 : i32
      %swap3A_96 = arith.index_cast %swap3A_95 : i32 to index
      %swap3A_97 = arith.index_cast %mul3A_94 : i32 to index
      %swap3A_98 = tpu.vector_load %arg5[%swap3A_96, %swap3A_97] {strides = array<i32>} : memref<10x1024xf32, #tpu.memory_space<vmem>>, vector<16xf32>,
      tpu.vector_store %arg5[%swap3A_96, %swap3A_97], %gather3A_92 {strides = array<i32>} : memref<10x1024xf32, #tpu.memory_space<vmem>>, vector<16xf32>,
      %add3A_99 = arith.constant 3 : i32
      %add3A_100 = vector.broadcast %add3A_99 : i32 to vector<16xi32>
      %add3A_101 = arith.addi %mul3A_70, %add3A_100 : vector<16xi32>
      %gather3A_102 = tpu.vector_load_idx %arg4[%add3A_101] : memref<10240xf32, #tpu.memory_space<vmem>>[vector<16xi32>], vector<16xf32>,
      %mul3A_103 = arith.constant 16 : i32
      %mul3A_104 = arith.muli %add3A_63, %mul3A_103 : i32
      %swap3A_105 = arith.constant 3 : i32
      %swap3A_106 = arith.index_cast %swap3A_105 : i32 to index
      %swap3A_107 = arith.index_cast %mul3A_104 : i32 to index
      %swap3A_108 = tpu.vector_load %arg5[%swap3A_106, %swap3A_107] {strides = array<i32>} : memref<10x1024xf32, #tpu.memory_space<vmem>>, vector<16xf32>,
      tpu.vector_store %arg5[%swap3A_106, %swap3A_107], %gather3A_102 {strides = array<i32>} : memref<10x1024xf32, #tpu.memory_space<vmem>>, vector<16xf32>,
      %add3A_109 = arith.constant 4 : i32
      %add3A_110 = vector.broadcast %add3A_109 : i32 to vector<16xi32>
      %add3A_111 = arith.addi %mul3A_70, %add3A_110 : vector<16xi32>
      %gather3A_112 = tpu.vector_load_idx %arg4[%add3A_111] : memref<10240xf32, #tpu.memory_space<vmem>>[vector<16xi32>], vector<16xf32>,
      %mul3A_113 = arith.constant 16 : i32
      %mul3A_114 = arith.muli %add3A_63, %mul3A_113 : i32
      %swap3A_115 = arith.constant 4 : i32
      %swap3A_116 = arith.index_cast %swap3A_115 : i32 to index
      %swap3A_117 = arith.index_cast %mul3A_114 : i32 to index
      %swap3A_118 = tpu.vector_load %arg5[%swap3A_116, %swap3A_117] {strides = array<i32>} : memref<10x1024xf32, #tpu.memory_space<vmem>>, vector<16xf32>,
      tpu.vector_store %arg5[%swap3A_116, %swap3A_117], %gather3A_112 {strides = array<i32>} : memref<10x1024xf32, #tpu.memory_space<vmem>>, vector<16xf32>,
      %add3A_119 = arith.constant 5 : i32
      %add3A_120 = vector.broadcast %add3A_119 : i32 to vector<16xi32>
      %add3A_121 = arith.addi %mul3A_70, %add3A_120 : vector<16xi32>
      %gather3A_122 = tpu.vector_load_idx %arg4[%add3A_121] : memref<10240xf32, #tpu.memory_space<vmem>>[vector<16xi32>], vector<16xf32>,
      %mul3A_123 = arith.constant 16 : i32
      %mul3A_124 = arith.muli %add3A_63, %mul3A_123 : i32
      %swap3A_125 = arith.constant 5 : i32
      %swap3A_126 = arith.index_cast %swap3A_125 : i32 to index
      %swap3A_127 = arith.index_cast %mul3A_124 : i32 to index
      %swap3A_128 = tpu.vector_load %arg5[%swap3A_126, %swap3A_127] {strides = array<i32>} : memref<10x1024xf32, #tpu.memory_space<vmem>>, vector<16xf32>,
      tpu.vector_store %arg5[%swap3A_126, %swap3A_127], %gather3A_122 {strides = array<i32>} : memref<10x1024xf32, #tpu.memory_space<vmem>>, vector<16xf32>,
      %add3A_129 = arith.constant 6 : i32
      %add3A_130 = vector.broadcast %add3A_129 : i32 to vector<16xi32>
      %add3A_131 = arith.addi %mul3A_70, %add3A_130 : vector<16xi32>
      %gather3A_132 = tpu.vector_load_idx %arg4[%add3A_131] : memref<10240xf32, #tpu.memory_space<vmem>>[vector<16xi32>], vector<16xf32>,
      %mul3A_133 = arith.constant 16 : i32
      %mul3A_134 = arith.muli %add3A_63, %mul3A_133 : i32
      %swap3A_135 = arith.constant 6 : i32
      %swap3A_136 = arith.index_cast %swap3A_135 : i32 to index
      %swap3A_137 = arith.index_cast %mul3A_134 : i32 to index
      %swap3A_138 = tpu.vector_load %arg5[%swap3A_136, %swap3A_137] {strides = array<i32>} : memref<10x1024xf32, #tpu.memory_space<vmem>>, vector<16xf32>,
      tpu.vector_store %arg5[%swap3A_136, %swap3A_137], %gather3A_132 {strides = array<i32>} : memref<10x1024xf32, #tpu.memory_space<vmem>>, vector<16xf32>,
      %add3A_139 = arith.constant 7 : i32
      %add3A_140 = vector.broadcast %add3A_139 : i32 to vector<16xi32>
      %add3A_141 = arith.addi %mul3A_70, %add3A_140 : vector<16xi32>
      %gather3A_142 = tpu.vector_load_idx %arg4[%add3A_141] : memref<10240xf32, #tpu.memory_space<vmem>>[vector<16xi32>], vector<16xf32>,
      %mul3A_143 = arith.constant 16 : i32
      %mul3A_144 = arith.muli %add3A_63, %mul3A_143 : i32
      %swap3A_145 = arith.constant 7 : i32
      %swap3A_146 = arith.index_cast %swap3A_145 : i32 to index
      %swap3A_147 = arith.index_cast %mul3A_144 : i32 to index
      %swap3A_148 = tpu.vector_load %arg5[%swap3A_146, %swap3A_147] {strides = array<i32>} : memref<10x1024xf32, #tpu.memory_space<vmem>>, vector<16xf32>,
      tpu.vector_store %arg5[%swap3A_146, %swap3A_147], %gather3A_142 {strides = array<i32>} : memref<10x1024xf32, #tpu.memory_space<vmem>>, vector<16xf32>,
      %add3A_149 = arith.constant 8 : i32
      %add3A_150 = vector.broadcast %add3A_149 : i32 to vector<16xi32>
      %add3A_151 = arith.addi %mul3A_70, %add3A_150 : vector<16xi32>
      %gather3A_152 = tpu.vector_load_idx %arg4[%add3A_151] : memref<10240xf32, #tpu.memory_space<vmem>>[vector<16xi32>], vector<16xf32>,
      %mul3A_153 = arith.constant 16 : i32
      %mul3A_154 = arith.muli %add3A_63, %mul3A_153 : i32
      %swap3A_155 = arith.constant 8 : i32
      %swap3A_156 = arith.index_cast %swap3A_155 : i32 to index
      %swap3A_157 = arith.index_cast %mul3A_154 : i32 to index
      %swap3A_158 = tpu.vector_load %arg5[%swap3A_156, %swap3A_157] {strides = array<i32>} : memref<10x1024xf32, #tpu.memory_space<vmem>>, vector<16xf32>,
      tpu.vector_store %arg5[%swap3A_156, %swap3A_157], %gather3A_152 {strides = array<i32>} : memref<10x1024xf32, #tpu.memory_space<vmem>>, vector<16xf32>,
      %add3A_159 = arith.constant 9 : i32
      %add3A_160 = vector.broadcast %add3A_159 : i32 to vector<16xi32>
      %add3A_161 = arith.addi %mul3A_70, %add3A_160 : vector<16xi32>
      %gather3A_162 = tpu.vector_load_idx %arg4[%add3A_161] : memref<10240xf32, #tpu.memory_space<vmem>>[vector<16xi32>], vector<16xf32>,
      %mul3A_163 = arith.constant 16 : i32
      %mul3A_164 = arith.muli %add3A_63, %mul3A_163 : i32
      %swap3A_165 = arith.constant 9 : i32
      %swap3A_166 = arith.index_cast %swap3A_165 : i32 to index
      %swap3A_167 = arith.index_cast %mul3A_164 : i32 to index
      %swap3A_168 = tpu.vector_load %arg5[%swap3A_166, %swap3A_167] {strides = array<i32>} : memref<10x1024xf32, #tpu.memory_space<vmem>>, vector<16xf32>,
      tpu.vector_store %arg5[%swap3A_166, %swap3A_167], %gather3A_162 {strides = array<i32>} : memref<10x1024xf32, #tpu.memory_space<vmem>>, vector<16xf32>,
      %mul3A_169 = arith.constant 2 : i32
      %mul3A_170 = arith.muli %scan3A_59, %mul3A_169 : i32
      %add3A_171 = arith.constant 1 : i32
      %add3A_172 = arith.addi %mul3A_170, %add3A_171 : i32
      %mul3A_173 = arith.constant 16 : i32
      %mul3A_174 = arith.muli %add3A_172, %mul3A_173 : i32
      %add3A_175 = vector.broadcast %mul3A_174 : i32 to vector<16xi32>
      %add3A_176 = arith.addi %add3A_175, %iota3A : vector<16xi32>
      %mul3A_177 = arith.constant 10 : i32
      %mul3A_178 = vector.broadcast %mul3A_177 : i32 to vector<16xi32>
      %mul3A_179 = arith.muli %add3A_176, %mul3A_178 : vector<16xi32>
      %add3A_180 = arith.constant 0 : i32
      %add3A_181 = vector.broadcast %add3A_180 : i32 to vector<16xi32>
      %add3A_182 = arith.addi %mul3A_179, %add3A_181 : vector<16xi32>
      %gather3A_183 = tpu.vector_load_idx %arg4[%add3A_182] : memref<10240xf32, #tpu.memory_space<vmem>>[vector<16xi32>], vector<16xf32>,
      %mul3A_184 = arith.constant 16 : i32
      %mul3A_185 = arith.muli %add3A_172, %mul3A_184 : i32
      %swap3A_186 = arith.constant 0 : i32
      %swap3A_187 = arith.index_cast %swap3A_186 : i32 to index
      %swap3A_188 = arith.index_cast %mul3A_185 : i32 to index
      %swap3A_189 = tpu.vector_load %arg5[%swap3A_187, %swap3A_188] {strides = array<i32>} : memref<10x1024xf32, #tpu.memory_space<vmem>>, vector<16xf32>,
      tpu.vector_store %arg5[%swap3A_187, %swap3A_188], %gather3A_183 {strides = array<i32>} : memref<10x1024xf32, #tpu.memory_space<vmem>>, vector<16xf32>,
      %add3A_190 = arith.constant 1 : i32
      %add3A_191 = vector.broadcast %add3A_190 : i32 to vector<16xi32>
      %add3A_192 = arith.addi %mul3A_179, %add3A_191 : vector<16xi32>
      %gather3A_193 = tpu.vector_load_idx %arg4[%add3A_192] : memref<10240xf32, #tpu.memory_space<vmem>>[vector<16xi32>], vector<16xf32>,
      %mul3A_194 = arith.constant 16 : i32
      %mul3A_195 = arith.muli %add3A_172, %mul3A_194 : i32
      %swap3A_196 = arith.constant 1 : i32
      %swap3A_197 = arith.index_cast %swap3A_196 : i32 to index
      %swap3A_198 = arith.index_cast %mul3A_195 : i32 to index
      %swap3A_199 = tpu.vector_load %arg5[%swap3A_197, %swap3A_198] {strides = array<i32>} : memref<10x1024xf32, #tpu.memory_space<vmem>>, vector<16xf32>,
      tpu.vector_store %arg5[%swap3A_197, %swap3A_198], %gather3A_193 {strides = array<i32>} : memref<10x1024xf32, #tpu.memory_space<vmem>>, vector<16xf32>,
      %add3A_200 = arith.constant 2 : i32
      %add3A_201 = vector.broadcast %add3A_200 : i32 to vector<16xi32>
      %add3A_202 = arith.addi %mul3A_179, %add3A_201 : vector<16xi32>
      %gather3A_203 = tpu.vector_load_idx %arg4[%add3A_202] : memref<10240xf32, #tpu.memory_space<vmem>>[vector<16xi32>], vector<16xf32>,
      %mul3A_204 = arith.constant 16 : i32
      %mul3A_205 = arith.muli %add3A_172, %mul3A_204 : i32
      %swap3A_206 = arith.constant 2 : i32
      %swap3A_207 = arith.index_cast %swap3A_206 : i32 to index
      %swap3A_208 = arith.index_cast %mul3A_205 : i32 to index
      %swap3A_209 = tpu.vector_load %arg5[%swap3A_207, %swap3A_208] {strides = array<i32>} : memref<10x1024xf32, #tpu.memory_space<vmem>>, vector<16xf32>,
      tpu.vector_store %arg5[%swap3A_207, %swap3A_208], %gather3A_203 {strides = array<i32>} : memref<10x1024xf32, #tpu.memory_space<vmem>>, vector<16xf32>,
      %add3A_210 = arith.constant 3 : i32
      %add3A_211 = vector.broadcast %add3A_210 : i32 to vector<16xi32>
      %add3A_212 = arith.addi %mul3A_179, %add3A_211 : vector<16xi32>
      %gather3A_213 = tpu.vector_load_idx %arg4[%add3A_212] : memref<10240xf32, #tpu.memory_space<vmem>>[vector<16xi32>], vector<16xf32>,
      %mul3A_214 = arith.constant 16 : i32
      %mul3A_215 = arith.muli %add3A_172, %mul3A_214 : i32
      %swap3A_216 = arith.constant 3 : i32
      %swap3A_217 = arith.index_cast %swap3A_216 : i32 to index
      %swap3A_218 = arith.index_cast %mul3A_215 : i32 to index
      %swap3A_219 = tpu.vector_load %arg5[%swap3A_217, %swap3A_218] {strides = array<i32>} : memref<10x1024xf32, #tpu.memory_space<vmem>>, vector<16xf32>,
      tpu.vector_store %arg5[%swap3A_217, %swap3A_218], %gather3A_213 {strides = array<i32>} : memref<10x1024xf32, #tpu.memory_space<vmem>>, vector<16xf32>,
      %add3A_220 = arith.constant 4 : i32
      %add3A_221 = vector.broadcast %add3A_220 : i32 to vector<16xi32>
      %add3A_222 = arith.addi %mul3A_179, %add3A_221 : vector<16xi32>
      %gather3A_223 = tpu.vector_load_idx %arg4[%add3A_222] : memref<10240xf32, #tpu.memory_space<vmem>>[vector<16xi32>], vector<16xf32>,
      %mul3A_224 = arith.constant 16 : i32
      %mul3A_225 = arith.muli %add3A_172, %mul3A_224 : i32
      %swap3A_226 = arith.constant 4 : i32
      %swap3A_227 = arith.index_cast %swap3A_226 : i32 to index
      %swap3A_228 = arith.index_cast %mul3A_225 : i32 to index
      %swap3A_229 = tpu.vector_load %arg5[%swap3A_227, %swap3A_228] {strides = array<i32>} : memref<10x1024xf32, #tpu.memory_space<vmem>>, vector<16xf32>,
      tpu.vector_store %arg5[%swap3A_227, %swap3A_228], %gather3A_223 {strides = array<i32>} : memref<10x1024xf32, #tpu.memory_space<vmem>>, vector<16xf32>,
      %add3A_230 = arith.constant 5 : i32
      %add3A_231 = vector.broadcast %add3A_230 : i32 to vector<16xi32>
      %add3A_232 = arith.addi %mul3A_179, %add3A_231 : vector<16xi32>
      %gather3A_233 = tpu.vector_load_idx %arg4[%add3A_232] : memref<10240xf32, #tpu.memory_space<vmem>>[vector<16xi32>], vector<16xf32>,
      %mul3A_234 = arith.constant 16 : i32
      %mul3A_235 = arith.muli %add3A_172, %mul3A_234 : i32
      %swap3A_236 = arith.constant 5 : i32
      %swap3A_237 = arith.index_cast %swap3A_236 : i32 to index
      %swap3A_238 = arith.index_cast %mul3A_235 : i32 to index
      %swap3A_239 = tpu.vector_load %arg5[%swap3A_237, %swap3A_238] {strides = array<i32>} : memref<10x1024xf32, #tpu.memory_space<vmem>>, vector<16xf32>,
      tpu.vector_store %arg5[%swap3A_237, %swap3A_238], %gather3A_233 {strides = array<i32>} : memref<10x1024xf32, #tpu.memory_space<vmem>>, vector<16xf32>,
      %add3A_240 = arith.constant 6 : i32
      %add3A_241 = vector.broadcast %add3A_240 : i32 to vector<16xi32>
      %add3A_242 = arith.addi %mul3A_179, %add3A_241 : vector<16xi32>
      %gather3A_243 = tpu.vector_load_idx %arg4[%add3A_242] : memref<10240xf32, #tpu.memory_space<vmem>>[vector<16xi32>], vector<16xf32>,
      %mul3A_244 = arith.constant 16 : i32
      %mul3A_245 = arith.muli %add3A_172, %mul3A_244 : i32
      %swap3A_246 = arith.constant 6 : i32
      %swap3A_247 = arith.index_cast %swap3A_246 : i32 to index
      %swap3A_248 = arith.index_cast %mul3A_245 : i32 to index
      %swap3A_249 = tpu.vector_load %arg5[%swap3A_247, %swap3A_248] {strides = array<i32>} : memref<10x1024xf32, #tpu.memory_space<vmem>>, vector<16xf32>,
      tpu.vector_store %arg5[%swap3A_247, %swap3A_248], %gather3A_243 {strides = array<i32>} : memref<10x1024xf32, #tpu.memory_space<vmem>>, vector<16xf32>,
      %add3A_250 = arith.constant 7 : i32
      %add3A_251 = vector.broadcast %add3A_250 : i32 to vector<16xi32>
      %add3A_252 = arith.addi %mul3A_179, %add3A_251 : vector<16xi32>
      %gather3A_253 = tpu.vector_load_idx %arg4[%add3A_252] : memref<10240xf32, #tpu.memory_space<vmem>>[vector<16xi32>], vector<16xf32>,
      %mul3A_254 = arith.constant 16 : i32
      %mul3A_255 = arith.muli %add3A_172, %mul3A_254 : i32
      %swap3A_256 = arith.constant 7 : i32
      %swap3A_257 = arith.index_cast %swap3A_256 : i32 to index
      %swap3A_258 = arith.index_cast %mul3A_255 : i32 to index
      %swap3A_259 = tpu.vector_load %arg5[%swap3A_257, %swap3A_258] {strides = array<i32>} : memref<10x1024xf32, #tpu.memory_space<vmem>>, vector<16xf32>,
      tpu.vector_store %arg5[%swap3A_257, %swap3A_258], %gather3A_253 {strides = array<i32>} : memref<10x1024xf32, #tpu.memory_space<vmem>>, vector<16xf32>,
      %add3A_260 = arith.constant 8 : i32
      %add3A_261 = vector.broadcast %add3A_260 : i32 to vector<16xi32>
      %add3A_262 = arith.addi %mul3A_179, %add3A_261 : vector<16xi32>
      %gather3A_263 = tpu.vector_load_idx %arg4[%add3A_262] : memref<10240xf32, #tpu.memory_space<vmem>>[vector<16xi32>], vector<16xf32>,
      %mul3A_264 = arith.constant 16 : i32
      %mul3A_265 = arith.muli %add3A_172, %mul3A_264 : i32
      %swap3A_266 = arith.constant 8 : i32
      %swap3A_267 = arith.index_cast %swap3A_266 : i32 to index
      %swap3A_268 = arith.index_cast %mul3A_265 : i32 to index
      %swap3A_269 = tpu.vector_load %arg5[%swap3A_267, %swap3A_268] {strides = array<i32>} : memref<10x1024xf32, #tpu.memory_space<vmem>>, vector<16xf32>,
      tpu.vector_store %arg5[%swap3A_267, %swap3A_268], %gather3A_263 {strides = array<i32>} : memref<10x1024xf32, #tpu.memory_space<vmem>>, vector<16xf32>,
      %add3A_270 = arith.constant 9 : i32
      %add3A_271 = vector.broadcast %add3A_270 : i32 to vector<16xi32>
      %add3A_272 = arith.addi %mul3A_179, %add3A_271 : vector<16xi32>
      %gather3A_273 = tpu.vector_load_idx %arg4[%add3A_272] : memref<10240xf32, #tpu.memory_space<vmem>>[vector<16xi32>], vector<16xf32>,
      %mul3A_274 = arith.constant 16 : i32
      %mul3A_275 = arith.muli %add3A_172, %mul3A_274 : i32
      %swap3A_276 = arith.constant 9 : i32
      %swap3A_277 = arith.index_cast %swap3A_276 : i32 to index
      %swap3A_278 = arith.index_cast %mul3A_275 : i32 to index
      %swap3A_279 = tpu.vector_load %arg5[%swap3A_277, %swap3A_278] {strides = array<i32>} : memref<10x1024xf32, #tpu.memory_space<vmem>>, vector<16xf32>,
      tpu.vector_store %arg5[%swap3A_277, %swap3A_278], %gather3A_273 {strides = array<i32>} : memref<10x1024xf32, #tpu.memory_space<vmem>>, vector<16xf32>,
    }
    %scan3A_7 = arith.constant 32 : i32
    %jit3A = arith.constant 4 : i32
    %div3A = arith.divsi %add3A, %jit3A : i32
    %sign3A = arith.constant 0 : i32
    %sign3A_8 = arith.cmpi sgt, %add3A, %sign3A : i32
    %sign3A_9 = arith.extui %sign3A_8 : i1 to i32
    %sign3A_10 = arith.constant 0 : i32
    %sign3A_11 = arith.cmpi slt, %add3A, %sign3A_10 : i32
    %sign3A_12 = arith.extui %sign3A_11 : i1 to i32
    %sign3A_13 = arith.subi %sign3A_9, %sign3A_12 : i32
    %sign3A_14 = arith.constant 0 : i32
    %sign3A_15 = arith.cmpi sgt, %jit3A, %sign3A_14 : i32
    %sign3A_16 = arith.extui %sign3A_15 : i1 to i32
    %sign3A_17 = arith.constant 0 : i32
    %sign3A_18 = arith.cmpi slt, %jit3A, %sign3A_17 : i32
    %sign3A_19 = arith.extui %sign3A_18 : i1 to i32
    %sign3A_20 = arith.subi %sign3A_16, %sign3A_19 : i32
    %ne3A = arith.cmpi ne, %sign3A_13, %sign3A_20 : i32
    %rem3A = arith.remsi %add3A, %jit3A : i32
    %ne3A_21 = arith.constant 0 : i32
    %ne3A_22 = arith.cmpi ne, %rem3A, %ne3A_21 : i32
    %and3A = arith.andi %ne3A, %ne3A_22 : i1
    %sub3A = arith.constant 1 : i32
    %sub3A_23 = arith.subi %div3A, %sub3A : i32
    %select_n3A = arith.select %and3A, %sub3A_23, %div3A : i32
    %jit3A_24 = arith.constant 4 : i32
    %eq3A = arith.constant 0 : i32
    %eq3A_25 = arith.cmpi eq, %jit3A_24, %eq3A : i32
    %jit3A_26 = arith.constant 1 : i32
    %select_n3A_27 = arith.select %eq3A_25, %jit3A_26, %jit3A_24 : i32
    %rem3A_28 = arith.remsi %add3A, %select_n3A_27 : i32
    %ne3A_29 = arith.constant 0 : i32
    %ne3A_30 = arith.cmpi ne, %rem3A_28, %ne3A_29 : i32
    %lt3A = arith.constant 0 : i32
    %lt3A_31 = arith.cmpi slt, %rem3A_28, %lt3A : i32
    %lt3A_32 = arith.constant 0 : i32
    %lt3A_33 = arith.cmpi slt, %select_n3A_27, %lt3A_32 : i32
    %ne3A_34 = arith.xori %lt3A_31, %lt3A_33 : i1
    %and3A_35 = arith.andi %ne3A_34, %ne3A_30 : i1
    %add3A_36 = arith.addi %rem3A_28, %select_n3A_27 : i32
    %select_n3A_37 = arith.select %and3A_35, %add3A_36, %rem3A_28 : i32
    %mul3A_38 = arith.constant 1024 : i32
    %mul3A_39 = arith.muli %select_n3A_37, %mul3A_38 : i32
    %run_scoped3A = arith.constant 0 : i32
    %run_scoped3A_40 = arith.constant 0 : i32
    "tpu.region"() ({
      %run_scoped3A_59 = tpu.sem_alloc : memref<!tpu.dma_semaphore, #tpu.memory_space<semaphore_mem>>
      %dma_start3A = arith.constant 0 : i32
      %dma_start3A_60 = tpu.memref_slice %arg5[%run_scoped3A, %dma_start3A] : memref<10x1024xf32, #tpu.memory_space<vmem>> -> memref<1x1024xf32, #tpu.memory_space<vmem>>
      %dma_start3A_61 = tpu.memref_squeeze %dma_start3A_60 : memref<1x1024xf32, #tpu.memory_space<vmem>> -> memref<1024xf32, #tpu.memory_space<vmem>>
      %dma_start3A_62 = tpu.memref_slice %arg3[%run_scoped3A_40, %select_n3A, %mul3A_39] : memref<10x8x4096xf32, #tpu.memory_space<hbm>> -> memref<1x1x1024xf32, #tpu.memory_space<hbm>>
      %dma_start3A_63 = tpu.memref_squeeze %dma_start3A_62 : memref<1x1x1024xf32, #tpu.memory_space<hbm>> -> memref<1024xf32, #tpu.memory_space<hbm>>
      %dma_start3A_64 = tpu.memref_slice %arg3[%run_scoped3A_40, %select_n3A, %mul3A_39] : memref<10x8x4096xf32, #tpu.memory_space<hbm>> -> memref<1x1x1024xf32, #tpu.memory_space<hbm>>
      %dma_start3A_65 = tpu.memref_squeeze %dma_start3A_64 : memref<1x1x1024xf32, #tpu.memory_space<hbm>> -> memref<1024xf32, #tpu.memory_space<hbm>>
      %dma_start3A_66 = arith.constant 0 : i32
      %dma_start3A_67 = tpu.memref_slice %arg5[%run_scoped3A, %dma_start3A_66] : memref<10x1024xf32, #tpu.memory_space<vmem>> -> memref<1x1024xf32, #tpu.memory_space<vmem>>
      %dma_start3A_68 = tpu.memref_squeeze %dma_start3A_67 : memref<1x1024xf32, #tpu.memory_space<vmem>> -> memref<1024xf32, #tpu.memory_space<vmem>>
      tpu.enqueue_dma source(%dma_start3A_68 : memref<1024xf32, #tpu.memory_space<vmem>>) target(%dma_start3A_65 : memref<1024xf32, #tpu.memory_space<hbm>>) target_semaphore(%run_scoped3A_59 : memref<!tpu.dma_semaphore, #tpu.memory_space<semaphore_mem>>)
      %dma_wait3A = arith.constant 0 : i32
      %dma_wait3A_69 = tpu.memref_slice %arg5[%run_scoped3A, %dma_wait3A] : memref<10x1024xf32, #tpu.memory_space<vmem>> -> memref<1x1024xf32, #tpu.memory_space<vmem>>
      %dma_wait3A_70 = tpu.memref_squeeze %dma_wait3A_69 : memref<1x1024xf32, #tpu.memory_space<vmem>> -> memref<1024xf32, #tpu.memory_space<vmem>>
      %dma_wait3A_71 = tpu.memref_slice %arg3[%run_scoped3A_40, %select_n3A, %mul3A_39] : memref<10x8x4096xf32, #tpu.memory_space<hbm>> -> memref<1x1x1024xf32, #tpu.memory_space<hbm>>
      %dma_wait3A_72 = tpu.memref_squeeze %dma_wait3A_71 : memref<1x1x1024xf32, #tpu.memory_space<hbm>> -> memref<1024xf32, #tpu.memory_space<hbm>>
      %dma_wait3A_73 = tpu.memref_slice %arg3[%run_scoped3A_40, %select_n3A, %mul3A_39] : memref<10x8x4096xf32, #tpu.memory_space<hbm>> -> memref<1x1x1024xf32, #tpu.memory_space<hbm>>
      %dma_wait3A_74 = tpu.memref_squeeze %dma_wait3A_73 : memref<1x1x1024xf32, #tpu.memory_space<hbm>> -> memref<1024xf32, #tpu.memory_space<hbm>>
      %dma_wait3A_75 = arith.constant 0 : i32
      %dma_wait3A_76 = tpu.memref_slice %arg5[%run_scoped3A, %dma_wait3A_75] : memref<10x1024xf32, #tpu.memory_space<vmem>> -> memref<1x1024xf32, #tpu.memory_space<vmem>>
      %dma_wait3A_77 = tpu.memref_squeeze %dma_wait3A_76 : memref<1x1024xf32, #tpu.memory_space<vmem>> -> memref<1024xf32, #tpu.memory_space<vmem>>
      tpu.wait_dma2 semaphore(%run_scoped3A_59 : memref<!tpu.dma_semaphore, #tpu.memory_space<semaphore_mem>>) src(%dma_wait3A_77 : memref<1024xf32, #tpu.memory_space<vmem>>) dst(%dma_wait3A_74 : memref<1024xf32, #tpu.memory_space<hbm>>)
      tpu.yield
    }) : () -> ()
    %run_scoped3A_41 = arith.constant 1 : i32
    %run_scoped3A_42 = arith.constant 1 : i32
    "tpu.region"() ({
      %run_scoped3A_59 = tpu.sem_alloc : memref<!tpu.dma_semaphore, #tpu.memory_space<semaphore_mem>>
      %dma_start3A = arith.constant 0 : i32
      %dma_start3A_60 = tpu.memref_slice %arg5[%run_scoped3A_41, %dma_start3A] : memref<10x1024xf32, #tpu.memory_space<vmem>> -> memref<1x1024xf32, #tpu.memory_space<vmem>>
      %dma_start3A_61 = tpu.memref_squeeze %dma_start3A_60 : memref<1x1024xf32, #tpu.memory_space<vmem>> -> memref<1024xf32, #tpu.memory_space<vmem>>
      %dma_start3A_62 = tpu.memref_slice %arg3[%run_scoped3A_42, %select_n3A, %mul3A_39] : memref<10x8x4096xf32, #tpu.memory_space<hbm>> -> memref<1x1x1024xf32, #tpu.memory_space<hbm>>
      %dma_start3A_63 = tpu.memref_squeeze %dma_start3A_62 : memref<1x1x1024xf32, #tpu.memory_space<hbm>> -> memref<1024xf32, #tpu.memory_space<hbm>>
      %dma_start3A_64 = tpu.memref_slice %arg3[%run_scoped3A_42, %select_n3A, %mul3A_39] : memref<10x8x4096xf32, #tpu.memory_space<hbm>> -> memref<1x1x1024xf32, #tpu.memory_space<hbm>>
      %dma_start3A_65 = tpu.memref_squeeze %dma_start3A_64 : memref<1x1x1024xf32, #tpu.memory_space<hbm>> -> memref<1024xf32, #tpu.memory_space<hbm>>
      %dma_start3A_66 = arith.constant 0 : i32
      %dma_start3A_67 = tpu.memref_slice %arg5[%run_scoped3A_41, %dma_start3A_66] : memref<10x1024xf32, #tpu.memory_space<vmem>> -> memref<1x1024xf32, #tpu.memory_space<vmem>>
      %dma_start3A_68 = tpu.memref_squeeze %dma_start3A_67 : memref<1x1024xf32, #tpu.memory_space<vmem>> -> memref<1024xf32, #tpu.memory_space<vmem>>
      tpu.enqueue_dma source(%dma_start3A_68 : memref<1024xf32, #tpu.memory_space<vmem>>) target(%dma_start3A_65 : memref<1024xf32, #tpu.memory_space<hbm>>) target_semaphore(%run_scoped3A_59 : memref<!tpu.dma_semaphore, #tpu.memory_space<semaphore_mem>>)
      %dma_wait3A = arith.constant 0 : i32
      %dma_wait3A_69 = tpu.memref_slice %arg5[%run_scoped3A_41, %dma_wait3A] : memref<10x1024xf32, #tpu.memory_space<vmem>> -> memref<1x1024xf32, #tpu.memory_space<vmem>>
      %dma_wait3A_70 = tpu.memref_squeeze %dma_wait3A_69 : memref<1x1024xf32, #tpu.memory_space<vmem>> -> memref<1024xf32, #tpu.memory_space<vmem>>
      %dma_wait3A_71 = tpu.memref_slice %arg3[%run_scoped3A_42, %select_n3A, %mul3A_39] : memref<10x8x4096xf32, #tpu.memory_space<hbm>> -> memref<1x1x1024xf32, #tpu.memory_space<hbm>>
      %dma_wait3A_72 = tpu.memref_squeeze %dma_wait3A_71 : memref<1x1x1024xf32, #tpu.memory_space<hbm>> -> memref<1024xf32, #tpu.memory_space<hbm>>
      %dma_wait3A_73 = tpu.memref_slice %arg3[%run_scoped3A_42, %select_n3A, %mul3A_39] : memref<10x8x4096xf32, #tpu.memory_space<hbm>> -> memref<1x1x1024xf32, #tpu.memory_space<hbm>>
      %dma_wait3A_74 = tpu.memref_squeeze %dma_wait3A_73 : memref<1x1x1024xf32, #tpu.memory_space<hbm>> -> memref<1024xf32, #tpu.memory_space<hbm>>
      %dma_wait3A_75 = arith.constant 0 : i32
      %dma_wait3A_76 = tpu.memref_slice %arg5[%run_scoped3A_41, %dma_wait3A_75] : memref<10x1024xf32, #tpu.memory_space<vmem>> -> memref<1x1024xf32, #tpu.memory_space<vmem>>
      %dma_wait3A_77 = tpu.memref_squeeze %dma_wait3A_76 : memref<1x1024xf32, #tpu.memory_space<vmem>> -> memref<1024xf32, #tpu.memory_space<vmem>>
      tpu.wait_dma2 semaphore(%run_scoped3A_59 : memref<!tpu.dma_semaphore, #tpu.memory_space<semaphore_mem>>) src(%dma_wait3A_77 : memref<1024xf32, #tpu.memory_space<vmem>>) dst(%dma_wait3A_74 : memref<1024xf32, #tpu.memory_space<hbm>>)
      tpu.yield
    }) : () -> ()
    %run_scoped3A_43 = arith.constant 2 : i32
    %run_scoped3A_44 = arith.constant 2 : i32
    "tpu.region"() ({
      %run_scoped3A_59 = tpu.sem_alloc : memref<!tpu.dma_semaphore, #tpu.memory_space<semaphore_mem>>
      %dma_start3A = arith.constant 0 : i32
      %dma_start3A_60 = tpu.memref_slice %arg5[%run_scoped3A_43, %dma_start3A] : memref<10x1024xf32, #tpu.memory_space<vmem>> -> memref<1x1024xf32, #tpu.memory_space<vmem>>
      %dma_start3A_61 = tpu.memref_squeeze %dma_start3A_60 : memref<1x1024xf32, #tpu.memory_space<vmem>> -> memref<1024xf32, #tpu.memory_space<vmem>>
      %dma_start3A_62 = tpu.memref_slice %arg3[%run_scoped3A_44, %select_n3A, %mul3A_39] : memref<10x8x4096xf32, #tpu.memory_space<hbm>> -> memref<1x1x1024xf32, #tpu.memory_space<hbm>>
      %dma_start3A_63 = tpu.memref_squeeze %dma_start3A_62 : memref<1x1x1024xf32, #tpu.memory_space<hbm>> -> memref<1024xf32, #tpu.memory_space<hbm>>
      %dma_start3A_64 = tpu.memref_slice %arg3[%run_scoped3A_44, %select_n3A, %mul3A_39] : memref<10x8x4096xf32, #tpu.memory_space<hbm>> -> memref<1x1x1024xf32, #tpu.memory_space<hbm>>
      %dma_start3A_65 = tpu.memref_squeeze %dma_start3A_64 : memref<1x1x1024xf32, #tpu.memory_space<hbm>> -> memref<1024xf32, #tpu.memory_space<hbm>>
      %dma_start3A_66 = arith.constant 0 : i32
      %dma_start3A_67 = tpu.memref_slice %arg5[%run_scoped3A_43, %dma_start3A_66] : memref<10x1024xf32, #tpu.memory_space<vmem>> -> memref<1x1024xf32, #tpu.memory_space<vmem>>
      %dma_start3A_68 = tpu.memref_squeeze %dma_start3A_67 : memref<1x1024xf32, #tpu.memory_space<vmem>> -> memref<1024xf32, #tpu.memory_space<vmem>>
      tpu.enqueue_dma source(%dma_start3A_68 : memref<1024xf32, #tpu.memory_space<vmem>>) target(%dma_start3A_65 : memref<1024xf32, #tpu.memory_space<hbm>>) target_semaphore(%run_scoped3A_59 : memref<!tpu.dma_semaphore, #tpu.memory_space<semaphore_mem>>)
      %dma_wait3A = arith.constant 0 : i32
      %dma_wait3A_69 = tpu.memref_slice %arg5[%run_scoped3A_43, %dma_wait3A] : memref<10x1024xf32, #tpu.memory_space<vmem>> -> memref<1x1024xf32, #tpu.memory_space<vmem>>
      %dma_wait3A_70 = tpu.memref_squeeze %dma_wait3A_69 : memref<1x1024xf32, #tpu.memory_space<vmem>> -> memref<1024xf32, #tpu.memory_space<vmem>>
      %dma_wait3A_71 = tpu.memref_slice %arg3[%run_scoped3A_44, %select_n3A, %mul3A_39] : memref<10x8x4096xf32, #tpu.memory_space<hbm>> -> memref<1x1x1024xf32, #tpu.memory_space<hbm>>
      %dma_wait3A_72 = tpu.memref_squeeze %dma_wait3A_71 : memref<1x1x1024xf32, #tpu.memory_space<hbm>> -> memref<1024xf32, #tpu.memory_space<hbm>>
      %dma_wait3A_73 = tpu.memref_slice %arg3[%run_scoped3A_44, %select_n3A, %mul3A_39] : memref<10x8x4096xf32, #tpu.memory_space<hbm>> -> memref<1x1x1024xf32, #tpu.memory_space<hbm>>
      %dma_wait3A_74 = tpu.memref_squeeze %dma_wait3A_73 : memref<1x1x1024xf32, #tpu.memory_space<hbm>> -> memref<1024xf32, #tpu.memory_space<hbm>>
      %dma_wait3A_75 = arith.constant 0 : i32
      %dma_wait3A_76 = tpu.memref_slice %arg5[%run_scoped3A_43, %dma_wait3A_75] : memref<10x1024xf32, #tpu.memory_space<vmem>> -> memref<1x1024xf32, #tpu.memory_space<vmem>>
      %dma_wait3A_77 = tpu.memref_squeeze %dma_wait3A_76 : memref<1x1024xf32, #tpu.memory_space<vmem>> -> memref<1024xf32, #tpu.memory_space<vmem>>
      tpu.wait_dma2 semaphore(%run_scoped3A_59 : memref<!tpu.dma_semaphore, #tpu.memory_space<semaphore_mem>>) src(%dma_wait3A_77 : memref<1024xf32, #tpu.memory_space<vmem>>) dst(%dma_wait3A_74 : memref<1024xf32, #tpu.memory_space<hbm>>)
      tpu.yield
    }) : () -> ()
    %run_scoped3A_45 = arith.constant 3 : i32
    %run_scoped3A_46 = arith.constant 3 : i32
    "tpu.region"() ({
      %run_scoped3A_59 = tpu.sem_alloc : memref<!tpu.dma_semaphore, #tpu.memory_space<semaphore_mem>>
      %dma_start3A = arith.constant 0 : i32
      %dma_start3A_60 = tpu.memref_slice %arg5[%run_scoped3A_45, %dma_start3A] : memref<10x1024xf32, #tpu.memory_space<vmem>> -> memref<1x1024xf32, #tpu.memory_space<vmem>>
      %dma_start3A_61 = tpu.memref_squeeze %dma_start3A_60 : memref<1x1024xf32, #tpu.memory_space<vmem>> -> memref<1024xf32, #tpu.memory_space<vmem>>
      %dma_start3A_62 = tpu.memref_slice %arg3[%run_scoped3A_46, %select_n3A, %mul3A_39] : memref<10x8x4096xf32, #tpu.memory_space<hbm>> -> memref<1x1x1024xf32, #tpu.memory_space<hbm>>
      %dma_start3A_63 = tpu.memref_squeeze %dma_start3A_62 : memref<1x1x1024xf32, #tpu.memory_space<hbm>> -> memref<1024xf32, #tpu.memory_space<hbm>>
      %dma_start3A_64 = tpu.memref_slice %arg3[%run_scoped3A_46, %select_n3A, %mul3A_39] : memref<10x8x4096xf32, #tpu.memory_space<hbm>> -> memref<1x1x1024xf32, #tpu.memory_space<hbm>>
      %dma_start3A_65 = tpu.memref_squeeze %dma_start3A_64 : memref<1x1x1024xf32, #tpu.memory_space<hbm>> -> memref<1024xf32, #tpu.memory_space<hbm>>
      %dma_start3A_66 = arith.constant 0 : i32
      %dma_start3A_67 = tpu.memref_slice %arg5[%run_scoped3A_45, %dma_start3A_66] : memref<10x1024xf32, #tpu.memory_space<vmem>> -> memref<1x1024xf32, #tpu.memory_space<vmem>>
      %dma_start3A_68 = tpu.memref_squeeze %dma_start3A_67 : memref<1x1024xf32, #tpu.memory_space<vmem>> -> memref<1024xf32, #tpu.memory_space<vmem>>
      tpu.enqueue_dma source(%dma_start3A_68 : memref<1024xf32, #tpu.memory_space<vmem>>) target(%dma_start3A_65 : memref<1024xf32, #tpu.memory_space<hbm>>) target_semaphore(%run_scoped3A_59 : memref<!tpu.dma_semaphore, #tpu.memory_space<semaphore_mem>>)
      %dma_wait3A = arith.constant 0 : i32
      %dma_wait3A_69 = tpu.memref_slice %arg5[%run_scoped3A_45, %dma_wait3A] : memref<10x1024xf32, #tpu.memory_space<vmem>> -> memref<1x1024xf32, #tpu.memory_space<vmem>>
      %dma_wait3A_70 = tpu.memref_squeeze %dma_wait3A_69 : memref<1x1024xf32, #tpu.memory_space<vmem>> -> memref<1024xf32, #tpu.memory_space<vmem>>
      %dma_wait3A_71 = tpu.memref_slice %arg3[%run_scoped3A_46, %select_n3A, %mul3A_39] : memref<10x8x4096xf32, #tpu.memory_space<hbm>> -> memref<1x1x1024xf32, #tpu.memory_space<hbm>>
      %dma_wait3A_72 = tpu.memref_squeeze %dma_wait3A_71 : memref<1x1x1024xf32, #tpu.memory_space<hbm>> -> memref<1024xf32, #tpu.memory_space<hbm>>
      %dma_wait3A_73 = tpu.memref_slice %arg3[%run_scoped3A_46, %select_n3A, %mul3A_39] : memref<10x8x4096xf32, #tpu.memory_space<hbm>> -> memref<1x1x1024xf32, #tpu.memory_space<hbm>>
      %dma_wait3A_74 = tpu.memref_squeeze %dma_wait3A_73 : memref<1x1x1024xf32, #tpu.memory_space<hbm>> -> memref<1024xf32, #tpu.memory_space<hbm>>
      %dma_wait3A_75 = arith.constant 0 : i32
      %dma_wait3A_76 = tpu.memref_slice %arg5[%run_scoped3A_45, %dma_wait3A_75] : memref<10x1024xf32, #tpu.memory_space<vmem>> -> memref<1x1024xf32, #tpu.memory_space<vmem>>
      %dma_wait3A_77 = tpu.memref_squeeze %dma_wait3A_76 : memref<1x1024xf32, #tpu.memory_space<vmem>> -> memref<1024xf32, #tpu.memory_space<vmem>>
      tpu.wait_dma2 semaphore(%run_scoped3A_59 : memref<!tpu.dma_semaphore, #tpu.memory_space<semaphore_mem>>) src(%dma_wait3A_77 : memref<1024xf32, #tpu.memory_space<vmem>>) dst(%dma_wait3A_74 : memref<1024xf32, #tpu.memory_space<hbm>>)
      tpu.yield
    }) : () -> ()
    %run_scoped3A_47 = arith.constant 4 : i32
    %run_scoped3A_48 = arith.constant 4 : i32
    "tpu.region"() ({
      %run_scoped3A_59 = tpu.sem_alloc : memref<!tpu.dma_semaphore, #tpu.memory_space<semaphore_mem>>
      %dma_start3A = arith.constant 0 : i32
      %dma_start3A_60 = tpu.memref_slice %arg5[%run_scoped3A_47, %dma_start3A] : memref<10x1024xf32, #tpu.memory_space<vmem>> -> memref<1x1024xf32, #tpu.memory_space<vmem>>
      %dma_start3A_61 = tpu.memref_squeeze %dma_start3A_60 : memref<1x1024xf32, #tpu.memory_space<vmem>> -> memref<1024xf32, #tpu.memory_space<vmem>>
      %dma_start3A_62 = tpu.memref_slice %arg3[%run_scoped3A_48, %select_n3A, %mul3A_39] : memref<10x8x4096xf32, #tpu.memory_space<hbm>> -> memref<1x1x1024xf32, #tpu.memory_space<hbm>>
      %dma_start3A_63 = tpu.memref_squeeze %dma_start3A_62 : memref<1x1x1024xf32, #tpu.memory_space<hbm>> -> memref<1024xf32, #tpu.memory_space<hbm>>
      %dma_start3A_64 = tpu.memref_slice %arg3[%run_scoped3A_48, %select_n3A, %mul3A_39] : memref<10x8x4096xf32, #tpu.memory_space<hbm>> -> memref<1x1x1024xf32, #tpu.memory_space<hbm>>
      %dma_start3A_65 = tpu.memref_squeeze %dma_start3A_64 : memref<1x1x1024xf32, #tpu.memory_space<hbm>> -> memref<1024xf32, #tpu.memory_space<hbm>>
      %dma_start3A_66 = arith.constant 0 : i32
      %dma_start3A_67 = tpu.memref_slice %arg5[%run_scoped3A_47, %dma_start3A_66] : memref<10x1024xf32, #tpu.memory_space<vmem>> -> memref<1x1024xf32, #tpu.memory_space<vmem>>
      %dma_start3A_68 = tpu.memref_squeeze %dma_start3A_67 : memref<1x1024xf32, #tpu.memory_space<vmem>> -> memref<1024xf32, #tpu.memory_space<vmem>>
      tpu.enqueue_dma source(%dma_start3A_68 : memref<1024xf32, #tpu.memory_space<vmem>>) target(%dma_start3A_65 : memref<1024xf32, #tpu.memory_space<hbm>>) target_semaphore(%run_scoped3A_59 : memref<!tpu.dma_semaphore, #tpu.memory_space<semaphore_mem>>)
      %dma_wait3A = arith.constant 0 : i32
      %dma_wait3A_69 = tpu.memref_slice %arg5[%run_scoped3A_47, %dma_wait3A] : memref<10x1024xf32, #tpu.memory_space<vmem>> -> memref<1x1024xf32, #tpu.memory_space<vmem>>
      %dma_wait3A_70 = tpu.memref_squeeze %dma_wait3A_69 : memref<1x1024xf32, #tpu.memory_space<vmem>> -> memref<1024xf32, #tpu.memory_space<vmem>>
      %dma_wait3A_71 = tpu.memref_slice %arg3[%run_scoped3A_48, %select_n3A, %mul3A_39] : memref<10x8x4096xf32, #tpu.memory_space<hbm>> -> memref<1x1x1024xf32, #tpu.memory_space<hbm>>
      %dma_wait3A_72 = tpu.memref_squeeze %dma_wait3A_71 : memref<1x1x1024xf32, #tpu.memory_space<hbm>> -> memref<1024xf32, #tpu.memory_space<hbm>>
      %dma_wait3A_73 = tpu.memref_slice %arg3[%run_scoped3A_48, %select_n3A, %mul3A_39] : memref<10x8x4096xf32, #tpu.memory_space<hbm>> -> memref<1x1x1024xf32, #tpu.memory_space<hbm>>
      %dma_wait3A_74 = tpu.memref_squeeze %dma_wait3A_73 : memref<1x1x1024xf32, #tpu.memory_space<hbm>> -> memref<1024xf32, #tpu.memory_space<hbm>>
      %dma_wait3A_75 = arith.constant 0 : i32
      %dma_wait3A_76 = tpu.memref_slice %arg5[%run_scoped3A_47, %dma_wait3A_75] : memref<10x1024xf32, #tpu.memory_space<vmem>> -> memref<1x1024xf32, #tpu.memory_space<vmem>>
      %dma_wait3A_77 = tpu.memref_squeeze %dma_wait3A_76 : memref<1x1024xf32, #tpu.memory_space<vmem>> -> memref<1024xf32, #tpu.memory_space<vmem>>
      tpu.wait_dma2 semaphore(%run_scoped3A_59 : memref<!tpu.dma_semaphore, #tpu.memory_space<semaphore_mem>>) src(%dma_wait3A_77 : memref<1024xf32, #tpu.memory_space<vmem>>) dst(%dma_wait3A_74 : memref<1024xf32, #tpu.memory_space<hbm>>)
      tpu.yield
    }) : () -> ()
    %run_scoped3A_49 = arith.constant 5 : i32
    %run_scoped3A_50 = arith.constant 5 : i32
    "tpu.region"() ({
      %run_scoped3A_59 = tpu.sem_alloc : memref<!tpu.dma_semaphore, #tpu.memory_space<semaphore_mem>>
      %dma_start3A = arith.constant 0 : i32
      %dma_start3A_60 = tpu.memref_slice %arg5[%run_scoped3A_49, %dma_start3A] : memref<10x1024xf32, #tpu.memory_space<vmem>> -> memref<1x1024xf32, #tpu.memory_space<vmem>>
      %dma_start3A_61 = tpu.memref_squeeze %dma_start3A_60 : memref<1x1024xf32, #tpu.memory_space<vmem>> -> memref<1024xf32, #tpu.memory_space<vmem>>
      %dma_start3A_62 = tpu.memref_slice %arg3[%run_scoped3A_50, %select_n3A, %mul3A_39] : memref<10x8x4096xf32, #tpu.memory_space<hbm>> -> memref<1x1x1024xf32, #tpu.memory_space<hbm>>
      %dma_start3A_63 = tpu.memref_squeeze %dma_start3A_62 : memref<1x1x1024xf32, #tpu.memory_space<hbm>> -> memref<1024xf32, #tpu.memory_space<hbm>>
      %dma_start3A_64 = tpu.memref_slice %arg3[%run_scoped3A_50, %select_n3A, %mul3A_39] : memref<10x8x4096xf32, #tpu.memory_space<hbm>> -> memref<1x1x1024xf32, #tpu.memory_space<hbm>>
      %dma_start3A_65 = tpu.memref_squeeze %dma_start3A_64 : memref<1x1x1024xf32, #tpu.memory_space<hbm>> -> memref<1024xf32, #tpu.memory_space<hbm>>
      %dma_start3A_66 = arith.constant 0 : i32
      %dma_start3A_67 = tpu.memref_slice %arg5[%run_scoped3A_49, %dma_start3A_66] : memref<10x1024xf32, #tpu.memory_space<vmem>> -> memref<1x1024xf32, #tpu.memory_space<vmem>>
      %dma_start3A_68 = tpu.memref_squeeze %dma_start3A_67 : memref<1x1024xf32, #tpu.memory_space<vmem>> -> memref<1024xf32, #tpu.memory_space<vmem>>
      tpu.enqueue_dma source(%dma_start3A_68 : memref<1024xf32, #tpu.memory_space<vmem>>) target(%dma_start3A_65 : memref<1024xf32, #tpu.memory_space<hbm>>) target_semaphore(%run_scoped3A_59 : memref<!tpu.dma_semaphore, #tpu.memory_space<semaphore_mem>>)
      %dma_wait3A = arith.constant 0 : i32
      %dma_wait3A_69 = tpu.memref_slice %arg5[%run_scoped3A_49, %dma_wait3A] : memref<10x1024xf32, #tpu.memory_space<vmem>> -> memref<1x1024xf32, #tpu.memory_space<vmem>>
      %dma_wait3A_70 = tpu.memref_squeeze %dma_wait3A_69 : memref<1x1024xf32, #tpu.memory_space<vmem>> -> memref<1024xf32, #tpu.memory_space<vmem>>
      %dma_wait3A_71 = tpu.memref_slice %arg3[%run_scoped3A_50, %select_n3A, %mul3A_39] : memref<10x8x4096xf32, #tpu.memory_space<hbm>> -> memref<1x1x1024xf32, #tpu.memory_space<hbm>>
      %dma_wait3A_72 = tpu.memref_squeeze %dma_wait3A_71 : memref<1x1x1024xf32, #tpu.memory_space<hbm>> -> memref<1024xf32, #tpu.memory_space<hbm>>
      %dma_wait3A_73 = tpu.memref_slice %arg3[%run_scoped3A_50, %select_n3A, %mul3A_39] : memref<10x8x4096xf32, #tpu.memory_space<hbm>> -> memref<1x1x1024xf32, #tpu.memory_space<hbm>>
      %dma_wait3A_74 = tpu.memref_squeeze %dma_wait3A_73 : memref<1x1x1024xf32, #tpu.memory_space<hbm>> -> memref<1024xf32, #tpu.memory_space<hbm>>
      %dma_wait3A_75 = arith.constant 0 : i32
      %dma_wait3A_76 = tpu.memref_slice %arg5[%run_scoped3A_49, %dma_wait3A_75] : memref<10x1024xf32, #tpu.memory_space<vmem>> -> memref<1x1024xf32, #tpu.memory_space<vmem>>
      %dma_wait3A_77 = tpu.memref_squeeze %dma_wait3A_76 : memref<1x1024xf32, #tpu.memory_space<vmem>> -> memref<1024xf32, #tpu.memory_space<vmem>>
      tpu.wait_dma2 semaphore(%run_scoped3A_59 : memref<!tpu.dma_semaphore, #tpu.memory_space<semaphore_mem>>) src(%dma_wait3A_77 : memref<1024xf32, #tpu.memory_space<vmem>>) dst(%dma_wait3A_74 : memref<1024xf32, #tpu.memory_space<hbm>>)
      tpu.yield
    }) : () -> ()
    %run_scoped3A_51 = arith.constant 6 : i32
    %run_scoped3A_52 = arith.constant 6 : i32
    "tpu.region"() ({
      %run_scoped3A_59 = tpu.sem_alloc : memref<!tpu.dma_semaphore, #tpu.memory_space<semaphore_mem>>
      %dma_start3A = arith.constant 0 : i32
      %dma_start3A_60 = tpu.memref_slice %arg5[%run_scoped3A_51, %dma_start3A] : memref<10x1024xf32, #tpu.memory_space<vmem>> -> memref<1x1024xf32, #tpu.memory_space<vmem>>
      %dma_start3A_61 = tpu.memref_squeeze %dma_start3A_60 : memref<1x1024xf32, #tpu.memory_space<vmem>> -> memref<1024xf32, #tpu.memory_space<vmem>>
      %dma_start3A_62 = tpu.memref_slice %arg3[%run_scoped3A_52, %select_n3A, %mul3A_39] : memref<10x8x4096xf32, #tpu.memory_space<hbm>> -> memref<1x1x1024xf32, #tpu.memory_space<hbm>>
      %dma_start3A_63 = tpu.memref_squeeze %dma_start3A_62 : memref<1x1x1024xf32, #tpu.memory_space<hbm>> -> memref<1024xf32, #tpu.memory_space<hbm>>
      %dma_start3A_64 = tpu.memref_slice %arg3[%run_scoped3A_52, %select_n3A, %mul3A_39] : memref<10x8x4096xf32, #tpu.memory_space<hbm>> -> memref<1x1x1024xf32, #tpu.memory_space<hbm>>
      %dma_start3A_65 = tpu.memref_squeeze %dma_start3A_64 : memref<1x1x1024xf32, #tpu.memory_space<hbm>> -> memref<1024xf32, #tpu.memory_space<hbm>>
      %dma_start3A_66 = arith.constant 0 : i32
      %dma_start3A_67 = tpu.memref_slice %arg5[%run_scoped3A_51, %dma_start3A_66] : memref<10x1024xf32, #tpu.memory_space<vmem>> -> memref<1x1024xf32, #tpu.memory_space<vmem>>
      %dma_start3A_68 = tpu.memref_squeeze %dma_start3A_67 : memref<1x1024xf32, #tpu.memory_space<vmem>> -> memref<1024xf32, #tpu.memory_space<vmem>>
      tpu.enqueue_dma source(%dma_start3A_68 : memref<1024xf32, #tpu.memory_space<vmem>>) target(%dma_start3A_65 : memref<1024xf32, #tpu.memory_space<hbm>>) target_semaphore(%run_scoped3A_59 : memref<!tpu.dma_semaphore, #tpu.memory_space<semaphore_mem>>)
      %dma_wait3A = arith.constant 0 : i32
      %dma_wait3A_69 = tpu.memref_slice %arg5[%run_scoped3A_51, %dma_wait3A] : memref<10x1024xf32, #tpu.memory_space<vmem>> -> memref<1x1024xf32, #tpu.memory_space<vmem>>
      %dma_wait3A_70 = tpu.memref_squeeze %dma_wait3A_69 : memref<1x1024xf32, #tpu.memory_space<vmem>> -> memref<1024xf32, #tpu.memory_space<vmem>>
      %dma_wait3A_71 = tpu.memref_slice %arg3[%run_scoped3A_52, %select_n3A, %mul3A_39] : memref<10x8x4096xf32, #tpu.memory_space<hbm>> -> memref<1x1x1024xf32, #tpu.memory_space<hbm>>
      %dma_wait3A_72 = tpu.memref_squeeze %dma_wait3A_71 : memref<1x1x1024xf32, #tpu.memory_space<hbm>> -> memref<1024xf32, #tpu.memory_space<hbm>>
      %dma_wait3A_73 = tpu.memref_slice %arg3[%run_scoped3A_52, %select_n3A, %mul3A_39] : memref<10x8x4096xf32, #tpu.memory_space<hbm>> -> memref<1x1x1024xf32, #tpu.memory_space<hbm>>
      %dma_wait3A_74 = tpu.memref_squeeze %dma_wait3A_73 : memref<1x1x1024xf32, #tpu.memory_space<hbm>> -> memref<1024xf32, #tpu.memory_space<hbm>>
      %dma_wait3A_75 = arith.constant 0 : i32
      %dma_wait3A_76 = tpu.memref_slice %arg5[%run_scoped3A_51, %dma_wait3A_75] : memref<10x1024xf32, #tpu.memory_space<vmem>> -> memref<1x1024xf32, #tpu.memory_space<vmem>>
      %dma_wait3A_77 = tpu.memref_squeeze %dma_wait3A_76 : memref<1x1024xf32, #tpu.memory_space<vmem>> -> memref<1024xf32, #tpu.memory_space<vmem>>
      tpu.wait_dma2 semaphore(%run_scoped3A_59 : memref<!tpu.dma_semaphore, #tpu.memory_space<semaphore_mem>>) src(%dma_wait3A_77 : memref<1024xf32, #tpu.memory_space<vmem>>) dst(%dma_wait3A_74 : memref<1024xf32, #tpu.memory_space<hbm>>)
      tpu.yield
    }) : () -> ()
    %run_scoped3A_53 = arith.constant 7 : i32
    %run_scoped3A_54 = arith.constant 7 : i32
    "tpu.region"() ({
      %run_scoped3A_59 = tpu.sem_alloc : memref<!tpu.dma_semaphore, #tpu.memory_space<semaphore_mem>>
      %dma_start3A = arith.constant 0 : i32
      %dma_start3A_60 = tpu.memref_slice %arg5[%run_scoped3A_53, %dma_start3A] : memref<10x1024xf32, #tpu.memory_space<vmem>> -> memref<1x1024xf32, #tpu.memory_space<vmem>>
      %dma_start3A_61 = tpu.memref_squeeze %dma_start3A_60 : memref<1x1024xf32, #tpu.memory_space<vmem>> -> memref<1024xf32, #tpu.memory_space<vmem>>
      %dma_start3A_62 = tpu.memref_slice %arg3[%run_scoped3A_54, %select_n3A, %mul3A_39] : memref<10x8x4096xf32, #tpu.memory_space<hbm>> -> memref<1x1x1024xf32, #tpu.memory_space<hbm>>
      %dma_start3A_63 = tpu.memref_squeeze %dma_start3A_62 : memref<1x1x1024xf32, #tpu.memory_space<hbm>> -> memref<1024xf32, #tpu.memory_space<hbm>>
      %dma_start3A_64 = tpu.memref_slice %arg3[%run_scoped3A_54, %select_n3A, %mul3A_39] : memref<10x8x4096xf32, #tpu.memory_space<hbm>> -> memref<1x1x1024xf32, #tpu.memory_space<hbm>>
      %dma_start3A_65 = tpu.memref_squeeze %dma_start3A_64 : memref<1x1x1024xf32, #tpu.memory_space<hbm>> -> memref<1024xf32, #tpu.memory_space<hbm>>
      %dma_start3A_66 = arith.constant 0 : i32
      %dma_start3A_67 = tpu.memref_slice %arg5[%run_scoped3A_53, %dma_start3A_66] : memref<10x1024xf32, #tpu.memory_space<vmem>> -> memref<1x1024xf32, #tpu.memory_space<vmem>>
      %dma_start3A_68 = tpu.memref_squeeze %dma_start3A_67 : memref<1x1024xf32, #tpu.memory_space<vmem>> -> memref<1024xf32, #tpu.memory_space<vmem>>
      tpu.enqueue_dma source(%dma_start3A_68 : memref<1024xf32, #tpu.memory_space<vmem>>) target(%dma_start3A_65 : memref<1024xf32, #tpu.memory_space<hbm>>) target_semaphore(%run_scoped3A_59 : memref<!tpu.dma_semaphore, #tpu.memory_space<semaphore_mem>>)
      %dma_wait3A = arith.constant 0 : i32
      %dma_wait3A_69 = tpu.memref_slice %arg5[%run_scoped3A_53, %dma_wait3A] : memref<10x1024xf32, #tpu.memory_space<vmem>> -> memref<1x1024xf32, #tpu.memory_space<vmem>>
      %dma_wait3A_70 = tpu.memref_squeeze %dma_wait3A_69 : memref<1x1024xf32, #tpu.memory_space<vmem>> -> memref<1024xf32, #tpu.memory_space<vmem>>
      %dma_wait3A_71 = tpu.memref_slice %arg3[%run_scoped3A_54, %select_n3A, %mul3A_39] : memref<10x8x4096xf32, #tpu.memory_space<hbm>> -> memref<1x1x1024xf32, #tpu.memory_space<hbm>>
      %dma_wait3A_72 = tpu.memref_squeeze %dma_wait3A_71 : memref<1x1x1024xf32, #tpu.memory_space<hbm>> -> memref<1024xf32, #tpu.memory_space<hbm>>
      %dma_wait3A_73 = tpu.memref_slice %arg3[%run_scoped3A_54, %select_n3A, %mul3A_39] : memref<10x8x4096xf32, #tpu.memory_space<hbm>> -> memref<1x1x1024xf32, #tpu.memory_space<hbm>>
      %dma_wait3A_74 = tpu.memref_squeeze %dma_wait3A_73 : memref<1x1x1024xf32, #tpu.memory_space<hbm>> -> memref<1024xf32, #tpu.memory_space<hbm>>
      %dma_wait3A_75 = arith.constant 0 : i32
      %dma_wait3A_76 = tpu.memref_slice %arg5[%run_scoped3A_53, %dma_wait3A_75] : memref<10x1024xf32, #tpu.memory_space<vmem>> -> memref<1x1024xf32, #tpu.memory_space<vmem>>
      %dma_wait3A_77 = tpu.memref_squeeze %dma_wait3A_76 : memref<1x1024xf32, #tpu.memory_space<vmem>> -> memref<1024xf32, #tpu.memory_space<vmem>>
      tpu.wait_dma2 semaphore(%run_scoped3A_59 : memref<!tpu.dma_semaphore, #tpu.memory_space<semaphore_mem>>) src(%dma_wait3A_77 : memref<1024xf32, #tpu.memory_space<vmem>>) dst(%dma_wait3A_74 : memref<1024xf32, #tpu.memory_space<hbm>>)
      tpu.yield
    }) : () -> ()
    %run_scoped3A_55 = arith.constant 8 : i32
    %run_scoped3A_56 = arith.constant 8 : i32
    "tpu.region"() ({
      %run_scoped3A_59 = tpu.sem_alloc : memref<!tpu.dma_semaphore, #tpu.memory_space<semaphore_mem>>
      %dma_start3A = arith.constant 0 : i32
      %dma_start3A_60 = tpu.memref_slice %arg5[%run_scoped3A_55, %dma_start3A] : memref<10x1024xf32, #tpu.memory_space<vmem>> -> memref<1x1024xf32, #tpu.memory_space<vmem>>
      %dma_start3A_61 = tpu.memref_squeeze %dma_start3A_60 : memref<1x1024xf32, #tpu.memory_space<vmem>> -> memref<1024xf32, #tpu.memory_space<vmem>>
      %dma_start3A_62 = tpu.memref_slice %arg3[%run_scoped3A_56, %select_n3A, %mul3A_39] : memref<10x8x4096xf32, #tpu.memory_space<hbm>> -> memref<1x1x1024xf32, #tpu.memory_space<hbm>>
      %dma_start3A_63 = tpu.memref_squeeze %dma_start3A_62 : memref<1x1x1024xf32, #tpu.memory_space<hbm>> -> memref<1024xf32, #tpu.memory_space<hbm>>
      %dma_start3A_64 = tpu.memref_slice %arg3[%run_scoped3A_56, %select_n3A, %mul3A_39] : memref<10x8x4096xf32, #tpu.memory_space<hbm>> -> memref<1x1x1024xf32, #tpu.memory_space<hbm>>
      %dma_start3A_65 = tpu.memref_squeeze %dma_start3A_64 : memref<1x1x1024xf32, #tpu.memory_space<hbm>> -> memref<1024xf32, #tpu.memory_space<hbm>>
      %dma_start3A_66 = arith.constant 0 : i32
      %dma_start3A_67 = tpu.memref_slice %arg5[%run_scoped3A_55, %dma_start3A_66] : memref<10x1024xf32, #tpu.memory_space<vmem>> -> memref<1x1024xf32, #tpu.memory_space<vmem>>
      %dma_start3A_68 = tpu.memref_squeeze %dma_start3A_67 : memref<1x1024xf32, #tpu.memory_space<vmem>> -> memref<1024xf32, #tpu.memory_space<vmem>>
      tpu.enqueue_dma source(%dma_start3A_68 : memref<1024xf32, #tpu.memory_space<vmem>>) target(%dma_start3A_65 : memref<1024xf32, #tpu.memory_space<hbm>>) target_semaphore(%run_scoped3A_59 : memref<!tpu.dma_semaphore, #tpu.memory_space<semaphore_mem>>)
      %dma_wait3A = arith.constant 0 : i32
      %dma_wait3A_69 = tpu.memref_slice %arg5[%run_scoped3A_55, %dma_wait3A] : memref<10x1024xf32, #tpu.memory_space<vmem>> -> memref<1x1024xf32, #tpu.memory_space<vmem>>
      %dma_wait3A_70 = tpu.memref_squeeze %dma_wait3A_69 : memref<1x1024xf32, #tpu.memory_space<vmem>> -> memref<1024xf32, #tpu.memory_space<vmem>>
      %dma_wait3A_71 = tpu.memref_slice %arg3[%run_scoped3A_56, %select_n3A, %mul3A_39] : memref<10x8x4096xf32, #tpu.memory_space<hbm>> -> memref<1x1x1024xf32, #tpu.memory_space<hbm>>
      %dma_wait3A_72 = tpu.memref_squeeze %dma_wait3A_71 : memref<1x1x1024xf32, #tpu.memory_space<hbm>> -> memref<1024xf32, #tpu.memory_space<hbm>>
      %dma_wait3A_73 = tpu.memref_slice %arg3[%run_scoped3A_56, %select_n3A, %mul3A_39] : memref<10x8x4096xf32, #tpu.memory_space<hbm>> -> memref<1x1x1024xf32, #tpu.memory_space<hbm>>
      %dma_wait3A_74 = tpu.memref_squeeze %dma_wait3A_73 : memref<1x1x1024xf32, #tpu.memory_space<hbm>> -> memref<1024xf32, #tpu.memory_space<hbm>>
      %dma_wait3A_75 = arith.constant 0 : i32
      %dma_wait3A_76 = tpu.memref_slice %arg5[%run_scoped3A_55, %dma_wait3A_75] : memref<10x1024xf32, #tpu.memory_space<vmem>> -> memref<1x1024xf32, #tpu.memory_space<vmem>>
      %dma_wait3A_77 = tpu.memref_squeeze %dma_wait3A_76 : memref<1x1024xf32, #tpu.memory_space<vmem>> -> memref<1024xf32, #tpu.memory_space<vmem>>
      tpu.wait_dma2 semaphore(%run_scoped3A_59 : memref<!tpu.dma_semaphore, #tpu.memory_space<semaphore_mem>>) src(%dma_wait3A_77 : memref<1024xf32, #tpu.memory_space<vmem>>) dst(%dma_wait3A_74 : memref<1024xf32, #tpu.memory_space<hbm>>)
      tpu.yield
    }) : () -> ()
    %run_scoped3A_57 = arith.constant 9 : i32
    %run_scoped3A_58 = arith.constant 9 : i32
    "tpu.region"() ({
      %run_scoped3A_59 = tpu.sem_alloc : memref<!tpu.dma_semaphore, #tpu.memory_space<semaphore_mem>>
      %dma_start3A = arith.constant 0 : i32
      %dma_start3A_60 = tpu.memref_slice %arg5[%run_scoped3A_57, %dma_start3A] : memref<10x1024xf32, #tpu.memory_space<vmem>> -> memref<1x1024xf32, #tpu.memory_space<vmem>>
      %dma_start3A_61 = tpu.memref_squeeze %dma_start3A_60 : memref<1x1024xf32, #tpu.memory_space<vmem>> -> memref<1024xf32, #tpu.memory_space<vmem>>
      %dma_start3A_62 = tpu.memref_slice %arg3[%run_scoped3A_58, %select_n3A, %mul3A_39] : memref<10x8x4096xf32, #tpu.memory_space<hbm>> -> memref<1x1x1024xf32, #tpu.memory_space<hbm>>
      %dma_start3A_63 = tpu.memref_squeeze %dma_start3A_62 : memref<1x1x1024xf32, #tpu.memory_space<hbm>> -> memref<1024xf32, #tpu.memory_space<hbm>>
      %dma_start3A_64 = tpu.memref_slice %arg3[%run_scoped3A_58, %select_n3A, %mul3A_39] : memref<10x8x4096xf32, #tpu.memory_space<hbm>> -> memref<1x1x1024xf32, #tpu.memory_space<hbm>>
      %dma_start3A_65 = tpu.memref_squeeze %dma_start3A_64 : memref<1x1x1024xf32, #tpu.memory_space<hbm>> -> memref<1024xf32, #tpu.memory_space<hbm>>
      %dma_start3A_66 = arith.constant 0 : i32
      %dma_start3A_67 = tpu.memref_slice %arg5[%run_scoped3A_57, %dma_start3A_66] : memref<10x1024xf32, #tpu.memory_space<vmem>> -> memref<1x1024xf32, #tpu.memory_space<vmem>>
      %dma_start3A_68 = tpu.memref_squeeze %dma_start3A_67 : memref<1x1024xf32, #tpu.memory_space<vmem>> -> memref<1024xf32, #tpu.memory_space<vmem>>
      tpu.enqueue_dma source(%dma_start3A_68 : memref<1024xf32, #tpu.memory_space<vmem>>) target(%dma_start3A_65 : memref<1024xf32, #tpu.memory_space<hbm>>) target_semaphore(%run_scoped3A_59 : memref<!tpu.dma_semaphore, #tpu.memory_space<semaphore_mem>>)
      %dma_wait3A = arith.constant 0 : i32
      %dma_wait3A_69 = tpu.memref_slice %arg5[%run_scoped3A_57, %dma_wait3A] : memref<10x1024xf32, #tpu.memory_space<vmem>> -> memref<1x1024xf32, #tpu.memory_space<vmem>>
      %dma_wait3A_70 = tpu.memref_squeeze %dma_wait3A_69 : memref<1x1024xf32, #tpu.memory_space<vmem>> -> memref<1024xf32, #tpu.memory_space<vmem>>
      %dma_wait3A_71 = tpu.memref_slice %arg3[%run_scoped3A_58, %select_n3A, %mul3A_39] : memref<10x8x4096xf32, #tpu.memory_space<hbm>> -> memref<1x1x1024xf32, #tpu.memory_space<hbm>>
      %dma_wait3A_72 = tpu.memref_squeeze %dma_wait3A_71 : memref<1x1x1024xf32, #tpu.memory_space<hbm>> -> memref<1024xf32, #tpu.memory_space<hbm>>
      %dma_wait3A_73 = tpu.memref_slice %arg3[%run_scoped3A_58, %select_n3A, %mul3A_39] : memref<10x8x4096xf32, #tpu.memory_space<hbm>> -> memref<1x1x1024xf32, #tpu.memory_space<hbm>>
      %dma_wait3A_74 = tpu.memref_squeeze %dma_wait3A_73 : memref<1x1x1024xf32, #tpu.memory_space<hbm>> -> memref<1024xf32, #tpu.memory_space<hbm>>
      %dma_wait3A_75 = arith.constant 0 : i32
      %dma_wait3A_76 = tpu.memref_slice %arg5[%run_scoped3A_57, %dma_wait3A_75] : memref<10x1024xf32, #tpu.memory_space<vmem>> -> memref<1x1024xf32, #tpu.memory_space<vmem>>
      %dma_wait3A_77 = tpu.memref_squeeze %dma_wait3A_76 : memref<1x1024xf32, #tpu.memory_space<vmem>> -> memref<1024xf32, #tpu.memory_space<vmem>>
      tpu.wait_dma2 semaphore(%run_scoped3A_59 : memref<!tpu.dma_semaphore, #tpu.memory_space<semaphore_mem>>) src(%dma_wait3A_77 : memref<1024xf32, #tpu.memory_space<vmem>>) dst(%dma_wait3A_74 : memref<1024xf32, #tpu.memory_space<hbm>>)
      tpu.yield
    }) : () -> ()
    return
  }
}

#map = affine_map<(d0, d1) -> (0, 0)>
#map1 = affine_map<(d0, d1) -> (0)>
module attributes {stable_mosaic.version = 14 : i64} {
  func.func @_sc_untranspose_body(%arg0: i32, %arg1: i32, %arg2: memref<8x4096xi32, #tpu.memory_space<hbm>>, %arg3: memref<327680xf32, #tpu.memory_space<hbm>>, %arg4: memref<32768xi32, #tpu.memory_space<hbm>>, %arg5: memref<1024xi32, #tpu.memory_space<vmem>>, %arg6: memref<10240xf32, #tpu.memory_space<vmem>>) attributes {dimension_semantics = [#tpu.dimension_semantics<core_parallel>, #tpu.dimension_semantics<subcore_parallel>], iteration_bounds = array<i64: 2, 16>, scalar_prefetch = 0 : i64, scratch_operands = 2 : i64, tpu.core_type = #tpu.core_type<sc_vector_subcore>, window_params = [{transform_indices = #map}, {transform_indices = #map1}, {transform_indices = #map1}]} {
    %mul3A = arith.constant 2 : i32
    %mul3A_0 = arith.muli %arg1, %mul3A : i32
    %add3A = arith.addi %mul3A_0, %arg0 : i32
    %jit3A = arith.constant 4 : i32
    %div3A = arith.divsi %add3A, %jit3A : i32
    %sign3A = arith.constant 0 : i32
    %sign3A_1 = arith.cmpi sgt, %add3A, %sign3A : i32
    %sign3A_2 = arith.extui %sign3A_1 : i1 to i32
    %sign3A_3 = arith.constant 0 : i32
    %sign3A_4 = arith.cmpi slt, %add3A, %sign3A_3 : i32
    %sign3A_5 = arith.extui %sign3A_4 : i1 to i32
    %sign3A_6 = arith.subi %sign3A_2, %sign3A_5 : i32
    %sign3A_7 = arith.constant 0 : i32
    %sign3A_8 = arith.cmpi sgt, %jit3A, %sign3A_7 : i32
    %sign3A_9 = arith.extui %sign3A_8 : i1 to i32
    %sign3A_10 = arith.constant 0 : i32
    %sign3A_11 = arith.cmpi slt, %jit3A, %sign3A_10 : i32
    %sign3A_12 = arith.extui %sign3A_11 : i1 to i32
    %sign3A_13 = arith.subi %sign3A_9, %sign3A_12 : i32
    %ne3A = arith.cmpi ne, %sign3A_6, %sign3A_13 : i32
    %rem3A = arith.remsi %add3A, %jit3A : i32
    %ne3A_14 = arith.constant 0 : i32
    %ne3A_15 = arith.cmpi ne, %rem3A, %ne3A_14 : i32
    %and3A = arith.andi %ne3A, %ne3A_15 : i1
    %sub3A = arith.constant 1 : i32
    %sub3A_16 = arith.subi %div3A, %sub3A : i32
    %select_n3A = arith.select %and3A, %sub3A_16, %div3A : i32
    %jit3A_17 = arith.constant 4 : i32
    %eq3A = arith.constant 0 : i32
    %eq3A_18 = arith.cmpi eq, %jit3A_17, %eq3A : i32
    %jit3A_19 = arith.constant 1 : i32
    %select_n3A_20 = arith.select %eq3A_18, %jit3A_19, %jit3A_17 : i32
    %rem3A_21 = arith.remsi %add3A, %select_n3A_20 : i32
    %ne3A_22 = arith.constant 0 : i32
    %ne3A_23 = arith.cmpi ne, %rem3A_21, %ne3A_22 : i32
    %lt3A = arith.constant 0 : i32
    %lt3A_24 = arith.cmpi slt, %rem3A_21, %lt3A : i32
    %lt3A_25 = arith.constant 0 : i32
    %lt3A_26 = arith.cmpi slt, %select_n3A_20, %lt3A_25 : i32
    %ne3A_27 = arith.xori %lt3A_24, %lt3A_26 : i1
    %and3A_28 = arith.andi %ne3A_27, %ne3A_23 : i1
    %add3A_29 = arith.addi %rem3A_21, %select_n3A_20 : i32
    %select_n3A_30 = arith.select %and3A_28, %add3A_29, %rem3A_21 : i32
    %mul3A_31 = arith.constant 1024 : i32
    %mul3A_32 = arith.muli %select_n3A_30, %mul3A_31 : i32
    "tpu.region"() ({
      %run_scoped3A = tpu.sem_alloc : memref<!tpu.dma_semaphore, #tpu.memory_space<semaphore_mem>>
      %dma_start3A = tpu.memref_slice %arg2[%select_n3A, %mul3A_32] : memref<8x4096xi32, #tpu.memory_space<hbm>> -> memref<1x1024xi32, #tpu.memory_space<hbm>>
      %dma_start3A_42 = tpu.memref_squeeze %dma_start3A : memref<1x1024xi32, #tpu.memory_space<hbm>> -> memref<1024xi32, #tpu.memory_space<hbm>>
      %dma_start3A_43 = tpu.memref_slice %arg2[%select_n3A, %mul3A_32] : memref<8x4096xi32, #tpu.memory_space<hbm>> -> memref<1x1024xi32, #tpu.memory_space<hbm>>
      %dma_start3A_44 = tpu.memref_squeeze %dma_start3A_43 : memref<1x1024xi32, #tpu.memory_space<hbm>> -> memref<1024xi32, #tpu.memory_space<hbm>>
      tpu.enqueue_dma source(%dma_start3A_44 : memref<1024xi32, #tpu.memory_space<hbm>>) target(%arg5 : memref<1024xi32, #tpu.memory_space<vmem>>) target_semaphore(%run_scoped3A : memref<!tpu.dma_semaphore, #tpu.memory_space<semaphore_mem>>)
      %dma_wait3A = tpu.memref_slice %arg2[%select_n3A, %mul3A_32] : memref<8x4096xi32, #tpu.memory_space<hbm>> -> memref<1x1024xi32, #tpu.memory_space<hbm>>
      %dma_wait3A_45 = tpu.memref_squeeze %dma_wait3A : memref<1x1024xi32, #tpu.memory_space<hbm>> -> memref<1024xi32, #tpu.memory_space<hbm>>
      %dma_wait3A_46 = tpu.memref_slice %arg2[%select_n3A, %mul3A_32] : memref<8x4096xi32, #tpu.memory_space<hbm>> -> memref<1x1024xi32, #tpu.memory_space<hbm>>
      %dma_wait3A_47 = tpu.memref_squeeze %dma_wait3A_46 : memref<1x1024xi32, #tpu.memory_space<hbm>> -> memref<1024xi32, #tpu.memory_space<hbm>>
      tpu.wait_dma2 semaphore(%run_scoped3A : memref<!tpu.dma_semaphore, #tpu.memory_space<semaphore_mem>>) src(%dma_wait3A_47 : memref<1024xi32, #tpu.memory_space<hbm>>) dst(%arg5 : memref<1024xi32, #tpu.memory_space<vmem>>)
      tpu.yield
    }) : () -> ()
    %iota3A = tpu.iota {dimensions = array<i32: 0>} : vector<16xi32>
    %scan3A = arith.constant 0 : i32
    %scan3A_33 = arith.constant 0 : i32
    %scan3A_34 = arith.constant 32 : i32
    %scan3A_35 = arith.addi %scan3A_33, %scan3A_34 : i32
    %scan3A_36 = arith.constant 1 : i32
    scf.for %scan3A_42 = %scan3A_33 to %scan3A_35 step %scan3A_36  : i32 {
      %mul3A_43 = arith.constant 2 : i32
      %mul3A_44 = arith.muli %scan3A_42, %mul3A_43 : i32
      %add3A_45 = arith.constant 0 : i32
      %add3A_46 = arith.addi %mul3A_44, %add3A_45 : i32
      %mul3A_47 = arith.constant 16 : i32
      %mul3A_48 = arith.muli %add3A_46, %mul3A_47 : i32
      %add3A_49 = vector.broadcast %mul3A_48 : i32 to vector<16xi32>
      %add3A_50 = arith.addi %add3A_49, %iota3A : vector<16xi32>
      %mul3A_51 = arith.constant 10 : i32
      %mul3A_52 = vector.broadcast %mul3A_51 : i32 to vector<16xi32>
      %mul3A_53 = arith.muli %add3A_50, %mul3A_52 : vector<16xi32>
      %mul3A_54 = arith.constant 16 : i32
      %mul3A_55 = arith.muli %add3A_46, %mul3A_54 : i32
      %get3A = arith.index_cast %mul3A_55 : i32 to index
      %get3A_56 = tpu.vector_load %arg5[%get3A] {strides = array<i32>} : memref<1024xi32, #tpu.memory_space<vmem>>, vector<16xi32>,
      %shift_right_logical3A = arith.constant 9 : i32
      %shift_right_logical3A_57 = vector.broadcast %shift_right_logical3A : i32 to vector<16xi32>
      %shift_right_logical3A_58 = arith.shrui %get3A_56, %shift_right_logical3A_57 : vector<16xi32>
      %and3A_59 = arith.constant 1 : i32
      %and3A_60 = vector.broadcast %and3A_59 : i32 to vector<16xi32>
      %and3A_61 = arith.andi %shift_right_logical3A_58, %and3A_60 : vector<16xi32>
      %add3A_62 = arith.constant 0 : i32
      %add3A_63 = vector.broadcast %add3A_62 : i32 to vector<16xi32>
      %add3A_64 = arith.addi %mul3A_53, %add3A_63 : vector<16xi32>
      %convert_element_type3A = arith.sitofp %and3A_61 : vector<16xi32> to vector<16xf32>
      tpu.vector_store_idx %arg6[%add3A_64], %convert_element_type3A : memref<10240xf32, #tpu.memory_space<vmem>>[vector<16xi32>], vector<16xf32>,
      %shift_right_logical3A_65 = arith.constant 8 : i32
      %shift_right_logical3A_66 = vector.broadcast %shift_right_logical3A_65 : i32 to vector<16xi32>
      %shift_right_logical3A_67 = arith.shrui %get3A_56, %shift_right_logical3A_66 : vector<16xi32>
      %and3A_68 = arith.constant 1 : i32
      %and3A_69 = vector.broadcast %and3A_68 : i32 to vector<16xi32>
      %and3A_70 = arith.andi %shift_right_logical3A_67, %and3A_69 : vector<16xi32>
      %add3A_71 = arith.constant 1 : i32
      %add3A_72 = vector.broadcast %add3A_71 : i32 to vector<16xi32>
      %add3A_73 = arith.addi %mul3A_53, %add3A_72 : vector<16xi32>
      %convert_element_type3A_74 = arith.sitofp %and3A_70 : vector<16xi32> to vector<16xf32>
      tpu.vector_store_idx %arg6[%add3A_73], %convert_element_type3A_74 : memref<10240xf32, #tpu.memory_space<vmem>>[vector<16xi32>], vector<16xf32>,
      %shift_right_logical3A_75 = arith.constant 7 : i32
      %shift_right_logical3A_76 = vector.broadcast %shift_right_logical3A_75 : i32 to vector<16xi32>
      %shift_right_logical3A_77 = arith.shrui %get3A_56, %shift_right_logical3A_76 : vector<16xi32>
      %and3A_78 = arith.constant 1 : i32
      %and3A_79 = vector.broadcast %and3A_78 : i32 to vector<16xi32>
      %and3A_80 = arith.andi %shift_right_logical3A_77, %and3A_79 : vector<16xi32>
      %add3A_81 = arith.constant 2 : i32
      %add3A_82 = vector.broadcast %add3A_81 : i32 to vector<16xi32>
      %add3A_83 = arith.addi %mul3A_53, %add3A_82 : vector<16xi32>
      %convert_element_type3A_84 = arith.sitofp %and3A_80 : vector<16xi32> to vector<16xf32>
      tpu.vector_store_idx %arg6[%add3A_83], %convert_element_type3A_84 : memref<10240xf32, #tpu.memory_space<vmem>>[vector<16xi32>], vector<16xf32>,
      %shift_right_logical3A_85 = arith.constant 6 : i32
      %shift_right_logical3A_86 = vector.broadcast %shift_right_logical3A_85 : i32 to vector<16xi32>
      %shift_right_logical3A_87 = arith.shrui %get3A_56, %shift_right_logical3A_86 : vector<16xi32>
      %and3A_88 = arith.constant 1 : i32
      %and3A_89 = vector.broadcast %and3A_88 : i32 to vector<16xi32>
      %and3A_90 = arith.andi %shift_right_logical3A_87, %and3A_89 : vector<16xi32>
      %add3A_91 = arith.constant 3 : i32
      %add3A_92 = vector.broadcast %add3A_91 : i32 to vector<16xi32>
      %add3A_93 = arith.addi %mul3A_53, %add3A_92 : vector<16xi32>
      %convert_element_type3A_94 = arith.sitofp %and3A_90 : vector<16xi32> to vector<16xf32>
      tpu.vector_store_idx %arg6[%add3A_93], %convert_element_type3A_94 : memref<10240xf32, #tpu.memory_space<vmem>>[vector<16xi32>], vector<16xf32>,
      %shift_right_logical3A_95 = arith.constant 5 : i32
      %shift_right_logical3A_96 = vector.broadcast %shift_right_logical3A_95 : i32 to vector<16xi32>
      %shift_right_logical3A_97 = arith.shrui %get3A_56, %shift_right_logical3A_96 : vector<16xi32>
      %and3A_98 = arith.constant 1 : i32
      %and3A_99 = vector.broadcast %and3A_98 : i32 to vector<16xi32>
      %and3A_100 = arith.andi %shift_right_logical3A_97, %and3A_99 : vector<16xi32>
      %add3A_101 = arith.constant 4 : i32
      %add3A_102 = vector.broadcast %add3A_101 : i32 to vector<16xi32>
      %add3A_103 = arith.addi %mul3A_53, %add3A_102 : vector<16xi32>
      %convert_element_type3A_104 = arith.sitofp %and3A_100 : vector<16xi32> to vector<16xf32>
      tpu.vector_store_idx %arg6[%add3A_103], %convert_element_type3A_104 : memref<10240xf32, #tpu.memory_space<vmem>>[vector<16xi32>], vector<16xf32>,
      %shift_right_logical3A_105 = arith.constant 4 : i32
      %shift_right_logical3A_106 = vector.broadcast %shift_right_logical3A_105 : i32 to vector<16xi32>
      %shift_right_logical3A_107 = arith.shrui %get3A_56, %shift_right_logical3A_106 : vector<16xi32>
      %and3A_108 = arith.constant 1 : i32
      %and3A_109 = vector.broadcast %and3A_108 : i32 to vector<16xi32>
      %and3A_110 = arith.andi %shift_right_logical3A_107, %and3A_109 : vector<16xi32>
      %add3A_111 = arith.constant 5 : i32
      %add3A_112 = vector.broadcast %add3A_111 : i32 to vector<16xi32>
      %add3A_113 = arith.addi %mul3A_53, %add3A_112 : vector<16xi32>
      %convert_element_type3A_114 = arith.sitofp %and3A_110 : vector<16xi32> to vector<16xf32>
      tpu.vector_store_idx %arg6[%add3A_113], %convert_element_type3A_114 : memref<10240xf32, #tpu.memory_space<vmem>>[vector<16xi32>], vector<16xf32>,
      %shift_right_logical3A_115 = arith.constant 3 : i32
      %shift_right_logical3A_116 = vector.broadcast %shift_right_logical3A_115 : i32 to vector<16xi32>
      %shift_right_logical3A_117 = arith.shrui %get3A_56, %shift_right_logical3A_116 : vector<16xi32>
      %and3A_118 = arith.constant 1 : i32
      %and3A_119 = vector.broadcast %and3A_118 : i32 to vector<16xi32>
      %and3A_120 = arith.andi %shift_right_logical3A_117, %and3A_119 : vector<16xi32>
      %add3A_121 = arith.constant 6 : i32
      %add3A_122 = vector.broadcast %add3A_121 : i32 to vector<16xi32>
      %add3A_123 = arith.addi %mul3A_53, %add3A_122 : vector<16xi32>
      %convert_element_type3A_124 = arith.sitofp %and3A_120 : vector<16xi32> to vector<16xf32>
      tpu.vector_store_idx %arg6[%add3A_123], %convert_element_type3A_124 : memref<10240xf32, #tpu.memory_space<vmem>>[vector<16xi32>], vector<16xf32>,
      %shift_right_logical3A_125 = arith.constant 2 : i32
      %shift_right_logical3A_126 = vector.broadcast %shift_right_logical3A_125 : i32 to vector<16xi32>
      %shift_right_logical3A_127 = arith.shrui %get3A_56, %shift_right_logical3A_126 : vector<16xi32>
      %and3A_128 = arith.constant 1 : i32
      %and3A_129 = vector.broadcast %and3A_128 : i32 to vector<16xi32>
      %and3A_130 = arith.andi %shift_right_logical3A_127, %and3A_129 : vector<16xi32>
      %add3A_131 = arith.constant 7 : i32
      %add3A_132 = vector.broadcast %add3A_131 : i32 to vector<16xi32>
      %add3A_133 = arith.addi %mul3A_53, %add3A_132 : vector<16xi32>
      %convert_element_type3A_134 = arith.sitofp %and3A_130 : vector<16xi32> to vector<16xf32>
      tpu.vector_store_idx %arg6[%add3A_133], %convert_element_type3A_134 : memref<10240xf32, #tpu.memory_space<vmem>>[vector<16xi32>], vector<16xf32>,
      %shift_right_logical3A_135 = arith.constant 1 : i32
      %shift_right_logical3A_136 = vector.broadcast %shift_right_logical3A_135 : i32 to vector<16xi32>
      %shift_right_logical3A_137 = arith.shrui %get3A_56, %shift_right_logical3A_136 : vector<16xi32>
      %and3A_138 = arith.constant 1 : i32
      %and3A_139 = vector.broadcast %and3A_138 : i32 to vector<16xi32>
      %and3A_140 = arith.andi %shift_right_logical3A_137, %and3A_139 : vector<16xi32>
      %add3A_141 = arith.constant 8 : i32
      %add3A_142 = vector.broadcast %add3A_141 : i32 to vector<16xi32>
      %add3A_143 = arith.addi %mul3A_53, %add3A_142 : vector<16xi32>
      %convert_element_type3A_144 = arith.sitofp %and3A_140 : vector<16xi32> to vector<16xf32>
      tpu.vector_store_idx %arg6[%add3A_143], %convert_element_type3A_144 : memref<10240xf32, #tpu.memory_space<vmem>>[vector<16xi32>], vector<16xf32>,
      %shift_right_logical3A_145 = arith.constant 0 : i32
      %shift_right_logical3A_146 = vector.broadcast %shift_right_logical3A_145 : i32 to vector<16xi32>
      %shift_right_logical3A_147 = arith.shrui %get3A_56, %shift_right_logical3A_146 : vector<16xi32>
      %and3A_148 = arith.constant 1 : i32
      %and3A_149 = vector.broadcast %and3A_148 : i32 to vector<16xi32>
      %and3A_150 = arith.andi %shift_right_logical3A_147, %and3A_149 : vector<16xi32>
      %add3A_151 = arith.constant 9 : i32
      %add3A_152 = vector.broadcast %add3A_151 : i32 to vector<16xi32>
      %add3A_153 = arith.addi %mul3A_53, %add3A_152 : vector<16xi32>
      %convert_element_type3A_154 = arith.sitofp %and3A_150 : vector<16xi32> to vector<16xf32>
      tpu.vector_store_idx %arg6[%add3A_153], %convert_element_type3A_154 : memref<10240xf32, #tpu.memory_space<vmem>>[vector<16xi32>], vector<16xf32>,
      %mul3A_155 = arith.constant 2 : i32
      %mul3A_156 = arith.muli %scan3A_42, %mul3A_155 : i32
      %add3A_157 = arith.constant 1 : i32
      %add3A_158 = arith.addi %mul3A_156, %add3A_157 : i32
      %mul3A_159 = arith.constant 16 : i32
      %mul3A_160 = arith.muli %add3A_158, %mul3A_159 : i32
      %add3A_161 = vector.broadcast %mul3A_160 : i32 to vector<16xi32>
      %add3A_162 = arith.addi %add3A_161, %iota3A : vector<16xi32>
      %mul3A_163 = arith.constant 10 : i32
      %mul3A_164 = vector.broadcast %mul3A_163 : i32 to vector<16xi32>
      %mul3A_165 = arith.muli %add3A_162, %mul3A_164 : vector<16xi32>
      %mul3A_166 = arith.constant 16 : i32
      %mul3A_167 = arith.muli %add3A_158, %mul3A_166 : i32
      %get3A_168 = arith.index_cast %mul3A_167 : i32 to index
      %get3A_169 = tpu.vector_load %arg5[%get3A_168] {strides = array<i32>} : memref<1024xi32, #tpu.memory_space<vmem>>, vector<16xi32>,
      %shift_right_logical3A_170 = arith.constant 9 : i32
      %shift_right_logical3A_171 = vector.broadcast %shift_right_logical3A_170 : i32 to vector<16xi32>
      %shift_right_logical3A_172 = arith.shrui %get3A_169, %shift_right_logical3A_171 : vector<16xi32>
      %and3A_173 = arith.constant 1 : i32
      %and3A_174 = vector.broadcast %and3A_173 : i32 to vector<16xi32>
      %and3A_175 = arith.andi %shift_right_logical3A_172, %and3A_174 : vector<16xi32>
      %add3A_176 = arith.constant 0 : i32
      %add3A_177 = vector.broadcast %add3A_176 : i32 to vector<16xi32>
      %add3A_178 = arith.addi %mul3A_165, %add3A_177 : vector<16xi32>
      %convert_element_type3A_179 = arith.sitofp %and3A_175 : vector<16xi32> to vector<16xf32>
      tpu.vector_store_idx %arg6[%add3A_178], %convert_element_type3A_179 : memref<10240xf32, #tpu.memory_space<vmem>>[vector<16xi32>], vector<16xf32>,
      %shift_right_logical3A_180 = arith.constant 8 : i32
      %shift_right_logical3A_181 = vector.broadcast %shift_right_logical3A_180 : i32 to vector<16xi32>
      %shift_right_logical3A_182 = arith.shrui %get3A_169, %shift_right_logical3A_181 : vector<16xi32>
      %and3A_183 = arith.constant 1 : i32
      %and3A_184 = vector.broadcast %and3A_183 : i32 to vector<16xi32>
      %and3A_185 = arith.andi %shift_right_logical3A_182, %and3A_184 : vector<16xi32>
      %add3A_186 = arith.constant 1 : i32
      %add3A_187 = vector.broadcast %add3A_186 : i32 to vector<16xi32>
      %add3A_188 = arith.addi %mul3A_165, %add3A_187 : vector<16xi32>
      %convert_element_type3A_189 = arith.sitofp %and3A_185 : vector<16xi32> to vector<16xf32>
      tpu.vector_store_idx %arg6[%add3A_188], %convert_element_type3A_189 : memref<10240xf32, #tpu.memory_space<vmem>>[vector<16xi32>], vector<16xf32>,
      %shift_right_logical3A_190 = arith.constant 7 : i32
      %shift_right_logical3A_191 = vector.broadcast %shift_right_logical3A_190 : i32 to vector<16xi32>
      %shift_right_logical3A_192 = arith.shrui %get3A_169, %shift_right_logical3A_191 : vector<16xi32>
      %and3A_193 = arith.constant 1 : i32
      %and3A_194 = vector.broadcast %and3A_193 : i32 to vector<16xi32>
      %and3A_195 = arith.andi %shift_right_logical3A_192, %and3A_194 : vector<16xi32>
      %add3A_196 = arith.constant 2 : i32
      %add3A_197 = vector.broadcast %add3A_196 : i32 to vector<16xi32>
      %add3A_198 = arith.addi %mul3A_165, %add3A_197 : vector<16xi32>
      %convert_element_type3A_199 = arith.sitofp %and3A_195 : vector<16xi32> to vector<16xf32>
      tpu.vector_store_idx %arg6[%add3A_198], %convert_element_type3A_199 : memref<10240xf32, #tpu.memory_space<vmem>>[vector<16xi32>], vector<16xf32>,
      %shift_right_logical3A_200 = arith.constant 6 : i32
      %shift_right_logical3A_201 = vector.broadcast %shift_right_logical3A_200 : i32 to vector<16xi32>
      %shift_right_logical3A_202 = arith.shrui %get3A_169, %shift_right_logical3A_201 : vector<16xi32>
      %and3A_203 = arith.constant 1 : i32
      %and3A_204 = vector.broadcast %and3A_203 : i32 to vector<16xi32>
      %and3A_205 = arith.andi %shift_right_logical3A_202, %and3A_204 : vector<16xi32>
      %add3A_206 = arith.constant 3 : i32
      %add3A_207 = vector.broadcast %add3A_206 : i32 to vector<16xi32>
      %add3A_208 = arith.addi %mul3A_165, %add3A_207 : vector<16xi32>
      %convert_element_type3A_209 = arith.sitofp %and3A_205 : vector<16xi32> to vector<16xf32>
      tpu.vector_store_idx %arg6[%add3A_208], %convert_element_type3A_209 : memref<10240xf32, #tpu.memory_space<vmem>>[vector<16xi32>], vector<16xf32>,
      %shift_right_logical3A_210 = arith.constant 5 : i32
      %shift_right_logical3A_211 = vector.broadcast %shift_right_logical3A_210 : i32 to vector<16xi32>
      %shift_right_logical3A_212 = arith.shrui %get3A_169, %shift_right_logical3A_211 : vector<16xi32>
      %and3A_213 = arith.constant 1 : i32
      %and3A_214 = vector.broadcast %and3A_213 : i32 to vector<16xi32>
      %and3A_215 = arith.andi %shift_right_logical3A_212, %and3A_214 : vector<16xi32>
      %add3A_216 = arith.constant 4 : i32
      %add3A_217 = vector.broadcast %add3A_216 : i32 to vector<16xi32>
      %add3A_218 = arith.addi %mul3A_165, %add3A_217 : vector<16xi32>
      %convert_element_type3A_219 = arith.sitofp %and3A_215 : vector<16xi32> to vector<16xf32>
      tpu.vector_store_idx %arg6[%add3A_218], %convert_element_type3A_219 : memref<10240xf32, #tpu.memory_space<vmem>>[vector<16xi32>], vector<16xf32>,
      %shift_right_logical3A_220 = arith.constant 4 : i32
      %shift_right_logical3A_221 = vector.broadcast %shift_right_logical3A_220 : i32 to vector<16xi32>
      %shift_right_logical3A_222 = arith.shrui %get3A_169, %shift_right_logical3A_221 : vector<16xi32>
      %and3A_223 = arith.constant 1 : i32
      %and3A_224 = vector.broadcast %and3A_223 : i32 to vector<16xi32>
      %and3A_225 = arith.andi %shift_right_logical3A_222, %and3A_224 : vector<16xi32>
      %add3A_226 = arith.constant 5 : i32
      %add3A_227 = vector.broadcast %add3A_226 : i32 to vector<16xi32>
      %add3A_228 = arith.addi %mul3A_165, %add3A_227 : vector<16xi32>
      %convert_element_type3A_229 = arith.sitofp %and3A_225 : vector<16xi32> to vector<16xf32>
      tpu.vector_store_idx %arg6[%add3A_228], %convert_element_type3A_229 : memref<10240xf32, #tpu.memory_space<vmem>>[vector<16xi32>], vector<16xf32>,
      %shift_right_logical3A_230 = arith.constant 3 : i32
      %shift_right_logical3A_231 = vector.broadcast %shift_right_logical3A_230 : i32 to vector<16xi32>
      %shift_right_logical3A_232 = arith.shrui %get3A_169, %shift_right_logical3A_231 : vector<16xi32>
      %and3A_233 = arith.constant 1 : i32
      %and3A_234 = vector.broadcast %and3A_233 : i32 to vector<16xi32>
      %and3A_235 = arith.andi %shift_right_logical3A_232, %and3A_234 : vector<16xi32>
      %add3A_236 = arith.constant 6 : i32
      %add3A_237 = vector.broadcast %add3A_236 : i32 to vector<16xi32>
      %add3A_238 = arith.addi %mul3A_165, %add3A_237 : vector<16xi32>
      %convert_element_type3A_239 = arith.sitofp %and3A_235 : vector<16xi32> to vector<16xf32>
      tpu.vector_store_idx %arg6[%add3A_238], %convert_element_type3A_239 : memref<10240xf32, #tpu.memory_space<vmem>>[vector<16xi32>], vector<16xf32>,
      %shift_right_logical3A_240 = arith.constant 2 : i32
      %shift_right_logical3A_241 = vector.broadcast %shift_right_logical3A_240 : i32 to vector<16xi32>
      %shift_right_logical3A_242 = arith.shrui %get3A_169, %shift_right_logical3A_241 : vector<16xi32>
      %and3A_243 = arith.constant 1 : i32
      %and3A_244 = vector.broadcast %and3A_243 : i32 to vector<16xi32>
      %and3A_245 = arith.andi %shift_right_logical3A_242, %and3A_244 : vector<16xi32>
      %add3A_246 = arith.constant 7 : i32
      %add3A_247 = vector.broadcast %add3A_246 : i32 to vector<16xi32>
      %add3A_248 = arith.addi %mul3A_165, %add3A_247 : vector<16xi32>
      %convert_element_type3A_249 = arith.sitofp %and3A_245 : vector<16xi32> to vector<16xf32>
      tpu.vector_store_idx %arg6[%add3A_248], %convert_element_type3A_249 : memref<10240xf32, #tpu.memory_space<vmem>>[vector<16xi32>], vector<16xf32>,
      %shift_right_logical3A_250 = arith.constant 1 : i32
      %shift_right_logical3A_251 = vector.broadcast %shift_right_logical3A_250 : i32 to vector<16xi32>
      %shift_right_logical3A_252 = arith.shrui %get3A_169, %shift_right_logical3A_251 : vector<16xi32>
      %and3A_253 = arith.constant 1 : i32
      %and3A_254 = vector.broadcast %and3A_253 : i32 to vector<16xi32>
      %and3A_255 = arith.andi %shift_right_logical3A_252, %and3A_254 : vector<16xi32>
      %add3A_256 = arith.constant 8 : i32
      %add3A_257 = vector.broadcast %add3A_256 : i32 to vector<16xi32>
      %add3A_258 = arith.addi %mul3A_165, %add3A_257 : vector<16xi32>
      %convert_element_type3A_259 = arith.sitofp %and3A_255 : vector<16xi32> to vector<16xf32>
      tpu.vector_store_idx %arg6[%add3A_258], %convert_element_type3A_259 : memref<10240xf32, #tpu.memory_space<vmem>>[vector<16xi32>], vector<16xf32>,
      %shift_right_logical3A_260 = arith.constant 0 : i32
      %shift_right_logical3A_261 = vector.broadcast %shift_right_logical3A_260 : i32 to vector<16xi32>
      %shift_right_logical3A_262 = arith.shrui %get3A_169, %shift_right_logical3A_261 : vector<16xi32>
      %and3A_263 = arith.constant 1 : i32
      %and3A_264 = vector.broadcast %and3A_263 : i32 to vector<16xi32>
      %and3A_265 = arith.andi %shift_right_logical3A_262, %and3A_264 : vector<16xi32>
      %add3A_266 = arith.constant 9 : i32
      %add3A_267 = vector.broadcast %add3A_266 : i32 to vector<16xi32>
      %add3A_268 = arith.addi %mul3A_165, %add3A_267 : vector<16xi32>
      %convert_element_type3A_269 = arith.sitofp %and3A_265 : vector<16xi32> to vector<16xf32>
      tpu.vector_store_idx %arg6[%add3A_268], %convert_element_type3A_269 : memref<10240xf32, #tpu.memory_space<vmem>>[vector<16xi32>], vector<16xf32>,
    }
    %scan3A_37 = arith.constant 32 : i32
    %mul3A_38 = arith.constant 10240 : i32
    %mul3A_39 = arith.muli %add3A, %mul3A_38 : i32
    "tpu.region"() ({
      %run_scoped3A = tpu.sem_alloc : memref<!tpu.dma_semaphore, #tpu.memory_space<semaphore_mem>>
      %dma_start3A = tpu.memref_slice %arg3[%mul3A_39] : memref<327680xf32, #tpu.memory_space<hbm>> -> memref<10240xf32, #tpu.memory_space<hbm>>
      %dma_start3A_42 = tpu.memref_slice %arg3[%mul3A_39] : memref<327680xf32, #tpu.memory_space<hbm>> -> memref<10240xf32, #tpu.memory_space<hbm>>
      tpu.enqueue_dma source(%arg6 : memref<10240xf32, #tpu.memory_space<vmem>>) target(%dma_start3A_42 : memref<10240xf32, #tpu.memory_space<hbm>>) target_semaphore(%run_scoped3A : memref<!tpu.dma_semaphore, #tpu.memory_space<semaphore_mem>>)
      %dma_wait3A = tpu.memref_slice %arg3[%mul3A_39] : memref<327680xf32, #tpu.memory_space<hbm>> -> memref<10240xf32, #tpu.memory_space<hbm>>
      %dma_wait3A_43 = tpu.memref_slice %arg3[%mul3A_39] : memref<327680xf32, #tpu.memory_space<hbm>> -> memref<10240xf32, #tpu.memory_space<hbm>>
      tpu.wait_dma2 semaphore(%run_scoped3A : memref<!tpu.dma_semaphore, #tpu.memory_space<semaphore_mem>>) src(%arg6 : memref<10240xf32, #tpu.memory_space<vmem>>) dst(%dma_wait3A_43 : memref<10240xf32, #tpu.memory_space<hbm>>)
      tpu.yield
    }) : () -> ()
    %mul3A_40 = arith.constant 1024 : i32
    %mul3A_41 = arith.muli %add3A, %mul3A_40 : i32
    "tpu.region"() ({
      %run_scoped3A = tpu.sem_alloc : memref<!tpu.dma_semaphore, #tpu.memory_space<semaphore_mem>>
      %dma_start3A = tpu.memref_slice %arg4[%mul3A_41] : memref<32768xi32, #tpu.memory_space<hbm>> -> memref<1024xi32, #tpu.memory_space<hbm>>
      %dma_start3A_42 = tpu.memref_slice %arg4[%mul3A_41] : memref<32768xi32, #tpu.memory_space<hbm>> -> memref<1024xi32, #tpu.memory_space<hbm>>
      tpu.enqueue_dma source(%arg5 : memref<1024xi32, #tpu.memory_space<vmem>>) target(%dma_start3A_42 : memref<1024xi32, #tpu.memory_space<hbm>>) target_semaphore(%run_scoped3A : memref<!tpu.dma_semaphore, #tpu.memory_space<semaphore_mem>>)
      %dma_wait3A = tpu.memref_slice %arg4[%mul3A_41] : memref<32768xi32, #tpu.memory_space<hbm>> -> memref<1024xi32, #tpu.memory_space<hbm>>
      %dma_wait3A_43 = tpu.memref_slice %arg4[%mul3A_41] : memref<32768xi32, #tpu.memory_space<hbm>> -> memref<1024xi32, #tpu.memory_space<hbm>>
      tpu.wait_dma2 semaphore(%run_scoped3A : memref<!tpu.dma_semaphore, #tpu.memory_space<semaphore_mem>>) src(%arg5 : memref<1024xi32, #tpu.memory_space<vmem>>) dst(%dma_wait3A_43 : memref<1024xi32, #tpu.memory_space<hbm>>)
      tpu.yield
    }) : () -> ()
    return
  }
}

module attributes {stable_mosaic.version = 14 : i64} {
  func.func @_tc_math_body(%arg0: i32, %arg1: memref<10x8x2048xf32, #tpu.memory_space<vmem>>, %arg2: memref<8x2048xi32, #tpu.memory_space<vmem>>, %arg3: memref<1x1xf32, #tpu.memory_space<vmem>>) attributes {dimension_semantics = [#tpu.dimension_semantics<arbitrary>], iteration_bounds = array<i64: 2>, scalar_prefetch = 0 : i64, scratch_operands = 0 : i64, tpu.core_type = #tpu.core_type<tc>, window_params = [{transform_indices = @transform_0, window_bounds = array<i64: 10, 8, 2048>}, {transform_indices = @transform_1, window_bounds = array<i64: 8, 2048>}, {pipeline_mode = #tpu.pipeline_mode<synchronous>, transform_indices = @transform_2, window_bounds = array<i64: 1, 1>}]} {
    %get3A = arith.constant 0 : index
    %get3A_0 = arith.constant 0 : index
    %get3A_1 = arith.constant 0 : index
    %get3A_2 = vector.load %arg1[%get3A, %get3A_0, %get3A_1] : memref<10x8x2048xf32, #tpu.memory_space<vmem>>, vector<1x8x2048xf32>
    %get3A_3 = vector.shape_cast %get3A_2 : vector<1x8x2048xf32> to vector<8x2048xf32>
    %get3A_4 = arith.constant 1 : index
    %get3A_5 = arith.constant 0 : index
    %get3A_6 = arith.constant 0 : index
    %get3A_7 = vector.load %arg1[%get3A_4, %get3A_5, %get3A_6] : memref<10x8x2048xf32, #tpu.memory_space<vmem>>, vector<1x8x2048xf32>
    %get3A_8 = vector.shape_cast %get3A_7 : vector<1x8x2048xf32> to vector<8x2048xf32>
    %get3A_9 = arith.constant 2 : index
    %get3A_10 = arith.constant 0 : index
    %get3A_11 = arith.constant 0 : index
    %get3A_12 = vector.load %arg1[%get3A_9, %get3A_10, %get3A_11] : memref<10x8x2048xf32, #tpu.memory_space<vmem>>, vector<1x8x2048xf32>
    %get3A_13 = vector.shape_cast %get3A_12 : vector<1x8x2048xf32> to vector<8x2048xf32>
    %get3A_14 = arith.constant 3 : index
    %get3A_15 = arith.constant 0 : index
    %get3A_16 = arith.constant 0 : index
    %get3A_17 = vector.load %arg1[%get3A_14, %get3A_15, %get3A_16] : memref<10x8x2048xf32, #tpu.memory_space<vmem>>, vector<1x8x2048xf32>
    %get3A_18 = vector.shape_cast %get3A_17 : vector<1x8x2048xf32> to vector<8x2048xf32>
    %get3A_19 = arith.constant 4 : index
    %get3A_20 = arith.constant 0 : index
    %get3A_21 = arith.constant 0 : index
    %get3A_22 = vector.load %arg1[%get3A_19, %get3A_20, %get3A_21] : memref<10x8x2048xf32, #tpu.memory_space<vmem>>, vector<1x8x2048xf32>
    %get3A_23 = vector.shape_cast %get3A_22 : vector<1x8x2048xf32> to vector<8x2048xf32>
    %get3A_24 = arith.constant 5 : index
    %get3A_25 = arith.constant 0 : index
    %get3A_26 = arith.constant 0 : index
    %get3A_27 = vector.load %arg1[%get3A_24, %get3A_25, %get3A_26] : memref<10x8x2048xf32, #tpu.memory_space<vmem>>, vector<1x8x2048xf32>
    %get3A_28 = vector.shape_cast %get3A_27 : vector<1x8x2048xf32> to vector<8x2048xf32>
    %get3A_29 = arith.constant 6 : index
    %get3A_30 = arith.constant 0 : index
    %get3A_31 = arith.constant 0 : index
    %get3A_32 = vector.load %arg1[%get3A_29, %get3A_30, %get3A_31] : memref<10x8x2048xf32, #tpu.memory_space<vmem>>, vector<1x8x2048xf32>
    %get3A_33 = vector.shape_cast %get3A_32 : vector<1x8x2048xf32> to vector<8x2048xf32>
    %get3A_34 = arith.constant 7 : index
    %get3A_35 = arith.constant 0 : index
    %get3A_36 = arith.constant 0 : index
    %get3A_37 = vector.load %arg1[%get3A_34, %get3A_35, %get3A_36] : memref<10x8x2048xf32, #tpu.memory_space<vmem>>, vector<1x8x2048xf32>
    %get3A_38 = vector.shape_cast %get3A_37 : vector<1x8x2048xf32> to vector<8x2048xf32>
    %get3A_39 = arith.constant 8 : index
    %get3A_40 = arith.constant 0 : index
    %get3A_41 = arith.constant 0 : index
    %get3A_42 = vector.load %arg1[%get3A_39, %get3A_40, %get3A_41] : memref<10x8x2048xf32, #tpu.memory_space<vmem>>, vector<1x8x2048xf32>
    %get3A_43 = vector.shape_cast %get3A_42 : vector<1x8x2048xf32> to vector<8x2048xf32>
    %get3A_44 = arith.constant 9 : index
    %get3A_45 = arith.constant 0 : index
    %get3A_46 = arith.constant 0 : index
    %get3A_47 = vector.load %arg1[%get3A_44, %get3A_45, %get3A_46] : memref<10x8x2048xf32, #tpu.memory_space<vmem>>, vector<1x8x2048xf32>
    %get3A_48 = vector.shape_cast %get3A_47 : vector<1x8x2048xf32> to vector<8x2048xf32>
    %convert_element_type3A = arith.truncf %get3A_3 : vector<8x2048xf32> to vector<8x2048xbf16>
    %convert_element_type3A_49 = arith.extf %convert_element_type3A : vector<8x2048xbf16> to vector<8x2048xf32>
    %convert_element_type3A_50 = arith.truncf %get3A_8 : vector<8x2048xf32> to vector<8x2048xbf16>
    %convert_element_type3A_51 = arith.extf %convert_element_type3A_50 : vector<8x2048xbf16> to vector<8x2048xf32>
    %convert_element_type3A_52 = arith.truncf %get3A_13 : vector<8x2048xf32> to vector<8x2048xbf16>
    %convert_element_type3A_53 = arith.extf %convert_element_type3A_52 : vector<8x2048xbf16> to vector<8x2048xf32>
    %convert_element_type3A_54 = arith.truncf %get3A_18 : vector<8x2048xf32> to vector<8x2048xbf16>
    %convert_element_type3A_55 = arith.extf %convert_element_type3A_54 : vector<8x2048xbf16> to vector<8x2048xf32>
    %convert_element_type3A_56 = arith.truncf %get3A_23 : vector<8x2048xf32> to vector<8x2048xbf16>
    %convert_element_type3A_57 = arith.extf %convert_element_type3A_56 : vector<8x2048xbf16> to vector<8x2048xf32>
    %convert_element_type3A_58 = arith.truncf %get3A_28 : vector<8x2048xf32> to vector<8x2048xbf16>
    %convert_element_type3A_59 = arith.extf %convert_element_type3A_58 : vector<8x2048xbf16> to vector<8x2048xf32>
    %convert_element_type3A_60 = arith.truncf %get3A_33 : vector<8x2048xf32> to vector<8x2048xbf16>
    %convert_element_type3A_61 = arith.extf %convert_element_type3A_60 : vector<8x2048xbf16> to vector<8x2048xf32>
    %convert_element_type3A_62 = arith.truncf %get3A_38 : vector<8x2048xf32> to vector<8x2048xbf16>
    %convert_element_type3A_63 = arith.extf %convert_element_type3A_62 : vector<8x2048xbf16> to vector<8x2048xf32>
    %convert_element_type3A_64 = arith.truncf %get3A_43 : vector<8x2048xf32> to vector<8x2048xbf16>
    %convert_element_type3A_65 = arith.extf %convert_element_type3A_64 : vector<8x2048xbf16> to vector<8x2048xf32>
    %convert_element_type3A_66 = arith.truncf %get3A_48 : vector<8x2048xf32> to vector<8x2048xbf16>
    %convert_element_type3A_67 = arith.extf %convert_element_type3A_66 : vector<8x2048xbf16> to vector<8x2048xf32>
    %gt3A = arith.constant 5.000000e-01 : f32
    %gt3A_68 = vector.broadcast %gt3A : f32 to vector<8x2048xf32>
    %gt3A_69 = arith.cmpf ogt, %convert_element_type3A_49, %gt3A_68 : vector<8x2048xf32>
    %gt3A_70 = arith.constant 5.000000e-01 : f32
    %gt3A_71 = vector.broadcast %gt3A_70 : f32 to vector<8x2048xf32>
    %gt3A_72 = arith.cmpf ogt, %convert_element_type3A_51, %gt3A_71 : vector<8x2048xf32>
    %gt3A_73 = arith.constant 5.000000e-01 : f32
    %gt3A_74 = vector.broadcast %gt3A_73 : f32 to vector<8x2048xf32>
    %gt3A_75 = arith.cmpf ogt, %convert_element_type3A_53, %gt3A_74 : vector<8x2048xf32>
    %gt3A_76 = arith.constant 5.000000e-01 : f32
    %gt3A_77 = vector.broadcast %gt3A_76 : f32 to vector<8x2048xf32>
    %gt3A_78 = arith.cmpf ogt, %convert_element_type3A_55, %gt3A_77 : vector<8x2048xf32>
    %gt3A_79 = arith.constant 5.000000e-01 : f32
    %gt3A_80 = vector.broadcast %gt3A_79 : f32 to vector<8x2048xf32>
    %gt3A_81 = arith.cmpf ogt, %convert_element_type3A_57, %gt3A_80 : vector<8x2048xf32>
    %gt3A_82 = arith.constant 5.000000e-01 : f32
    %gt3A_83 = vector.broadcast %gt3A_82 : f32 to vector<8x2048xf32>
    %gt3A_84 = arith.cmpf ogt, %convert_element_type3A_59, %gt3A_83 : vector<8x2048xf32>
    %gt3A_85 = arith.constant 5.000000e-01 : f32
    %gt3A_86 = vector.broadcast %gt3A_85 : f32 to vector<8x2048xf32>
    %gt3A_87 = arith.cmpf ogt, %convert_element_type3A_61, %gt3A_86 : vector<8x2048xf32>
    %gt3A_88 = arith.constant 5.000000e-01 : f32
    %gt3A_89 = vector.broadcast %gt3A_88 : f32 to vector<8x2048xf32>
    %gt3A_90 = arith.cmpf ogt, %convert_element_type3A_63, %gt3A_89 : vector<8x2048xf32>
    %gt3A_91 = arith.constant 5.000000e-01 : f32
    %gt3A_92 = vector.broadcast %gt3A_91 : f32 to vector<8x2048xf32>
    %gt3A_93 = arith.cmpf ogt, %convert_element_type3A_65, %gt3A_92 : vector<8x2048xf32>
    %gt3A_94 = arith.constant 5.000000e-01 : f32
    %gt3A_95 = vector.broadcast %gt3A_94 : f32 to vector<8x2048xf32>
    %gt3A_96 = arith.cmpf ogt, %convert_element_type3A_67, %gt3A_95 : vector<8x2048xf32>
    %eq3A = arith.constant 5.000000e-01 : f32
    %eq3A_97 = vector.broadcast %eq3A : f32 to vector<8x2048xf32>
    %eq3A_98 = arith.cmpf oeq, %convert_element_type3A_49, %eq3A_97 : vector<8x2048xf32>
    %eq3A_99 = arith.constant 5.000000e-01 : f32
    %eq3A_100 = vector.broadcast %eq3A_99 : f32 to vector<8x2048xf32>
    %eq3A_101 = arith.cmpf oeq, %convert_element_type3A_51, %eq3A_100 : vector<8x2048xf32>
    %eq3A_102 = arith.constant 5.000000e-01 : f32
    %eq3A_103 = vector.broadcast %eq3A_102 : f32 to vector<8x2048xf32>
    %eq3A_104 = arith.cmpf oeq, %convert_element_type3A_53, %eq3A_103 : vector<8x2048xf32>
    %eq3A_105 = arith.constant 5.000000e-01 : f32
    %eq3A_106 = vector.broadcast %eq3A_105 : f32 to vector<8x2048xf32>
    %eq3A_107 = arith.cmpf oeq, %convert_element_type3A_55, %eq3A_106 : vector<8x2048xf32>
    %eq3A_108 = arith.constant 5.000000e-01 : f32
    %eq3A_109 = vector.broadcast %eq3A_108 : f32 to vector<8x2048xf32>
    %eq3A_110 = arith.cmpf oeq, %convert_element_type3A_57, %eq3A_109 : vector<8x2048xf32>
    %eq3A_111 = arith.constant 5.000000e-01 : f32
    %eq3A_112 = vector.broadcast %eq3A_111 : f32 to vector<8x2048xf32>
    %eq3A_113 = arith.cmpf oeq, %convert_element_type3A_59, %eq3A_112 : vector<8x2048xf32>
    %eq3A_114 = arith.constant 5.000000e-01 : f32
    %eq3A_115 = vector.broadcast %eq3A_114 : f32 to vector<8x2048xf32>
    %eq3A_116 = arith.cmpf oeq, %convert_element_type3A_61, %eq3A_115 : vector<8x2048xf32>
    %eq3A_117 = arith.constant 5.000000e-01 : f32
    %eq3A_118 = vector.broadcast %eq3A_117 : f32 to vector<8x2048xf32>
    %eq3A_119 = arith.cmpf oeq, %convert_element_type3A_63, %eq3A_118 : vector<8x2048xf32>
    %eq3A_120 = arith.constant 5.000000e-01 : f32
    %eq3A_121 = vector.broadcast %eq3A_120 : f32 to vector<8x2048xf32>
    %eq3A_122 = arith.cmpf oeq, %convert_element_type3A_65, %eq3A_121 : vector<8x2048xf32>
    %eq3A_123 = arith.constant 5.000000e-01 : f32
    %eq3A_124 = vector.broadcast %eq3A_123 : f32 to vector<8x2048xf32>
    %eq3A_125 = arith.cmpf oeq, %convert_element_type3A_67, %eq3A_124 : vector<8x2048xf32>
    %mul3A = arith.mulf %get3A_3, %get3A_3 : vector<8x2048xf32>
    %mul3A_126 = arith.mulf %get3A_8, %get3A_8 : vector<8x2048xf32>
    %add3A = arith.addf %mul3A, %mul3A_126 : vector<8x2048xf32>
    %mul3A_127 = arith.mulf %get3A_13, %get3A_13 : vector<8x2048xf32>
    %add3A_128 = arith.addf %add3A, %mul3A_127 : vector<8x2048xf32>
    %mul3A_129 = arith.mulf %get3A_18, %get3A_18 : vector<8x2048xf32>
    %add3A_130 = arith.addf %add3A_128, %mul3A_129 : vector<8x2048xf32>
    %mul3A_131 = arith.mulf %get3A_23, %get3A_23 : vector<8x2048xf32>
    %add3A_132 = arith.addf %add3A_130, %mul3A_131 : vector<8x2048xf32>
    %mul3A_133 = arith.mulf %get3A_28, %get3A_28 : vector<8x2048xf32>
    %add3A_134 = arith.addf %add3A_132, %mul3A_133 : vector<8x2048xf32>
    %mul3A_135 = arith.mulf %get3A_33, %get3A_33 : vector<8x2048xf32>
    %add3A_136 = arith.addf %add3A_134, %mul3A_135 : vector<8x2048xf32>
    %mul3A_137 = arith.mulf %get3A_38, %get3A_38 : vector<8x2048xf32>
    %add3A_138 = arith.addf %add3A_136, %mul3A_137 : vector<8x2048xf32>
    %mul3A_139 = arith.mulf %get3A_43, %get3A_43 : vector<8x2048xf32>
    %add3A_140 = arith.addf %add3A_138, %mul3A_139 : vector<8x2048xf32>
    %mul3A_141 = arith.mulf %get3A_48, %get3A_48 : vector<8x2048xf32>
    %add3A_142 = arith.addf %add3A_140, %mul3A_141 : vector<8x2048xf32>
    %broadcast_in_dim3A = arith.constant 99 : i32
    %broadcast_in_dim3A_143 = vector.broadcast %broadcast_in_dim3A : i32 to vector<8x2048xi32>
    %jit3A = arith.constant 9 : i32
    %broadcast_in_dim3A_144 = vector.broadcast %jit3A : i32 to vector<8x2048xi32>
    %select_n3A = arith.select %eq3A_125, %broadcast_in_dim3A_144, %broadcast_in_dim3A_143 : vector<8x2048xi1>, vector<8x2048xi32>
    %jit3A_145 = arith.constant 8 : i32
    %broadcast_in_dim3A_146 = vector.broadcast %jit3A_145 : i32 to vector<8x2048xi32>
    %select_n3A_147 = arith.select %eq3A_122, %broadcast_in_dim3A_146, %select_n3A : vector<8x2048xi1>, vector<8x2048xi32>
    %jit3A_148 = arith.constant 7 : i32
    %broadcast_in_dim3A_149 = vector.broadcast %jit3A_148 : i32 to vector<8x2048xi32>
    %select_n3A_150 = arith.select %eq3A_119, %broadcast_in_dim3A_149, %select_n3A_147 : vector<8x2048xi1>, vector<8x2048xi32>
    %jit3A_151 = arith.constant 6 : i32
    %broadcast_in_dim3A_152 = vector.broadcast %jit3A_151 : i32 to vector<8x2048xi32>
    %select_n3A_153 = arith.select %eq3A_116, %broadcast_in_dim3A_152, %select_n3A_150 : vector<8x2048xi1>, vector<8x2048xi32>
    %jit3A_154 = arith.constant 5 : i32
    %broadcast_in_dim3A_155 = vector.broadcast %jit3A_154 : i32 to vector<8x2048xi32>
    %select_n3A_156 = arith.select %eq3A_113, %broadcast_in_dim3A_155, %select_n3A_153 : vector<8x2048xi1>, vector<8x2048xi32>
    %jit3A_157 = arith.constant 4 : i32
    %broadcast_in_dim3A_158 = vector.broadcast %jit3A_157 : i32 to vector<8x2048xi32>
    %select_n3A_159 = arith.select %eq3A_110, %broadcast_in_dim3A_158, %select_n3A_156 : vector<8x2048xi1>, vector<8x2048xi32>
    %jit3A_160 = arith.constant 3 : i32
    %broadcast_in_dim3A_161 = vector.broadcast %jit3A_160 : i32 to vector<8x2048xi32>
    %select_n3A_162 = arith.select %eq3A_107, %broadcast_in_dim3A_161, %select_n3A_159 : vector<8x2048xi1>, vector<8x2048xi32>
    %jit3A_163 = arith.constant 2 : i32
    %broadcast_in_dim3A_164 = vector.broadcast %jit3A_163 : i32 to vector<8x2048xi32>
    %select_n3A_165 = arith.select %eq3A_104, %broadcast_in_dim3A_164, %select_n3A_162 : vector<8x2048xi1>, vector<8x2048xi32>
    %jit3A_166 = arith.constant 1 : i32
    %broadcast_in_dim3A_167 = vector.broadcast %jit3A_166 : i32 to vector<8x2048xi32>
    %select_n3A_168 = arith.select %eq3A_101, %broadcast_in_dim3A_167, %select_n3A_165 : vector<8x2048xi1>, vector<8x2048xi32>
    %jit3A_169 = arith.constant 0 : i32
    %broadcast_in_dim3A_170 = vector.broadcast %jit3A_169 : i32 to vector<8x2048xi32>
    %select_n3A_171 = arith.select %eq3A_98, %broadcast_in_dim3A_170, %select_n3A_168 : vector<8x2048xi1>, vector<8x2048xi32>
    %broadcast_in_dim3A_172 = arith.constant 99 : i32
    %broadcast_in_dim3A_173 = vector.broadcast %broadcast_in_dim3A_172 : i32 to vector<8x2048xi32>
    %gt3A_174 = arith.constant 9 : i32
    %gt3A_175 = vector.broadcast %gt3A_174 : i32 to vector<8x2048xi32>
    %gt3A_176 = arith.cmpi sgt, %gt3A_175, %select_n3A_171 : vector<8x2048xi32>
    %and3A = arith.andi %eq3A_125, %gt3A_176 : vector<8x2048xi1>
    %jit3A_177 = arith.constant 9 : i32
    %broadcast_in_dim3A_178 = vector.broadcast %jit3A_177 : i32 to vector<8x2048xi32>
    %select_n3A_179 = arith.select %and3A, %broadcast_in_dim3A_178, %broadcast_in_dim3A_173 : vector<8x2048xi1>, vector<8x2048xi32>
    %gt3A_180 = arith.constant 8 : i32
    %gt3A_181 = vector.broadcast %gt3A_180 : i32 to vector<8x2048xi32>
    %gt3A_182 = arith.cmpi sgt, %gt3A_181, %select_n3A_171 : vector<8x2048xi32>
    %and3A_183 = arith.andi %eq3A_122, %gt3A_182 : vector<8x2048xi1>
    %jit3A_184 = arith.constant 8 : i32
    %broadcast_in_dim3A_185 = vector.broadcast %jit3A_184 : i32 to vector<8x2048xi32>
    %select_n3A_186 = arith.select %and3A_183, %broadcast_in_dim3A_185, %select_n3A_179 : vector<8x2048xi1>, vector<8x2048xi32>
    %gt3A_187 = arith.constant 7 : i32
    %gt3A_188 = vector.broadcast %gt3A_187 : i32 to vector<8x2048xi32>
    %gt3A_189 = arith.cmpi sgt, %gt3A_188, %select_n3A_171 : vector<8x2048xi32>
    %and3A_190 = arith.andi %eq3A_119, %gt3A_189 : vector<8x2048xi1>
    %jit3A_191 = arith.constant 7 : i32
    %broadcast_in_dim3A_192 = vector.broadcast %jit3A_191 : i32 to vector<8x2048xi32>
    %select_n3A_193 = arith.select %and3A_190, %broadcast_in_dim3A_192, %select_n3A_186 : vector<8x2048xi1>, vector<8x2048xi32>
    %gt3A_194 = arith.constant 6 : i32
    %gt3A_195 = vector.broadcast %gt3A_194 : i32 to vector<8x2048xi32>
    %gt3A_196 = arith.cmpi sgt, %gt3A_195, %select_n3A_171 : vector<8x2048xi32>
    %and3A_197 = arith.andi %eq3A_116, %gt3A_196 : vector<8x2048xi1>
    %jit3A_198 = arith.constant 6 : i32
    %broadcast_in_dim3A_199 = vector.broadcast %jit3A_198 : i32 to vector<8x2048xi32>
    %select_n3A_200 = arith.select %and3A_197, %broadcast_in_dim3A_199, %select_n3A_193 : vector<8x2048xi1>, vector<8x2048xi32>
    %gt3A_201 = arith.constant 5 : i32
    %gt3A_202 = vector.broadcast %gt3A_201 : i32 to vector<8x2048xi32>
    %gt3A_203 = arith.cmpi sgt, %gt3A_202, %select_n3A_171 : vector<8x2048xi32>
    %and3A_204 = arith.andi %eq3A_113, %gt3A_203 : vector<8x2048xi1>
    %jit3A_205 = arith.constant 5 : i32
    %broadcast_in_dim3A_206 = vector.broadcast %jit3A_205 : i32 to vector<8x2048xi32>
    %select_n3A_207 = arith.select %and3A_204, %broadcast_in_dim3A_206, %select_n3A_200 : vector<8x2048xi1>, vector<8x2048xi32>
    %gt3A_208 = arith.constant 4 : i32
    %gt3A_209 = vector.broadcast %gt3A_208 : i32 to vector<8x2048xi32>
    %gt3A_210 = arith.cmpi sgt, %gt3A_209, %select_n3A_171 : vector<8x2048xi32>
    %and3A_211 = arith.andi %eq3A_110, %gt3A_210 : vector<8x2048xi1>
    %jit3A_212 = arith.constant 4 : i32
    %broadcast_in_dim3A_213 = vector.broadcast %jit3A_212 : i32 to vector<8x2048xi32>
    %select_n3A_214 = arith.select %and3A_211, %broadcast_in_dim3A_213, %select_n3A_207 : vector<8x2048xi1>, vector<8x2048xi32>
    %gt3A_215 = arith.constant 3 : i32
    %gt3A_216 = vector.broadcast %gt3A_215 : i32 to vector<8x2048xi32>
    %gt3A_217 = arith.cmpi sgt, %gt3A_216, %select_n3A_171 : vector<8x2048xi32>
    %and3A_218 = arith.andi %eq3A_107, %gt3A_217 : vector<8x2048xi1>
    %jit3A_219 = arith.constant 3 : i32
    %broadcast_in_dim3A_220 = vector.broadcast %jit3A_219 : i32 to vector<8x2048xi32>
    %select_n3A_221 = arith.select %and3A_218, %broadcast_in_dim3A_220, %select_n3A_214 : vector<8x2048xi1>, vector<8x2048xi32>
    %gt3A_222 = arith.constant 2 : i32
    %gt3A_223 = vector.broadcast %gt3A_222 : i32 to vector<8x2048xi32>
    %gt3A_224 = arith.cmpi sgt, %gt3A_223, %select_n3A_171 : vector<8x2048xi32>
    %and3A_225 = arith.andi %eq3A_104, %gt3A_224 : vector<8x2048xi1>
    %jit3A_226 = arith.constant 2 : i32
    %broadcast_in_dim3A_227 = vector.broadcast %jit3A_226 : i32 to vector<8x2048xi32>
    %select_n3A_228 = arith.select %and3A_225, %broadcast_in_dim3A_227, %select_n3A_221 : vector<8x2048xi1>, vector<8x2048xi32>
    %gt3A_229 = arith.constant 1 : i32
    %gt3A_230 = vector.broadcast %gt3A_229 : i32 to vector<8x2048xi32>
    %gt3A_231 = arith.cmpi sgt, %gt3A_230, %select_n3A_171 : vector<8x2048xi32>
    %and3A_232 = arith.andi %eq3A_101, %gt3A_231 : vector<8x2048xi1>
    %jit3A_233 = arith.constant 1 : i32
    %broadcast_in_dim3A_234 = vector.broadcast %jit3A_233 : i32 to vector<8x2048xi32>
    %select_n3A_235 = arith.select %and3A_232, %broadcast_in_dim3A_234, %select_n3A_228 : vector<8x2048xi1>, vector<8x2048xi32>
    %gt3A_236 = arith.constant 0 : i32
    %gt3A_237 = vector.broadcast %gt3A_236 : i32 to vector<8x2048xi32>
    %gt3A_238 = arith.cmpi sgt, %gt3A_237, %select_n3A_171 : vector<8x2048xi32>
    %and3A_239 = arith.andi %eq3A_98, %gt3A_238 : vector<8x2048xi1>
    %jit3A_240 = arith.constant 0 : i32
    %broadcast_in_dim3A_241 = vector.broadcast %jit3A_240 : i32 to vector<8x2048xi32>
    %select_n3A_242 = arith.select %and3A_239, %broadcast_in_dim3A_241, %select_n3A_235 : vector<8x2048xi1>, vector<8x2048xi32>
    %lt3A = arith.constant 99 : i32
    %lt3A_243 = vector.broadcast %lt3A : i32 to vector<8x2048xi32>
    %lt3A_244 = arith.cmpi slt, %select_n3A_171, %lt3A_243 : vector<8x2048xi32>
    %lt3A_245 = arith.constant 99 : i32
    %lt3A_246 = vector.broadcast %lt3A_245 : i32 to vector<8x2048xi32>
    %lt3A_247 = arith.cmpi slt, %select_n3A_242, %lt3A_246 : vector<8x2048xi32>
    %broadcast_in_dim3A_248 = arith.constant 0.000000e+00 : f32
    %broadcast_in_dim3A_249 = vector.broadcast %broadcast_in_dim3A_248 : f32 to vector<8x2048xf32>
    %jit3A_250 = arith.constant 0.000000e+00 : f32
    %broadcast_in_dim3A_251 = vector.broadcast %jit3A_250 : f32 to vector<8x2048xf32>
    %select_n3A_252 = arith.select %gt3A_69, %convert_element_type3A_49, %broadcast_in_dim3A_251 : vector<8x2048xi1>, vector<8x2048xf32>
    %jit3A_253 = arith.constant 1.000000e+00 : f32
    %jit3A_254 = arith.constant 0.000000e+00 : f32
    %broadcast_in_dim3A_255 = vector.broadcast %jit3A_253 : f32 to vector<8x2048xf32>
    %broadcast_in_dim3A_256 = vector.broadcast %jit3A_254 : f32 to vector<8x2048xf32>
    %select_n3A_257 = arith.select %gt3A_69, %broadcast_in_dim3A_255, %broadcast_in_dim3A_256 : vector<8x2048xi1>, vector<8x2048xf32>
    %add3A_258 = arith.addf %broadcast_in_dim3A_249, %select_n3A_257 : vector<8x2048xf32>
    %eq3A_259 = arith.constant 0 : i32
    %eq3A_260 = vector.broadcast %eq3A_259 : i32 to vector<8x2048xi32>
    %eq3A_261 = arith.cmpi eq, %select_n3A_171, %eq3A_260 : vector<8x2048xi32>
    %eq3A_262 = arith.constant 0 : i32
    %eq3A_263 = vector.broadcast %eq3A_262 : i32 to vector<8x2048xi32>
    %eq3A_264 = arith.cmpi eq, %select_n3A_242, %eq3A_263 : vector<8x2048xi32>
    %jit3A_265 = arith.constant 5.000000e-01 : f32
    %broadcast_in_dim3A_266 = vector.broadcast %jit3A_265 : f32 to vector<8x2048xf32>
    %select_n3A_267 = arith.select %eq3A_261, %broadcast_in_dim3A_266, %select_n3A_252 : vector<8x2048xi1>, vector<8x2048xf32>
    %jit3A_268 = arith.constant 5.000000e-01 : f32
    %broadcast_in_dim3A_269 = vector.broadcast %jit3A_268 : f32 to vector<8x2048xf32>
    %select_n3A_270 = arith.select %eq3A_264, %broadcast_in_dim3A_269, %select_n3A_252 : vector<8x2048xi1>, vector<8x2048xf32>
    %or3A = arith.ori %eq3A_261, %eq3A_264 : vector<8x2048xi1>
    %jit3A_271 = arith.constant 5.000000e-01 : f32
    %broadcast_in_dim3A_272 = vector.broadcast %jit3A_271 : f32 to vector<8x2048xf32>
    %select_n3A_273 = arith.select %or3A, %broadcast_in_dim3A_272, %select_n3A_252 : vector<8x2048xi1>, vector<8x2048xf32>
    %add3A_274 = arith.addf %broadcast_in_dim3A_249, %select_n3A_252 : vector<8x2048xf32>
    %add3A_275 = arith.addf %broadcast_in_dim3A_249, %select_n3A_270 : vector<8x2048xf32>
    %add3A_276 = arith.addf %broadcast_in_dim3A_249, %select_n3A_267 : vector<8x2048xf32>
    %add3A_277 = arith.addf %broadcast_in_dim3A_249, %select_n3A_273 : vector<8x2048xf32>
    %jit3A_278 = arith.constant 0.000000e+00 : f32
    %broadcast_in_dim3A_279 = vector.broadcast %jit3A_278 : f32 to vector<8x2048xf32>
    %select_n3A_280 = arith.select %gt3A_72, %convert_element_type3A_51, %broadcast_in_dim3A_279 : vector<8x2048xi1>, vector<8x2048xf32>
    %jit3A_281 = arith.constant 1.000000e+00 : f32
    %jit3A_282 = arith.constant 0.000000e+00 : f32
    %broadcast_in_dim3A_283 = vector.broadcast %jit3A_281 : f32 to vector<8x2048xf32>
    %broadcast_in_dim3A_284 = vector.broadcast %jit3A_282 : f32 to vector<8x2048xf32>
    %select_n3A_285 = arith.select %gt3A_72, %broadcast_in_dim3A_283, %broadcast_in_dim3A_284 : vector<8x2048xi1>, vector<8x2048xf32>
    %add3A_286 = arith.addf %add3A_258, %select_n3A_285 : vector<8x2048xf32>
    %eq3A_287 = arith.constant 1 : i32
    %eq3A_288 = vector.broadcast %eq3A_287 : i32 to vector<8x2048xi32>
    %eq3A_289 = arith.cmpi eq, %select_n3A_171, %eq3A_288 : vector<8x2048xi32>
    %eq3A_290 = arith.constant 1 : i32
    %eq3A_291 = vector.broadcast %eq3A_290 : i32 to vector<8x2048xi32>
    %eq3A_292 = arith.cmpi eq, %select_n3A_242, %eq3A_291 : vector<8x2048xi32>
    %jit3A_293 = arith.constant 5.000000e-01 : f32
    %broadcast_in_dim3A_294 = vector.broadcast %jit3A_293 : f32 to vector<8x2048xf32>
    %select_n3A_295 = arith.select %eq3A_289, %broadcast_in_dim3A_294, %select_n3A_280 : vector<8x2048xi1>, vector<8x2048xf32>
    %jit3A_296 = arith.constant 5.000000e-01 : f32
    %broadcast_in_dim3A_297 = vector.broadcast %jit3A_296 : f32 to vector<8x2048xf32>
    %select_n3A_298 = arith.select %eq3A_292, %broadcast_in_dim3A_297, %select_n3A_280 : vector<8x2048xi1>, vector<8x2048xf32>
    %or3A_299 = arith.ori %eq3A_289, %eq3A_292 : vector<8x2048xi1>
    %jit3A_300 = arith.constant 5.000000e-01 : f32
    %broadcast_in_dim3A_301 = vector.broadcast %jit3A_300 : f32 to vector<8x2048xf32>
    %select_n3A_302 = arith.select %or3A_299, %broadcast_in_dim3A_301, %select_n3A_280 : vector<8x2048xi1>, vector<8x2048xf32>
    %add3A_303 = arith.addf %add3A_274, %select_n3A_280 : vector<8x2048xf32>
    %add3A_304 = arith.addf %add3A_275, %select_n3A_298 : vector<8x2048xf32>
    %add3A_305 = arith.addf %add3A_276, %select_n3A_295 : vector<8x2048xf32>
    %add3A_306 = arith.addf %add3A_277, %select_n3A_302 : vector<8x2048xf32>
    %jit3A_307 = arith.constant 0.000000e+00 : f32
    %broadcast_in_dim3A_308 = vector.broadcast %jit3A_307 : f32 to vector<8x2048xf32>
    %select_n3A_309 = arith.select %gt3A_75, %convert_element_type3A_53, %broadcast_in_dim3A_308 : vector<8x2048xi1>, vector<8x2048xf32>
    %jit3A_310 = arith.constant 1.000000e+00 : f32
    %jit3A_311 = arith.constant 0.000000e+00 : f32
    %broadcast_in_dim3A_312 = vector.broadcast %jit3A_310 : f32 to vector<8x2048xf32>
    %broadcast_in_dim3A_313 = vector.broadcast %jit3A_311 : f32 to vector<8x2048xf32>
    %select_n3A_314 = arith.select %gt3A_75, %broadcast_in_dim3A_312, %broadcast_in_dim3A_313 : vector<8x2048xi1>, vector<8x2048xf32>
    %add3A_315 = arith.addf %add3A_286, %select_n3A_314 : vector<8x2048xf32>
    %eq3A_316 = arith.constant 2 : i32
    %eq3A_317 = vector.broadcast %eq3A_316 : i32 to vector<8x2048xi32>
    %eq3A_318 = arith.cmpi eq, %select_n3A_171, %eq3A_317 : vector<8x2048xi32>
    %eq3A_319 = arith.constant 2 : i32
    %eq3A_320 = vector.broadcast %eq3A_319 : i32 to vector<8x2048xi32>
    %eq3A_321 = arith.cmpi eq, %select_n3A_242, %eq3A_320 : vector<8x2048xi32>
    %jit3A_322 = arith.constant 5.000000e-01 : f32
    %broadcast_in_dim3A_323 = vector.broadcast %jit3A_322 : f32 to vector<8x2048xf32>
    %select_n3A_324 = arith.select %eq3A_318, %broadcast_in_dim3A_323, %select_n3A_309 : vector<8x2048xi1>, vector<8x2048xf32>
    %jit3A_325 = arith.constant 5.000000e-01 : f32
    %broadcast_in_dim3A_326 = vector.broadcast %jit3A_325 : f32 to vector<8x2048xf32>
    %select_n3A_327 = arith.select %eq3A_321, %broadcast_in_dim3A_326, %select_n3A_309 : vector<8x2048xi1>, vector<8x2048xf32>
    %or3A_328 = arith.ori %eq3A_318, %eq3A_321 : vector<8x2048xi1>
    %jit3A_329 = arith.constant 5.000000e-01 : f32
    %broadcast_in_dim3A_330 = vector.broadcast %jit3A_329 : f32 to vector<8x2048xf32>
    %select_n3A_331 = arith.select %or3A_328, %broadcast_in_dim3A_330, %select_n3A_309 : vector<8x2048xi1>, vector<8x2048xf32>
    %add3A_332 = arith.addf %add3A_303, %select_n3A_309 : vector<8x2048xf32>
    %add3A_333 = arith.addf %add3A_304, %select_n3A_327 : vector<8x2048xf32>
    %add3A_334 = arith.addf %add3A_305, %select_n3A_324 : vector<8x2048xf32>
    %add3A_335 = arith.addf %add3A_306, %select_n3A_331 : vector<8x2048xf32>
    %jit3A_336 = arith.constant 0.000000e+00 : f32
    %broadcast_in_dim3A_337 = vector.broadcast %jit3A_336 : f32 to vector<8x2048xf32>
    %select_n3A_338 = arith.select %gt3A_78, %convert_element_type3A_55, %broadcast_in_dim3A_337 : vector<8x2048xi1>, vector<8x2048xf32>
    %jit3A_339 = arith.constant 1.000000e+00 : f32
    %jit3A_340 = arith.constant 0.000000e+00 : f32
    %broadcast_in_dim3A_341 = vector.broadcast %jit3A_339 : f32 to vector<8x2048xf32>
    %broadcast_in_dim3A_342 = vector.broadcast %jit3A_340 : f32 to vector<8x2048xf32>
    %select_n3A_343 = arith.select %gt3A_78, %broadcast_in_dim3A_341, %broadcast_in_dim3A_342 : vector<8x2048xi1>, vector<8x2048xf32>
    %add3A_344 = arith.addf %add3A_315, %select_n3A_343 : vector<8x2048xf32>
    %eq3A_345 = arith.constant 3 : i32
    %eq3A_346 = vector.broadcast %eq3A_345 : i32 to vector<8x2048xi32>
    %eq3A_347 = arith.cmpi eq, %select_n3A_171, %eq3A_346 : vector<8x2048xi32>
    %eq3A_348 = arith.constant 3 : i32
    %eq3A_349 = vector.broadcast %eq3A_348 : i32 to vector<8x2048xi32>
    %eq3A_350 = arith.cmpi eq, %select_n3A_242, %eq3A_349 : vector<8x2048xi32>
    %jit3A_351 = arith.constant 5.000000e-01 : f32
    %broadcast_in_dim3A_352 = vector.broadcast %jit3A_351 : f32 to vector<8x2048xf32>
    %select_n3A_353 = arith.select %eq3A_347, %broadcast_in_dim3A_352, %select_n3A_338 : vector<8x2048xi1>, vector<8x2048xf32>
    %jit3A_354 = arith.constant 5.000000e-01 : f32
    %broadcast_in_dim3A_355 = vector.broadcast %jit3A_354 : f32 to vector<8x2048xf32>
    %select_n3A_356 = arith.select %eq3A_350, %broadcast_in_dim3A_355, %select_n3A_338 : vector<8x2048xi1>, vector<8x2048xf32>
    %or3A_357 = arith.ori %eq3A_347, %eq3A_350 : vector<8x2048xi1>
    %jit3A_358 = arith.constant 5.000000e-01 : f32
    %broadcast_in_dim3A_359 = vector.broadcast %jit3A_358 : f32 to vector<8x2048xf32>
    %select_n3A_360 = arith.select %or3A_357, %broadcast_in_dim3A_359, %select_n3A_338 : vector<8x2048xi1>, vector<8x2048xf32>
    %add3A_361 = arith.addf %add3A_332, %select_n3A_338 : vector<8x2048xf32>
    %add3A_362 = arith.addf %add3A_333, %select_n3A_356 : vector<8x2048xf32>
    %add3A_363 = arith.addf %add3A_334, %select_n3A_353 : vector<8x2048xf32>
    %add3A_364 = arith.addf %add3A_335, %select_n3A_360 : vector<8x2048xf32>
    %jit3A_365 = arith.constant 0.000000e+00 : f32
    %broadcast_in_dim3A_366 = vector.broadcast %jit3A_365 : f32 to vector<8x2048xf32>
    %select_n3A_367 = arith.select %gt3A_81, %convert_element_type3A_57, %broadcast_in_dim3A_366 : vector<8x2048xi1>, vector<8x2048xf32>
    %jit3A_368 = arith.constant 1.000000e+00 : f32
    %jit3A_369 = arith.constant 0.000000e+00 : f32
    %broadcast_in_dim3A_370 = vector.broadcast %jit3A_368 : f32 to vector<8x2048xf32>
    %broadcast_in_dim3A_371 = vector.broadcast %jit3A_369 : f32 to vector<8x2048xf32>
    %select_n3A_372 = arith.select %gt3A_81, %broadcast_in_dim3A_370, %broadcast_in_dim3A_371 : vector<8x2048xi1>, vector<8x2048xf32>
    %add3A_373 = arith.addf %add3A_344, %select_n3A_372 : vector<8x2048xf32>
    %eq3A_374 = arith.constant 4 : i32
    %eq3A_375 = vector.broadcast %eq3A_374 : i32 to vector<8x2048xi32>
    %eq3A_376 = arith.cmpi eq, %select_n3A_171, %eq3A_375 : vector<8x2048xi32>
    %eq3A_377 = arith.constant 4 : i32
    %eq3A_378 = vector.broadcast %eq3A_377 : i32 to vector<8x2048xi32>
    %eq3A_379 = arith.cmpi eq, %select_n3A_242, %eq3A_378 : vector<8x2048xi32>
    %jit3A_380 = arith.constant 5.000000e-01 : f32
    %broadcast_in_dim3A_381 = vector.broadcast %jit3A_380 : f32 to vector<8x2048xf32>
    %select_n3A_382 = arith.select %eq3A_376, %broadcast_in_dim3A_381, %select_n3A_367 : vector<8x2048xi1>, vector<8x2048xf32>
    %jit3A_383 = arith.constant 5.000000e-01 : f32
    %broadcast_in_dim3A_384 = vector.broadcast %jit3A_383 : f32 to vector<8x2048xf32>
    %select_n3A_385 = arith.select %eq3A_379, %broadcast_in_dim3A_384, %select_n3A_367 : vector<8x2048xi1>, vector<8x2048xf32>
    %or3A_386 = arith.ori %eq3A_376, %eq3A_379 : vector<8x2048xi1>
    %jit3A_387 = arith.constant 5.000000e-01 : f32
    %broadcast_in_dim3A_388 = vector.broadcast %jit3A_387 : f32 to vector<8x2048xf32>
    %select_n3A_389 = arith.select %or3A_386, %broadcast_in_dim3A_388, %select_n3A_367 : vector<8x2048xi1>, vector<8x2048xf32>
    %add3A_390 = arith.addf %add3A_361, %select_n3A_367 : vector<8x2048xf32>
    %add3A_391 = arith.addf %add3A_362, %select_n3A_385 : vector<8x2048xf32>
    %add3A_392 = arith.addf %add3A_363, %select_n3A_382 : vector<8x2048xf32>
    %add3A_393 = arith.addf %add3A_364, %select_n3A_389 : vector<8x2048xf32>
    %jit3A_394 = arith.constant 0.000000e+00 : f32
    %broadcast_in_dim3A_395 = vector.broadcast %jit3A_394 : f32 to vector<8x2048xf32>
    %select_n3A_396 = arith.select %gt3A_84, %convert_element_type3A_59, %broadcast_in_dim3A_395 : vector<8x2048xi1>, vector<8x2048xf32>
    %jit3A_397 = arith.constant 1.000000e+00 : f32
    %jit3A_398 = arith.constant 0.000000e+00 : f32
    %broadcast_in_dim3A_399 = vector.broadcast %jit3A_397 : f32 to vector<8x2048xf32>
    %broadcast_in_dim3A_400 = vector.broadcast %jit3A_398 : f32 to vector<8x2048xf32>
    %select_n3A_401 = arith.select %gt3A_84, %broadcast_in_dim3A_399, %broadcast_in_dim3A_400 : vector<8x2048xi1>, vector<8x2048xf32>
    %add3A_402 = arith.addf %add3A_373, %select_n3A_401 : vector<8x2048xf32>
    %eq3A_403 = arith.constant 5 : i32
    %eq3A_404 = vector.broadcast %eq3A_403 : i32 to vector<8x2048xi32>
    %eq3A_405 = arith.cmpi eq, %select_n3A_171, %eq3A_404 : vector<8x2048xi32>
    %eq3A_406 = arith.constant 5 : i32
    %eq3A_407 = vector.broadcast %eq3A_406 : i32 to vector<8x2048xi32>
    %eq3A_408 = arith.cmpi eq, %select_n3A_242, %eq3A_407 : vector<8x2048xi32>
    %jit3A_409 = arith.constant 5.000000e-01 : f32
    %broadcast_in_dim3A_410 = vector.broadcast %jit3A_409 : f32 to vector<8x2048xf32>
    %select_n3A_411 = arith.select %eq3A_405, %broadcast_in_dim3A_410, %select_n3A_396 : vector<8x2048xi1>, vector<8x2048xf32>
    %jit3A_412 = arith.constant 5.000000e-01 : f32
    %broadcast_in_dim3A_413 = vector.broadcast %jit3A_412 : f32 to vector<8x2048xf32>
    %select_n3A_414 = arith.select %eq3A_408, %broadcast_in_dim3A_413, %select_n3A_396 : vector<8x2048xi1>, vector<8x2048xf32>
    %or3A_415 = arith.ori %eq3A_405, %eq3A_408 : vector<8x2048xi1>
    %jit3A_416 = arith.constant 5.000000e-01 : f32
    %broadcast_in_dim3A_417 = vector.broadcast %jit3A_416 : f32 to vector<8x2048xf32>
    %select_n3A_418 = arith.select %or3A_415, %broadcast_in_dim3A_417, %select_n3A_396 : vector<8x2048xi1>, vector<8x2048xf32>
    %add3A_419 = arith.addf %add3A_390, %select_n3A_396 : vector<8x2048xf32>
    %add3A_420 = arith.addf %add3A_391, %select_n3A_414 : vector<8x2048xf32>
    %add3A_421 = arith.addf %add3A_392, %select_n3A_411 : vector<8x2048xf32>
    %add3A_422 = arith.addf %add3A_393, %select_n3A_418 : vector<8x2048xf32>
    %jit3A_423 = arith.constant 0.000000e+00 : f32
    %broadcast_in_dim3A_424 = vector.broadcast %jit3A_423 : f32 to vector<8x2048xf32>
    %select_n3A_425 = arith.select %gt3A_87, %convert_element_type3A_61, %broadcast_in_dim3A_424 : vector<8x2048xi1>, vector<8x2048xf32>
    %jit3A_426 = arith.constant 1.000000e+00 : f32
    %jit3A_427 = arith.constant 0.000000e+00 : f32
    %broadcast_in_dim3A_428 = vector.broadcast %jit3A_426 : f32 to vector<8x2048xf32>
    %broadcast_in_dim3A_429 = vector.broadcast %jit3A_427 : f32 to vector<8x2048xf32>
    %select_n3A_430 = arith.select %gt3A_87, %broadcast_in_dim3A_428, %broadcast_in_dim3A_429 : vector<8x2048xi1>, vector<8x2048xf32>
    %add3A_431 = arith.addf %add3A_402, %select_n3A_430 : vector<8x2048xf32>
    %eq3A_432 = arith.constant 6 : i32
    %eq3A_433 = vector.broadcast %eq3A_432 : i32 to vector<8x2048xi32>
    %eq3A_434 = arith.cmpi eq, %select_n3A_171, %eq3A_433 : vector<8x2048xi32>
    %eq3A_435 = arith.constant 6 : i32
    %eq3A_436 = vector.broadcast %eq3A_435 : i32 to vector<8x2048xi32>
    %eq3A_437 = arith.cmpi eq, %select_n3A_242, %eq3A_436 : vector<8x2048xi32>
    %jit3A_438 = arith.constant 5.000000e-01 : f32
    %broadcast_in_dim3A_439 = vector.broadcast %jit3A_438 : f32 to vector<8x2048xf32>
    %select_n3A_440 = arith.select %eq3A_434, %broadcast_in_dim3A_439, %select_n3A_425 : vector<8x2048xi1>, vector<8x2048xf32>
    %jit3A_441 = arith.constant 5.000000e-01 : f32
    %broadcast_in_dim3A_442 = vector.broadcast %jit3A_441 : f32 to vector<8x2048xf32>
    %select_n3A_443 = arith.select %eq3A_437, %broadcast_in_dim3A_442, %select_n3A_425 : vector<8x2048xi1>, vector<8x2048xf32>
    %or3A_444 = arith.ori %eq3A_434, %eq3A_437 : vector<8x2048xi1>
    %jit3A_445 = arith.constant 5.000000e-01 : f32
    %broadcast_in_dim3A_446 = vector.broadcast %jit3A_445 : f32 to vector<8x2048xf32>
    %select_n3A_447 = arith.select %or3A_444, %broadcast_in_dim3A_446, %select_n3A_425 : vector<8x2048xi1>, vector<8x2048xf32>
    %add3A_448 = arith.addf %add3A_419, %select_n3A_425 : vector<8x2048xf32>
    %add3A_449 = arith.addf %add3A_420, %select_n3A_443 : vector<8x2048xf32>
    %add3A_450 = arith.addf %add3A_421, %select_n3A_440 : vector<8x2048xf32>
    %add3A_451 = arith.addf %add3A_422, %select_n3A_447 : vector<8x2048xf32>
    %jit3A_452 = arith.constant 0.000000e+00 : f32
    %broadcast_in_dim3A_453 = vector.broadcast %jit3A_452 : f32 to vector<8x2048xf32>
    %select_n3A_454 = arith.select %gt3A_90, %convert_element_type3A_63, %broadcast_in_dim3A_453 : vector<8x2048xi1>, vector<8x2048xf32>
    %jit3A_455 = arith.constant 1.000000e+00 : f32
    %jit3A_456 = arith.constant 0.000000e+00 : f32
    %broadcast_in_dim3A_457 = vector.broadcast %jit3A_455 : f32 to vector<8x2048xf32>
    %broadcast_in_dim3A_458 = vector.broadcast %jit3A_456 : f32 to vector<8x2048xf32>
    %select_n3A_459 = arith.select %gt3A_90, %broadcast_in_dim3A_457, %broadcast_in_dim3A_458 : vector<8x2048xi1>, vector<8x2048xf32>
    %add3A_460 = arith.addf %add3A_431, %select_n3A_459 : vector<8x2048xf32>
    %eq3A_461 = arith.constant 7 : i32
    %eq3A_462 = vector.broadcast %eq3A_461 : i32 to vector<8x2048xi32>
    %eq3A_463 = arith.cmpi eq, %select_n3A_171, %eq3A_462 : vector<8x2048xi32>
    %eq3A_464 = arith.constant 7 : i32
    %eq3A_465 = vector.broadcast %eq3A_464 : i32 to vector<8x2048xi32>
    %eq3A_466 = arith.cmpi eq, %select_n3A_242, %eq3A_465 : vector<8x2048xi32>
    %jit3A_467 = arith.constant 5.000000e-01 : f32
    %broadcast_in_dim3A_468 = vector.broadcast %jit3A_467 : f32 to vector<8x2048xf32>
    %select_n3A_469 = arith.select %eq3A_463, %broadcast_in_dim3A_468, %select_n3A_454 : vector<8x2048xi1>, vector<8x2048xf32>
    %jit3A_470 = arith.constant 5.000000e-01 : f32
    %broadcast_in_dim3A_471 = vector.broadcast %jit3A_470 : f32 to vector<8x2048xf32>
    %select_n3A_472 = arith.select %eq3A_466, %broadcast_in_dim3A_471, %select_n3A_454 : vector<8x2048xi1>, vector<8x2048xf32>
    %or3A_473 = arith.ori %eq3A_463, %eq3A_466 : vector<8x2048xi1>
    %jit3A_474 = arith.constant 5.000000e-01 : f32
    %broadcast_in_dim3A_475 = vector.broadcast %jit3A_474 : f32 to vector<8x2048xf32>
    %select_n3A_476 = arith.select %or3A_473, %broadcast_in_dim3A_475, %select_n3A_454 : vector<8x2048xi1>, vector<8x2048xf32>
    %add3A_477 = arith.addf %add3A_448, %select_n3A_454 : vector<8x2048xf32>
    %add3A_478 = arith.addf %add3A_449, %select_n3A_472 : vector<8x2048xf32>
    %add3A_479 = arith.addf %add3A_450, %select_n3A_469 : vector<8x2048xf32>
    %add3A_480 = arith.addf %add3A_451, %select_n3A_476 : vector<8x2048xf32>
    %jit3A_481 = arith.constant 0.000000e+00 : f32
    %broadcast_in_dim3A_482 = vector.broadcast %jit3A_481 : f32 to vector<8x2048xf32>
    %select_n3A_483 = arith.select %gt3A_93, %convert_element_type3A_65, %broadcast_in_dim3A_482 : vector<8x2048xi1>, vector<8x2048xf32>
    %jit3A_484 = arith.constant 1.000000e+00 : f32
    %jit3A_485 = arith.constant 0.000000e+00 : f32
    %broadcast_in_dim3A_486 = vector.broadcast %jit3A_484 : f32 to vector<8x2048xf32>
    %broadcast_in_dim3A_487 = vector.broadcast %jit3A_485 : f32 to vector<8x2048xf32>
    %select_n3A_488 = arith.select %gt3A_93, %broadcast_in_dim3A_486, %broadcast_in_dim3A_487 : vector<8x2048xi1>, vector<8x2048xf32>
    %add3A_489 = arith.addf %add3A_460, %select_n3A_488 : vector<8x2048xf32>
    %eq3A_490 = arith.constant 8 : i32
    %eq3A_491 = vector.broadcast %eq3A_490 : i32 to vector<8x2048xi32>
    %eq3A_492 = arith.cmpi eq, %select_n3A_171, %eq3A_491 : vector<8x2048xi32>
    %eq3A_493 = arith.constant 8 : i32
    %eq3A_494 = vector.broadcast %eq3A_493 : i32 to vector<8x2048xi32>
    %eq3A_495 = arith.cmpi eq, %select_n3A_242, %eq3A_494 : vector<8x2048xi32>
    %jit3A_496 = arith.constant 5.000000e-01 : f32
    %broadcast_in_dim3A_497 = vector.broadcast %jit3A_496 : f32 to vector<8x2048xf32>
    %select_n3A_498 = arith.select %eq3A_492, %broadcast_in_dim3A_497, %select_n3A_483 : vector<8x2048xi1>, vector<8x2048xf32>
    %jit3A_499 = arith.constant 5.000000e-01 : f32
    %broadcast_in_dim3A_500 = vector.broadcast %jit3A_499 : f32 to vector<8x2048xf32>
    %select_n3A_501 = arith.select %eq3A_495, %broadcast_in_dim3A_500, %select_n3A_483 : vector<8x2048xi1>, vector<8x2048xf32>
    %or3A_502 = arith.ori %eq3A_492, %eq3A_495 : vector<8x2048xi1>
    %jit3A_503 = arith.constant 5.000000e-01 : f32
    %broadcast_in_dim3A_504 = vector.broadcast %jit3A_503 : f32 to vector<8x2048xf32>
    %select_n3A_505 = arith.select %or3A_502, %broadcast_in_dim3A_504, %select_n3A_483 : vector<8x2048xi1>, vector<8x2048xf32>
    %add3A_506 = arith.addf %add3A_477, %select_n3A_483 : vector<8x2048xf32>
    %add3A_507 = arith.addf %add3A_478, %select_n3A_501 : vector<8x2048xf32>
    %add3A_508 = arith.addf %add3A_479, %select_n3A_498 : vector<8x2048xf32>
    %add3A_509 = arith.addf %add3A_480, %select_n3A_505 : vector<8x2048xf32>
    %jit3A_510 = arith.constant 0.000000e+00 : f32
    %broadcast_in_dim3A_511 = vector.broadcast %jit3A_510 : f32 to vector<8x2048xf32>
    %select_n3A_512 = arith.select %gt3A_96, %convert_element_type3A_67, %broadcast_in_dim3A_511 : vector<8x2048xi1>, vector<8x2048xf32>
    %jit3A_513 = arith.constant 1.000000e+00 : f32
    %jit3A_514 = arith.constant 0.000000e+00 : f32
    %broadcast_in_dim3A_515 = vector.broadcast %jit3A_513 : f32 to vector<8x2048xf32>
    %broadcast_in_dim3A_516 = vector.broadcast %jit3A_514 : f32 to vector<8x2048xf32>
    %select_n3A_517 = arith.select %gt3A_96, %broadcast_in_dim3A_515, %broadcast_in_dim3A_516 : vector<8x2048xi1>, vector<8x2048xf32>
    %add3A_518 = arith.addf %add3A_489, %select_n3A_517 : vector<8x2048xf32>
    %eq3A_519 = arith.constant 9 : i32
    %eq3A_520 = vector.broadcast %eq3A_519 : i32 to vector<8x2048xi32>
    %eq3A_521 = arith.cmpi eq, %select_n3A_171, %eq3A_520 : vector<8x2048xi32>
    %eq3A_522 = arith.constant 9 : i32
    %eq3A_523 = vector.broadcast %eq3A_522 : i32 to vector<8x2048xi32>
    %eq3A_524 = arith.cmpi eq, %select_n3A_242, %eq3A_523 : vector<8x2048xi32>
    %jit3A_525 = arith.constant 5.000000e-01 : f32
    %broadcast_in_dim3A_526 = vector.broadcast %jit3A_525 : f32 to vector<8x2048xf32>
    %select_n3A_527 = arith.select %eq3A_521, %broadcast_in_dim3A_526, %select_n3A_512 : vector<8x2048xi1>, vector<8x2048xf32>
    %jit3A_528 = arith.constant 5.000000e-01 : f32
    %broadcast_in_dim3A_529 = vector.broadcast %jit3A_528 : f32 to vector<8x2048xf32>
    %select_n3A_530 = arith.select %eq3A_524, %broadcast_in_dim3A_529, %select_n3A_512 : vector<8x2048xi1>, vector<8x2048xf32>
    %or3A_531 = arith.ori %eq3A_521, %eq3A_524 : vector<8x2048xi1>
    %jit3A_532 = arith.constant 5.000000e-01 : f32
    %broadcast_in_dim3A_533 = vector.broadcast %jit3A_532 : f32 to vector<8x2048xf32>
    %select_n3A_534 = arith.select %or3A_531, %broadcast_in_dim3A_533, %select_n3A_512 : vector<8x2048xi1>, vector<8x2048xf32>
    %add3A_535 = arith.addf %add3A_506, %select_n3A_512 : vector<8x2048xf32>
    %add3A_536 = arith.addf %add3A_507, %select_n3A_530 : vector<8x2048xf32>
    %add3A_537 = arith.addf %add3A_508, %select_n3A_527 : vector<8x2048xf32>
    %add3A_538 = arith.addf %add3A_509, %select_n3A_534 : vector<8x2048xf32>
    %jit3A_539 = arith.constant 1.000000e+00 : f32
    %jit3A_540 = arith.constant 0.000000e+00 : f32
    %broadcast_in_dim3A_541 = vector.broadcast %jit3A_539 : f32 to vector<8x2048xf32>
    %broadcast_in_dim3A_542 = vector.broadcast %jit3A_540 : f32 to vector<8x2048xf32>
    %select_n3A_543 = arith.select %lt3A_244, %broadcast_in_dim3A_541, %broadcast_in_dim3A_542 : vector<8x2048xi1>, vector<8x2048xf32>
    %jit3A_544 = arith.constant 1.000000e+00 : f32
    %jit3A_545 = arith.constant 0.000000e+00 : f32
    %broadcast_in_dim3A_546 = vector.broadcast %jit3A_544 : f32 to vector<8x2048xf32>
    %broadcast_in_dim3A_547 = vector.broadcast %jit3A_545 : f32 to vector<8x2048xf32>
    %select_n3A_548 = arith.select %lt3A_247, %broadcast_in_dim3A_546, %broadcast_in_dim3A_547 : vector<8x2048xi1>, vector<8x2048xf32>
    %add3A_549 = arith.addf %add3A_518, %select_n3A_548 : vector<8x2048xf32>
    %add3A_550 = arith.addf %add3A_518, %select_n3A_543 : vector<8x2048xf32>
    %add3A_551 = arith.addf %add3A_518, %select_n3A_543 : vector<8x2048xf32>
    %add3A_552 = arith.addf %add3A_551, %select_n3A_548 : vector<8x2048xf32>
    %and3A_553 = arith.andi %lt3A_244, %lt3A_247 : vector<8x2048xi1>
    %add3A_554 = arith.addf %add3A_142, %add3A_518 : vector<8x2048xf32>
    %mul3A_555 = arith.constant 2.000000e+00 : f32
    %mul3A_556 = vector.broadcast %mul3A_555 : f32 to vector<8x2048xf32>
    %mul3A_557 = arith.mulf %mul3A_556, %add3A_535 : vector<8x2048xf32>
    %sub3A = arith.subf %add3A_554, %mul3A_557 : vector<8x2048xf32>
    %max3A = arith.constant 0.000000e+00 : f32
    %max3A_558 = vector.broadcast %max3A : f32 to vector<8x2048xf32>
    %max3A_559 = arith.maximumf %sub3A, %max3A_558 : vector<8x2048xf32>
    %sqrt3A = math.sqrt %max3A_559 : vector<8x2048xf32>
    %broadcast_in_dim3A_560 = arith.constant 0 : i32
    %broadcast_in_dim3A_561 = vector.broadcast %broadcast_in_dim3A_560 : i32 to vector<8x2048xi32>
    %broadcast_in_dim3A_562 = arith.constant 0 : i32
    %broadcast_in_dim3A_563 = vector.broadcast %broadcast_in_dim3A_562 : i32 to vector<8x2048xi32>
    %add3A_564 = arith.addf %add3A_142, %add3A_549 : vector<8x2048xf32>
    %mul3A_565 = arith.constant 2.000000e+00 : f32
    %mul3A_566 = vector.broadcast %mul3A_565 : f32 to vector<8x2048xf32>
    %mul3A_567 = arith.mulf %mul3A_566, %add3A_536 : vector<8x2048xf32>
    %sub3A_568 = arith.subf %add3A_564, %mul3A_567 : vector<8x2048xf32>
    %max3A_569 = arith.constant 0.000000e+00 : f32
    %max3A_570 = vector.broadcast %max3A_569 : f32 to vector<8x2048xf32>
    %max3A_571 = arith.maximumf %sub3A_568, %max3A_570 : vector<8x2048xf32>
    %sqrt3A_572 = math.sqrt %max3A_571 : vector<8x2048xf32>
    %jit3A_573 = arith.constant 0x7F800000 : f32
    %broadcast_in_dim3A_574 = vector.broadcast %jit3A_573 : f32 to vector<8x2048xf32>
    %select_n3A_575 = arith.select %lt3A_247, %sqrt3A_572, %broadcast_in_dim3A_574 : vector<8x2048xi1>, vector<8x2048xf32>
    %lt3A_576 = arith.cmpf olt, %select_n3A_575, %sqrt3A : vector<8x2048xf32>
    %select_n3A_577 = arith.select %lt3A_576, %select_n3A_575, %sqrt3A : vector<8x2048xi1>, vector<8x2048xf32>
    %jit3A_578 = arith.constant 0 : i32
    %broadcast_in_dim3A_579 = vector.broadcast %jit3A_578 : i32 to vector<8x2048xi32>
    %select_n3A_580 = arith.select %lt3A_576, %broadcast_in_dim3A_579, %broadcast_in_dim3A_561 : vector<8x2048xi1>, vector<8x2048xi32>
    %jit3A_581 = arith.constant 1 : i32
    %broadcast_in_dim3A_582 = vector.broadcast %jit3A_581 : i32 to vector<8x2048xi32>
    %select_n3A_583 = arith.select %lt3A_576, %broadcast_in_dim3A_582, %broadcast_in_dim3A_563 : vector<8x2048xi1>, vector<8x2048xi32>
    %add3A_584 = arith.addf %add3A_142, %add3A_550 : vector<8x2048xf32>
    %mul3A_585 = arith.constant 2.000000e+00 : f32
    %mul3A_586 = vector.broadcast %mul3A_585 : f32 to vector<8x2048xf32>
    %mul3A_587 = arith.mulf %mul3A_586, %add3A_537 : vector<8x2048xf32>
    %sub3A_588 = arith.subf %add3A_584, %mul3A_587 : vector<8x2048xf32>
    %max3A_589 = arith.constant 0.000000e+00 : f32
    %max3A_590 = vector.broadcast %max3A_589 : f32 to vector<8x2048xf32>
    %max3A_591 = arith.maximumf %sub3A_588, %max3A_590 : vector<8x2048xf32>
    %sqrt3A_592 = math.sqrt %max3A_591 : vector<8x2048xf32>
    %jit3A_593 = arith.constant 0x7F800000 : f32
    %broadcast_in_dim3A_594 = vector.broadcast %jit3A_593 : f32 to vector<8x2048xf32>
    %select_n3A_595 = arith.select %lt3A_244, %sqrt3A_592, %broadcast_in_dim3A_594 : vector<8x2048xi1>, vector<8x2048xf32>
    %lt3A_596 = arith.cmpf olt, %select_n3A_595, %select_n3A_577 : vector<8x2048xf32>
    %select_n3A_597 = arith.select %lt3A_596, %select_n3A_595, %select_n3A_577 : vector<8x2048xi1>, vector<8x2048xf32>
    %jit3A_598 = arith.constant 1 : i32
    %broadcast_in_dim3A_599 = vector.broadcast %jit3A_598 : i32 to vector<8x2048xi32>
    %select_n3A_600 = arith.select %lt3A_596, %broadcast_in_dim3A_599, %select_n3A_580 : vector<8x2048xi1>, vector<8x2048xi32>
    %jit3A_601 = arith.constant 0 : i32
    %broadcast_in_dim3A_602 = vector.broadcast %jit3A_601 : i32 to vector<8x2048xi32>
    %select_n3A_603 = arith.select %lt3A_596, %broadcast_in_dim3A_602, %select_n3A_583 : vector<8x2048xi1>, vector<8x2048xi32>
    %add3A_604 = arith.addf %add3A_142, %add3A_552 : vector<8x2048xf32>
    %mul3A_605 = arith.constant 2.000000e+00 : f32
    %mul3A_606 = vector.broadcast %mul3A_605 : f32 to vector<8x2048xf32>
    %mul3A_607 = arith.mulf %mul3A_606, %add3A_538 : vector<8x2048xf32>
    %sub3A_608 = arith.subf %add3A_604, %mul3A_607 : vector<8x2048xf32>
    %max3A_609 = arith.constant 0.000000e+00 : f32
    %max3A_610 = vector.broadcast %max3A_609 : f32 to vector<8x2048xf32>
    %max3A_611 = arith.maximumf %sub3A_608, %max3A_610 : vector<8x2048xf32>
    %sqrt3A_612 = math.sqrt %max3A_611 : vector<8x2048xf32>
    %jit3A_613 = arith.constant 0x7F800000 : f32
    %broadcast_in_dim3A_614 = vector.broadcast %jit3A_613 : f32 to vector<8x2048xf32>
    %select_n3A_615 = arith.select %and3A_553, %sqrt3A_612, %broadcast_in_dim3A_614 : vector<8x2048xi1>, vector<8x2048xf32>
    %lt3A_616 = arith.cmpf olt, %select_n3A_615, %select_n3A_597 : vector<8x2048xf32>
    %jit3A_617 = arith.constant 1 : i32
    %broadcast_in_dim3A_618 = vector.broadcast %jit3A_617 : i32 to vector<8x2048xi32>
    %select_n3A_619 = arith.select %lt3A_616, %broadcast_in_dim3A_618, %select_n3A_600 : vector<8x2048xi1>, vector<8x2048xi32>
    %jit3A_620 = arith.constant 1 : i32
    %broadcast_in_dim3A_621 = vector.broadcast %jit3A_620 : i32 to vector<8x2048xi32>
    %select_n3A_622 = arith.select %lt3A_616, %broadcast_in_dim3A_621, %select_n3A_603 : vector<8x2048xi1>, vector<8x2048xi32>
    %eq3A_623 = arith.constant 1 : i32
    %eq3A_624 = vector.broadcast %eq3A_623 : i32 to vector<8x2048xi32>
    %eq3A_625 = arith.cmpi eq, %select_n3A_619, %eq3A_624 : vector<8x2048xi32>
    %eq3A_626 = arith.constant 1 : i32
    %eq3A_627 = vector.broadcast %eq3A_626 : i32 to vector<8x2048xi32>
    %eq3A_628 = arith.cmpi eq, %select_n3A_622, %eq3A_627 : vector<8x2048xi32>
    %broadcast_in_dim3A_629 = arith.constant 0 : i32
    %broadcast_in_dim3A_630 = vector.broadcast %broadcast_in_dim3A_629 : i32 to vector<8x2048xi32>
    %broadcast_in_dim3A_631 = arith.constant 0.000000e+00 : f32
    %broadcast_in_dim3A_632 = vector.broadcast %broadcast_in_dim3A_631 : f32 to vector<8x2048xf32>
    %eq3A_633 = arith.constant 0 : i32
    %eq3A_634 = vector.broadcast %eq3A_633 : i32 to vector<8x2048xi32>
    %eq3A_635 = arith.cmpi eq, %select_n3A_171, %eq3A_634 : vector<8x2048xi32>
    %and3A_636 = arith.andi %eq3A_625, %eq3A_635 : vector<8x2048xi1>
    %or3A_637 = arith.ori %gt3A_69, %and3A_636 : vector<8x2048xi1>
    %eq3A_638 = arith.constant 0 : i32
    %eq3A_639 = vector.broadcast %eq3A_638 : i32 to vector<8x2048xi32>
    %eq3A_640 = arith.cmpi eq, %select_n3A_242, %eq3A_639 : vector<8x2048xi32>
    %and3A_641 = arith.andi %eq3A_628, %eq3A_640 : vector<8x2048xi1>
    %or3A_642 = arith.ori %or3A_637, %and3A_641 : vector<8x2048xi1>
    %jit3A_643 = arith.constant 1.000000e+00 : f32
    %jit3A_644 = arith.constant 0.000000e+00 : f32
    %broadcast_in_dim3A_645 = vector.broadcast %jit3A_643 : f32 to vector<8x2048xf32>
    %broadcast_in_dim3A_646 = vector.broadcast %jit3A_644 : f32 to vector<8x2048xf32>
    %select_n3A_647 = arith.select %or3A_642, %broadcast_in_dim3A_645, %broadcast_in_dim3A_646 : vector<8x2048xi1>, vector<8x2048xf32>
    %jit3A_648 = arith.constant 512 : i32
    %jit3A_649 = arith.constant 0 : i32
    %broadcast_in_dim3A_650 = vector.broadcast %jit3A_648 : i32 to vector<8x2048xi32>
    %broadcast_in_dim3A_651 = vector.broadcast %jit3A_649 : i32 to vector<8x2048xi32>
    %select_n3A_652 = arith.select %or3A_642, %broadcast_in_dim3A_650, %broadcast_in_dim3A_651 : vector<8x2048xi1>, vector<8x2048xi32>
    %add3A_653 = arith.addi %broadcast_in_dim3A_630, %select_n3A_652 : vector<8x2048xi32>
    %sub3A_654 = arith.subf %select_n3A_647, %get3A_3 : vector<8x2048xf32>
    %mul3A_655 = arith.mulf %sub3A_654, %sub3A_654 : vector<8x2048xf32>
    %add3A_656 = arith.addf %broadcast_in_dim3A_632, %mul3A_655 : vector<8x2048xf32>
    %eq3A_657 = arith.constant 1 : i32
    %eq3A_658 = vector.broadcast %eq3A_657 : i32 to vector<8x2048xi32>
    %eq3A_659 = arith.cmpi eq, %select_n3A_171, %eq3A_658 : vector<8x2048xi32>
    %and3A_660 = arith.andi %eq3A_625, %eq3A_659 : vector<8x2048xi1>
    %or3A_661 = arith.ori %gt3A_72, %and3A_660 : vector<8x2048xi1>
    %eq3A_662 = arith.constant 1 : i32
    %eq3A_663 = vector.broadcast %eq3A_662 : i32 to vector<8x2048xi32>
    %eq3A_664 = arith.cmpi eq, %select_n3A_242, %eq3A_663 : vector<8x2048xi32>
    %and3A_665 = arith.andi %eq3A_628, %eq3A_664 : vector<8x2048xi1>
    %or3A_666 = arith.ori %or3A_661, %and3A_665 : vector<8x2048xi1>
    %jit3A_667 = arith.constant 1.000000e+00 : f32
    %jit3A_668 = arith.constant 0.000000e+00 : f32
    %broadcast_in_dim3A_669 = vector.broadcast %jit3A_667 : f32 to vector<8x2048xf32>
    %broadcast_in_dim3A_670 = vector.broadcast %jit3A_668 : f32 to vector<8x2048xf32>
    %select_n3A_671 = arith.select %or3A_666, %broadcast_in_dim3A_669, %broadcast_in_dim3A_670 : vector<8x2048xi1>, vector<8x2048xf32>
    %jit3A_672 = arith.constant 256 : i32
    %jit3A_673 = arith.constant 0 : i32
    %broadcast_in_dim3A_674 = vector.broadcast %jit3A_672 : i32 to vector<8x2048xi32>
    %broadcast_in_dim3A_675 = vector.broadcast %jit3A_673 : i32 to vector<8x2048xi32>
    %select_n3A_676 = arith.select %or3A_666, %broadcast_in_dim3A_674, %broadcast_in_dim3A_675 : vector<8x2048xi1>, vector<8x2048xi32>
    %add3A_677 = arith.addi %add3A_653, %select_n3A_676 : vector<8x2048xi32>
    %sub3A_678 = arith.subf %select_n3A_671, %get3A_8 : vector<8x2048xf32>
    %mul3A_679 = arith.mulf %sub3A_678, %sub3A_678 : vector<8x2048xf32>
    %add3A_680 = arith.addf %add3A_656, %mul3A_679 : vector<8x2048xf32>
    %eq3A_681 = arith.constant 2 : i32
    %eq3A_682 = vector.broadcast %eq3A_681 : i32 to vector<8x2048xi32>
    %eq3A_683 = arith.cmpi eq, %select_n3A_171, %eq3A_682 : vector<8x2048xi32>
    %and3A_684 = arith.andi %eq3A_625, %eq3A_683 : vector<8x2048xi1>
    %or3A_685 = arith.ori %gt3A_75, %and3A_684 : vector<8x2048xi1>
    %eq3A_686 = arith.constant 2 : i32
    %eq3A_687 = vector.broadcast %eq3A_686 : i32 to vector<8x2048xi32>
    %eq3A_688 = arith.cmpi eq, %select_n3A_242, %eq3A_687 : vector<8x2048xi32>
    %and3A_689 = arith.andi %eq3A_628, %eq3A_688 : vector<8x2048xi1>
    %or3A_690 = arith.ori %or3A_685, %and3A_689 : vector<8x2048xi1>
    %jit3A_691 = arith.constant 1.000000e+00 : f32
    %jit3A_692 = arith.constant 0.000000e+00 : f32
    %broadcast_in_dim3A_693 = vector.broadcast %jit3A_691 : f32 to vector<8x2048xf32>
    %broadcast_in_dim3A_694 = vector.broadcast %jit3A_692 : f32 to vector<8x2048xf32>
    %select_n3A_695 = arith.select %or3A_690, %broadcast_in_dim3A_693, %broadcast_in_dim3A_694 : vector<8x2048xi1>, vector<8x2048xf32>
    %jit3A_696 = arith.constant 128 : i32
    %jit3A_697 = arith.constant 0 : i32
    %broadcast_in_dim3A_698 = vector.broadcast %jit3A_696 : i32 to vector<8x2048xi32>
    %broadcast_in_dim3A_699 = vector.broadcast %jit3A_697 : i32 to vector<8x2048xi32>
    %select_n3A_700 = arith.select %or3A_690, %broadcast_in_dim3A_698, %broadcast_in_dim3A_699 : vector<8x2048xi1>, vector<8x2048xi32>
    %add3A_701 = arith.addi %add3A_677, %select_n3A_700 : vector<8x2048xi32>
    %sub3A_702 = arith.subf %select_n3A_695, %get3A_13 : vector<8x2048xf32>
    %mul3A_703 = arith.mulf %sub3A_702, %sub3A_702 : vector<8x2048xf32>
    %add3A_704 = arith.addf %add3A_680, %mul3A_703 : vector<8x2048xf32>
    %eq3A_705 = arith.constant 3 : i32
    %eq3A_706 = vector.broadcast %eq3A_705 : i32 to vector<8x2048xi32>
    %eq3A_707 = arith.cmpi eq, %select_n3A_171, %eq3A_706 : vector<8x2048xi32>
    %and3A_708 = arith.andi %eq3A_625, %eq3A_707 : vector<8x2048xi1>
    %or3A_709 = arith.ori %gt3A_78, %and3A_708 : vector<8x2048xi1>
    %eq3A_710 = arith.constant 3 : i32
    %eq3A_711 = vector.broadcast %eq3A_710 : i32 to vector<8x2048xi32>
    %eq3A_712 = arith.cmpi eq, %select_n3A_242, %eq3A_711 : vector<8x2048xi32>
    %and3A_713 = arith.andi %eq3A_628, %eq3A_712 : vector<8x2048xi1>
    %or3A_714 = arith.ori %or3A_709, %and3A_713 : vector<8x2048xi1>
    %jit3A_715 = arith.constant 1.000000e+00 : f32
    %jit3A_716 = arith.constant 0.000000e+00 : f32
    %broadcast_in_dim3A_717 = vector.broadcast %jit3A_715 : f32 to vector<8x2048xf32>
    %broadcast_in_dim3A_718 = vector.broadcast %jit3A_716 : f32 to vector<8x2048xf32>
    %select_n3A_719 = arith.select %or3A_714, %broadcast_in_dim3A_717, %broadcast_in_dim3A_718 : vector<8x2048xi1>, vector<8x2048xf32>
    %jit3A_720 = arith.constant 64 : i32
    %jit3A_721 = arith.constant 0 : i32
    %broadcast_in_dim3A_722 = vector.broadcast %jit3A_720 : i32 to vector<8x2048xi32>
    %broadcast_in_dim3A_723 = vector.broadcast %jit3A_721 : i32 to vector<8x2048xi32>
    %select_n3A_724 = arith.select %or3A_714, %broadcast_in_dim3A_722, %broadcast_in_dim3A_723 : vector<8x2048xi1>, vector<8x2048xi32>
    %add3A_725 = arith.addi %add3A_701, %select_n3A_724 : vector<8x2048xi32>
    %sub3A_726 = arith.subf %select_n3A_719, %get3A_18 : vector<8x2048xf32>
    %mul3A_727 = arith.mulf %sub3A_726, %sub3A_726 : vector<8x2048xf32>
    %add3A_728 = arith.addf %add3A_704, %mul3A_727 : vector<8x2048xf32>
    %eq3A_729 = arith.constant 4 : i32
    %eq3A_730 = vector.broadcast %eq3A_729 : i32 to vector<8x2048xi32>
    %eq3A_731 = arith.cmpi eq, %select_n3A_171, %eq3A_730 : vector<8x2048xi32>
    %and3A_732 = arith.andi %eq3A_625, %eq3A_731 : vector<8x2048xi1>
    %or3A_733 = arith.ori %gt3A_81, %and3A_732 : vector<8x2048xi1>
    %eq3A_734 = arith.constant 4 : i32
    %eq3A_735 = vector.broadcast %eq3A_734 : i32 to vector<8x2048xi32>
    %eq3A_736 = arith.cmpi eq, %select_n3A_242, %eq3A_735 : vector<8x2048xi32>
    %and3A_737 = arith.andi %eq3A_628, %eq3A_736 : vector<8x2048xi1>
    %or3A_738 = arith.ori %or3A_733, %and3A_737 : vector<8x2048xi1>
    %jit3A_739 = arith.constant 1.000000e+00 : f32
    %jit3A_740 = arith.constant 0.000000e+00 : f32
    %broadcast_in_dim3A_741 = vector.broadcast %jit3A_739 : f32 to vector<8x2048xf32>
    %broadcast_in_dim3A_742 = vector.broadcast %jit3A_740 : f32 to vector<8x2048xf32>
    %select_n3A_743 = arith.select %or3A_738, %broadcast_in_dim3A_741, %broadcast_in_dim3A_742 : vector<8x2048xi1>, vector<8x2048xf32>
    %jit3A_744 = arith.constant 32 : i32
    %jit3A_745 = arith.constant 0 : i32
    %broadcast_in_dim3A_746 = vector.broadcast %jit3A_744 : i32 to vector<8x2048xi32>
    %broadcast_in_dim3A_747 = vector.broadcast %jit3A_745 : i32 to vector<8x2048xi32>
    %select_n3A_748 = arith.select %or3A_738, %broadcast_in_dim3A_746, %broadcast_in_dim3A_747 : vector<8x2048xi1>, vector<8x2048xi32>
    %add3A_749 = arith.addi %add3A_725, %select_n3A_748 : vector<8x2048xi32>
    %sub3A_750 = arith.subf %select_n3A_743, %get3A_23 : vector<8x2048xf32>
    %mul3A_751 = arith.mulf %sub3A_750, %sub3A_750 : vector<8x2048xf32>
    %add3A_752 = arith.addf %add3A_728, %mul3A_751 : vector<8x2048xf32>
    %eq3A_753 = arith.constant 5 : i32
    %eq3A_754 = vector.broadcast %eq3A_753 : i32 to vector<8x2048xi32>
    %eq3A_755 = arith.cmpi eq, %select_n3A_171, %eq3A_754 : vector<8x2048xi32>
    %and3A_756 = arith.andi %eq3A_625, %eq3A_755 : vector<8x2048xi1>
    %or3A_757 = arith.ori %gt3A_84, %and3A_756 : vector<8x2048xi1>
    %eq3A_758 = arith.constant 5 : i32
    %eq3A_759 = vector.broadcast %eq3A_758 : i32 to vector<8x2048xi32>
    %eq3A_760 = arith.cmpi eq, %select_n3A_242, %eq3A_759 : vector<8x2048xi32>
    %and3A_761 = arith.andi %eq3A_628, %eq3A_760 : vector<8x2048xi1>
    %or3A_762 = arith.ori %or3A_757, %and3A_761 : vector<8x2048xi1>
    %jit3A_763 = arith.constant 1.000000e+00 : f32
    %jit3A_764 = arith.constant 0.000000e+00 : f32
    %broadcast_in_dim3A_765 = vector.broadcast %jit3A_763 : f32 to vector<8x2048xf32>
    %broadcast_in_dim3A_766 = vector.broadcast %jit3A_764 : f32 to vector<8x2048xf32>
    %select_n3A_767 = arith.select %or3A_762, %broadcast_in_dim3A_765, %broadcast_in_dim3A_766 : vector<8x2048xi1>, vector<8x2048xf32>
    %jit3A_768 = arith.constant 16 : i32
    %jit3A_769 = arith.constant 0 : i32
    %broadcast_in_dim3A_770 = vector.broadcast %jit3A_768 : i32 to vector<8x2048xi32>
    %broadcast_in_dim3A_771 = vector.broadcast %jit3A_769 : i32 to vector<8x2048xi32>
    %select_n3A_772 = arith.select %or3A_762, %broadcast_in_dim3A_770, %broadcast_in_dim3A_771 : vector<8x2048xi1>, vector<8x2048xi32>
    %add3A_773 = arith.addi %add3A_749, %select_n3A_772 : vector<8x2048xi32>
    %sub3A_774 = arith.subf %select_n3A_767, %get3A_28 : vector<8x2048xf32>
    %mul3A_775 = arith.mulf %sub3A_774, %sub3A_774 : vector<8x2048xf32>
    %add3A_776 = arith.addf %add3A_752, %mul3A_775 : vector<8x2048xf32>
    %eq3A_777 = arith.constant 6 : i32
    %eq3A_778 = vector.broadcast %eq3A_777 : i32 to vector<8x2048xi32>
    %eq3A_779 = arith.cmpi eq, %select_n3A_171, %eq3A_778 : vector<8x2048xi32>
    %and3A_780 = arith.andi %eq3A_625, %eq3A_779 : vector<8x2048xi1>
    %or3A_781 = arith.ori %gt3A_87, %and3A_780 : vector<8x2048xi1>
    %eq3A_782 = arith.constant 6 : i32
    %eq3A_783 = vector.broadcast %eq3A_782 : i32 to vector<8x2048xi32>
    %eq3A_784 = arith.cmpi eq, %select_n3A_242, %eq3A_783 : vector<8x2048xi32>
    %and3A_785 = arith.andi %eq3A_628, %eq3A_784 : vector<8x2048xi1>
    %or3A_786 = arith.ori %or3A_781, %and3A_785 : vector<8x2048xi1>
    %jit3A_787 = arith.constant 1.000000e+00 : f32
    %jit3A_788 = arith.constant 0.000000e+00 : f32
    %broadcast_in_dim3A_789 = vector.broadcast %jit3A_787 : f32 to vector<8x2048xf32>
    %broadcast_in_dim3A_790 = vector.broadcast %jit3A_788 : f32 to vector<8x2048xf32>
    %select_n3A_791 = arith.select %or3A_786, %broadcast_in_dim3A_789, %broadcast_in_dim3A_790 : vector<8x2048xi1>, vector<8x2048xf32>
    %jit3A_792 = arith.constant 8 : i32
    %jit3A_793 = arith.constant 0 : i32
    %broadcast_in_dim3A_794 = vector.broadcast %jit3A_792 : i32 to vector<8x2048xi32>
    %broadcast_in_dim3A_795 = vector.broadcast %jit3A_793 : i32 to vector<8x2048xi32>
    %select_n3A_796 = arith.select %or3A_786, %broadcast_in_dim3A_794, %broadcast_in_dim3A_795 : vector<8x2048xi1>, vector<8x2048xi32>
    %add3A_797 = arith.addi %add3A_773, %select_n3A_796 : vector<8x2048xi32>
    %sub3A_798 = arith.subf %select_n3A_791, %get3A_33 : vector<8x2048xf32>
    %mul3A_799 = arith.mulf %sub3A_798, %sub3A_798 : vector<8x2048xf32>
    %add3A_800 = arith.addf %add3A_776, %mul3A_799 : vector<8x2048xf32>
    %eq3A_801 = arith.constant 7 : i32
    %eq3A_802 = vector.broadcast %eq3A_801 : i32 to vector<8x2048xi32>
    %eq3A_803 = arith.cmpi eq, %select_n3A_171, %eq3A_802 : vector<8x2048xi32>
    %and3A_804 = arith.andi %eq3A_625, %eq3A_803 : vector<8x2048xi1>
    %or3A_805 = arith.ori %gt3A_90, %and3A_804 : vector<8x2048xi1>
    %eq3A_806 = arith.constant 7 : i32
    %eq3A_807 = vector.broadcast %eq3A_806 : i32 to vector<8x2048xi32>
    %eq3A_808 = arith.cmpi eq, %select_n3A_242, %eq3A_807 : vector<8x2048xi32>
    %and3A_809 = arith.andi %eq3A_628, %eq3A_808 : vector<8x2048xi1>
    %or3A_810 = arith.ori %or3A_805, %and3A_809 : vector<8x2048xi1>
    %jit3A_811 = arith.constant 1.000000e+00 : f32
    %jit3A_812 = arith.constant 0.000000e+00 : f32
    %broadcast_in_dim3A_813 = vector.broadcast %jit3A_811 : f32 to vector<8x2048xf32>
    %broadcast_in_dim3A_814 = vector.broadcast %jit3A_812 : f32 to vector<8x2048xf32>
    %select_n3A_815 = arith.select %or3A_810, %broadcast_in_dim3A_813, %broadcast_in_dim3A_814 : vector<8x2048xi1>, vector<8x2048xf32>
    %jit3A_816 = arith.constant 4 : i32
    %jit3A_817 = arith.constant 0 : i32
    %broadcast_in_dim3A_818 = vector.broadcast %jit3A_816 : i32 to vector<8x2048xi32>
    %broadcast_in_dim3A_819 = vector.broadcast %jit3A_817 : i32 to vector<8x2048xi32>
    %select_n3A_820 = arith.select %or3A_810, %broadcast_in_dim3A_818, %broadcast_in_dim3A_819 : vector<8x2048xi1>, vector<8x2048xi32>
    %add3A_821 = arith.addi %add3A_797, %select_n3A_820 : vector<8x2048xi32>
    %sub3A_822 = arith.subf %select_n3A_815, %get3A_38 : vector<8x2048xf32>
    %mul3A_823 = arith.mulf %sub3A_822, %sub3A_822 : vector<8x2048xf32>
    %add3A_824 = arith.addf %add3A_800, %mul3A_823 : vector<8x2048xf32>
    %eq3A_825 = arith.constant 8 : i32
    %eq3A_826 = vector.broadcast %eq3A_825 : i32 to vector<8x2048xi32>
    %eq3A_827 = arith.cmpi eq, %select_n3A_171, %eq3A_826 : vector<8x2048xi32>
    %and3A_828 = arith.andi %eq3A_625, %eq3A_827 : vector<8x2048xi1>
    %or3A_829 = arith.ori %gt3A_93, %and3A_828 : vector<8x2048xi1>
    %eq3A_830 = arith.constant 8 : i32
    %eq3A_831 = vector.broadcast %eq3A_830 : i32 to vector<8x2048xi32>
    %eq3A_832 = arith.cmpi eq, %select_n3A_242, %eq3A_831 : vector<8x2048xi32>
    %and3A_833 = arith.andi %eq3A_628, %eq3A_832 : vector<8x2048xi1>
    %or3A_834 = arith.ori %or3A_829, %and3A_833 : vector<8x2048xi1>
    %jit3A_835 = arith.constant 1.000000e+00 : f32
    %jit3A_836 = arith.constant 0.000000e+00 : f32
    %broadcast_in_dim3A_837 = vector.broadcast %jit3A_835 : f32 to vector<8x2048xf32>
    %broadcast_in_dim3A_838 = vector.broadcast %jit3A_836 : f32 to vector<8x2048xf32>
    %select_n3A_839 = arith.select %or3A_834, %broadcast_in_dim3A_837, %broadcast_in_dim3A_838 : vector<8x2048xi1>, vector<8x2048xf32>
    %jit3A_840 = arith.constant 2 : i32
    %jit3A_841 = arith.constant 0 : i32
    %broadcast_in_dim3A_842 = vector.broadcast %jit3A_840 : i32 to vector<8x2048xi32>
    %broadcast_in_dim3A_843 = vector.broadcast %jit3A_841 : i32 to vector<8x2048xi32>
    %select_n3A_844 = arith.select %or3A_834, %broadcast_in_dim3A_842, %broadcast_in_dim3A_843 : vector<8x2048xi1>, vector<8x2048xi32>
    %add3A_845 = arith.addi %add3A_821, %select_n3A_844 : vector<8x2048xi32>
    %sub3A_846 = arith.subf %select_n3A_839, %get3A_43 : vector<8x2048xf32>
    %mul3A_847 = arith.mulf %sub3A_846, %sub3A_846 : vector<8x2048xf32>
    %add3A_848 = arith.addf %add3A_824, %mul3A_847 : vector<8x2048xf32>
    %eq3A_849 = arith.constant 9 : i32
    %eq3A_850 = vector.broadcast %eq3A_849 : i32 to vector<8x2048xi32>
    %eq3A_851 = arith.cmpi eq, %select_n3A_171, %eq3A_850 : vector<8x2048xi32>
    %and3A_852 = arith.andi %eq3A_625, %eq3A_851 : vector<8x2048xi1>
    %or3A_853 = arith.ori %gt3A_96, %and3A_852 : vector<8x2048xi1>
    %eq3A_854 = arith.constant 9 : i32
    %eq3A_855 = vector.broadcast %eq3A_854 : i32 to vector<8x2048xi32>
    %eq3A_856 = arith.cmpi eq, %select_n3A_242, %eq3A_855 : vector<8x2048xi32>
    %and3A_857 = arith.andi %eq3A_628, %eq3A_856 : vector<8x2048xi1>
    %or3A_858 = arith.ori %or3A_853, %and3A_857 : vector<8x2048xi1>
    %jit3A_859 = arith.constant 1.000000e+00 : f32
    %jit3A_860 = arith.constant 0.000000e+00 : f32
    %broadcast_in_dim3A_861 = vector.broadcast %jit3A_859 : f32 to vector<8x2048xf32>
    %broadcast_in_dim3A_862 = vector.broadcast %jit3A_860 : f32 to vector<8x2048xf32>
    %select_n3A_863 = arith.select %or3A_858, %broadcast_in_dim3A_861, %broadcast_in_dim3A_862 : vector<8x2048xi1>, vector<8x2048xf32>
    %jit3A_864 = arith.constant 1 : i32
    %jit3A_865 = arith.constant 0 : i32
    %broadcast_in_dim3A_866 = vector.broadcast %jit3A_864 : i32 to vector<8x2048xi32>
    %broadcast_in_dim3A_867 = vector.broadcast %jit3A_865 : i32 to vector<8x2048xi32>
    %select_n3A_868 = arith.select %or3A_858, %broadcast_in_dim3A_866, %broadcast_in_dim3A_867 : vector<8x2048xi1>, vector<8x2048xi32>
    %add3A_869 = arith.addi %add3A_845, %select_n3A_868 : vector<8x2048xi32>
    %sub3A_870 = arith.subf %select_n3A_863, %get3A_48 : vector<8x2048xf32>
    %mul3A_871 = arith.mulf %sub3A_870, %sub3A_870 : vector<8x2048xf32>
    %add3A_872 = arith.addf %add3A_848, %mul3A_871 : vector<8x2048xf32>
    %swap3A = arith.constant 0 : index
    %swap3A_873 = arith.constant 0 : index
    %swap3A_874 = vector.load %arg2[%swap3A, %swap3A_873] : memref<8x2048xi32, #tpu.memory_space<vmem>>, vector<8x2048xi32>
    tpu.vector_store %arg2[%swap3A, %swap3A_873], %add3A_869 {strides = array<i32>} : memref<8x2048xi32, #tpu.memory_space<vmem>>, vector<8x2048xi32>,
    %eq3A_875 = arith.constant 0 : i32
    %eq3A_876 = arith.cmpi eq, %arg0, %eq3A_875 : i32
    %convert_element_type3A_877 = arith.extui %eq3A_876 : i1 to i32
    %cond3A = arith.constant 0 : i32
    %cond3A_878 = arith.cmpi ne, %convert_element_type3A_877, %cond3A : i32
    scf.if %cond3A_878 {
      %broadcast_in_dim3A_894 = arith.constant 0.000000e+00 : f32
      %broadcast_in_dim3A_895 = vector.broadcast %broadcast_in_dim3A_894 : f32 to vector<1x1xf32>
      %swap3A_896 = arith.constant 0 : index
      %swap3A_897 = arith.constant 0 : index
      %swap3A_898 = vector.load %arg3[%swap3A_896, %swap3A_897] : memref<1x1xf32, #tpu.memory_space<vmem>>, vector<1x1xf32>
      tpu.vector_store %arg3[%swap3A_896, %swap3A_897], %broadcast_in_dim3A_895 {strides = array<i32>} : memref<1x1xf32, #tpu.memory_space<vmem>>, vector<1x1xf32>,
    } else {
    }
    %get3A_879 = arith.constant 0 : index
    %get3A_880 = arith.constant 0 : index
    %get3A_881 = vector.load %arg3[%get3A_879, %get3A_880] : memref<1x1xf32, #tpu.memory_space<vmem>>, vector<1x1xf32>
    %reduce_sum3A = vector.shape_cast %add3A_872 : vector<8x2048xf32> to vector<1x8x2048xf32>
    %reduce_sum3A_882 = arith.constant dense<0.000000e+00> : vector<1xf32>
    %reduce_sum3A_883 = vector.multi_reduction <add>, %reduce_sum3A, %reduce_sum3A_882 [1, 2] : vector<1x8x2048xf32> to vector<1xf32>
    %reduce_sum3A_884 = vector.shape_cast %reduce_sum3A_883 : vector<1xf32> to vector<1x1x1xf32>
    %reduce_sum3A_885 = vector.extract %reduce_sum3A_884[0, 0, 0] : f32 from vector<1x1x1xf32>
    %broadcast_in_dim3A_886 = vector.broadcast %reduce_sum3A_885 : f32 to vector<1x1xf32>
    %mul3A_887 = arith.constant 3.05175786E-6 : f32
    %mul3A_888 = vector.broadcast %mul3A_887 : f32 to vector<1x1xf32>
    %mul3A_889 = arith.mulf %broadcast_in_dim3A_886, %mul3A_888 : vector<1x1xf32>
    %add3A_890 = arith.addf %get3A_881, %mul3A_889 : vector<1x1xf32>
    %swap3A_891 = arith.constant 0 : index
    %swap3A_892 = arith.constant 0 : index
    %swap3A_893 = vector.load %arg3[%swap3A_891, %swap3A_892] : memref<1x1xf32, #tpu.memory_space<vmem>>, vector<1x1xf32>
    tpu.vector_store %arg3[%swap3A_891, %swap3A_892], %add3A_890 {strides = array<i32>} : memref<1x1xf32, #tpu.memory_space<vmem>>, vector<1x1xf32>,
    return
  }
  func.func @transform_0(%arg0: i32) -> (i32, i32, i32) {
    %c0_i32 = arith.constant 0 : i32
    %c0_i32_0 = arith.constant 0 : i32
    %c0_i32_1 = arith.constant 0 : i32
    return %c0_i32, %c0_i32_0, %arg0 : i32, i32, i32
  }
  func.func @transform_1(%arg0: i32) -> (i32, i32) {
    %c0_i32 = arith.constant 0 : i32
    %c0_i32_0 = arith.constant 0 : i32
    return %c0_i32, %arg0 : i32, i32
  }
  func.func @transform_2(%arg0: i32) -> (i32, i32) {
    %c0_i32 = arith.constant 0 : i32
    %c0_i32_0 = arith.constant 0 : i32
    %c0_i32_1 = arith.constant 0 : i32
    return %c0_i32, %c0_i32_0 : i32, i32
  }
}

</mosaic_0001>

<sc_bundles>
// kernel: kernel.5.cloned.1.call-start
scs
__scs_entry_jumppad:
0x0: {  	(pc) =	sbr.rel $0x88, $3  }
0x1: {  	(tag) =	ssettag $0x0;
	lr =	simm.s32 $0x1  }
0x2: {  	[smem:$0x3FA0] =	sst lr;
	_ =	strace $0xD0000000  }
0x3: {  	_ = 	snop  }
0x4: {  	_ = 	snop  }
0x5: {  	_ = 	snop  }
0x6: {  	_ = 	snop  }
0x7: {  	_ = 	snop  }
__scs_overlays_trampoline_lowered:
0x8: {  	[smem:$0x3FAF] =	sst s0  }
0x9: {  	[smem:$0x3FB0] =	sst s1  }
0xa: {  	[smem:$0x3FB1] =	sst s2  }
0xb: {  	[smem:$0x3FB2] =	sst s3  }
0xc: {  	[smem:$0x3FB3] =	sst s4  }
0xd: {  	[smem:$0x3FB4] =	sst s5  }
0xe: {  	[smem:$0x3FB5] =	sst s6  }
0xf: {  	[smem:$0x3FB6] =	sst s7  }
0x10: {  	[smem:$0x3FB7] =	sst s8  }
0x11: {  	[smem:$0x3FB8] =	sst s9;
	s0 =	simm.s32 @!p0 $0x0  }
0x12: {  	s1 =	sld [smem:$0x3F9E];
	s0 =	simm.s32 @p0 $0x1  }
0x13: {  	[smem:$0x3FB9] =	sst s0;
	s0 =	simm.s32 @!p1 $0x0  }
0x14: {  	s2 =	sld [smem:$0x3F9D];
	s0 =	simm.s32 @p1 $0x1  }
0x15: {  	[smem:$0x3FBA] =	sst s0;
	s0 =	simm.s32 @!p2 $0x0  }
0x16: {  	s3 =	sld [smem:$0x3FDB];
	s0 =	simm.s32 @p2 $0x1  }
0x17: {  	s4 =	simm.s32 $0x1BF5;
	[smem:$0x3FBC] =	sst s0  }
0x18: {  	s0 =	sld [smem:$0x3F9F];
	_ =	swait.ge [sflag:s4], $0x0  }
0x19: {  	s7 =	sld [smem:$0x3FA0]  }
0x1a: {  	s8 =	sadd.s32 $0xFFFFE003, lr  }
0x1b: {  	s9 =	sadd.s32 $0xFFFFFEF7, lr;
	s5 =	simm.s32 $0xFFFFFFFF;
	p2 =	slt.u32 s8, $0xFFFFF086  }
0x1c: {  	p1 =	slt.u32 s9, $0xF7A;
	s5 =	simm.s32 @!p2 $0x0  }
0x1d: {  	s5 =	simm.s32 @p1 $0x1;
	p0 =	seq.s32 s7, s2  }
0x1e: {  	s7 =	smul.u32 @!p0 $0xF7A, s2;
	p2 =	seq.s32 @!p0 s5, $0x0  }
0x1f: {  	s9 =	smul.u32 $0xF7A, s1;
	s8 =	simm.s32 @!p0 $0x1BF5;
	p2 =	por !p2, p0  }
0x20: {  	[sflag:s8] =	ssyncset.s32 @!p0 $0xFFFFF086;
	s6 =	sadd.s32 @!p0 s3, s7;
	s7 =	simm.s32 @!p0 $0x108  }
0x21: {  	s3 =	sadd.s32 s3, s9;
	s6 =	sadd.s32 @!p0 $0x88, s6;
	s7 =	simm.s32 @p2 $0x1082  }
0x22: {  	[simem:s7], [sflag:s8] =	dma.local @!p0 [hbm:s6], $0xF7A  }
0x23: {  	s9 =	sor.u32 $0xD0000000, s2;
	s6 =	simm.s32 $0x108;
	_ =	swait.ge @!p0 [sflag:s8], $0x0  }
0x24: {  	s3 =	sadd.s32 $0x88, s3;
	s6 =	simm.s32 @!p1 $0x1082;
	[sflag:s4] =	ssyncset.s32 $0xFFFFF086  }
0x25: {  	[simem:s6], [sflag:s4] =	dma.local [hbm:s3], $0xF7A  }
0x26: {  	[smem:$0x3FA0] =	sst s1;
	(tag) =	ssettag s2;
	_ =	strace s9  }
0x27: {  	s1 =	sld [smem:$0x3FB0]  }
0x28: {  	s2 =	sld [smem:$0x3FB1]  }
0x29: {  	s4 =	sld [smem:$0x3FB3]  }
0x2a: {  	p0 =	seq.s32 s5, $0x0;
	s5 =	sld [smem:$0x3FB4]  }
0x2b: {  	s6 =	sld [smem:$0x3FB5]  }
0x2c: {  	s7 =	sld [smem:$0x3FB6]  }
0x2d: {  	s3 =	simm.s32 $0x108;
	s8 =	sld [smem:$0x3FB7]  }
0x2e: {  	s3 =	simm.s32 @!p0 $0x1082;
	s9 =	sld [smem:$0x3FB8]  }
0x2f: {  	lr =	sadd.s32 s0, s3;
	s0 =	sld [smem:$0x3FAF]  }
0x30: {  	s3 =	sld [smem:$0x3FB2]  }
0x31: {  	[smem:$0x3FBB] =	sst s10  }
0x32: {  	s10 =	sld [smem:$0x3FB9];
	_ =	sdelay $0x3  }
0x33: {  	p0 =	seq.s32 s10, $0x1;
	s10 =	sld [smem:$0x3FBB];
	_ =	sdelay $0x3  }
0x34: {  	[smem:$0x3FBB] =	sst s10  }
0x35: {  	s10 =	sld [smem:$0x3FBA];
	_ =	sdelay $0x3  }
0x36: {  	p1 =	seq.s32 s10, $0x1;
	s10 =	sld [smem:$0x3FBB];
	_ =	sdelay $0x3  }
0x37: {  	[smem:$0x3FBB] =	sst s10  }
0x38: {  	s10 =	sld [smem:$0x3FBC]  }
0x39: {  	_ = 	snop;
	(pc) =	sbr.ind lr, $3  }
0x3a: {  	_ = 	snop  }
0x3b: {  	_ = 	snop  }
0x3c: {  	p2 =	seq.s32 s10, $0x1;
	s10 =	sld [smem:$0x3FBB]  }
0x3d: {  	_ =	shalt  }
0x3e: {  	_ =	shalt  }
0x3f: {  	_ =	shalt  }
0x40: {  	_ =	shalt  }
0x41: {  	_ =	shalt  }
0x42: {  	_ =	shalt  }
0x43: {  	_ =	shalt  }
0x44: {  	_ =	shalt  }
0x45: {  	_ =	shalt  }
0x46: {  	_ =	shalt  }
0x47: {  	_ =	shalt  }
0x48: {  	_ =	shalt  }
0x49: {  	_ =	shalt  }
0x4a: {  	_ =	shalt  }
0x4b: {  	_ =	shalt  }
0x4c: {  	_ =	shalt  }
0x4d: {  	_ =	shalt  }
0x4e: {  	_ =	shalt  }
0x4f: {  	_ =	shalt  }
0x50: {  	_ =	shalt  }
0x51: {  	_ =	shalt  }
0x52: {  	_ =	shalt  }
0x53: {  	_ =	shalt  }
0x54: {  	_ =	shalt  }
0x55: {  	_ =	shalt  }
0x56: {  	_ =	shalt  }
0x57: {  	_ =	shalt  }
0x58: {  	_ =	shalt  }
0x59: {  	_ =	shalt  }
0x5a: {  	_ =	shalt  }
0x5b: {  	_ =	shalt  }
0x5c: {  	_ =	shalt  }
0x5d: {  	_ =	shalt  }
0x5e: {  	_ =	shalt  }
0x5f: {  	_ =	shalt  }
0x60: {  	_ =	shalt  }
0x61: {  	_ =	shalt  }
0x62: {  	_ =	shalt  }
0x63: {  	_ =	shalt  }
0x64: {  	_ =	shalt  }
0x65: {  	_ =	shalt  }
0x66: {  	_ =	shalt  }
0x67: {  	_ =	shalt  }
0x68: {  	_ =	shalt  }
0x69: {  	_ =	shalt  }
0x6a: {  	_ =	shalt  }
0x6b: {  	_ =	shalt  }
0x6c: {  	_ =	shalt  }
0x6d: {  	_ =	shalt  }
0x6e: {  	_ =	shalt  }
0x6f: {  	_ =	shalt  }
0x70: {  	_ =	shalt  }
0x71: {  	_ =	shalt  }
0x72: {  	_ =	shalt  }
0x73: {  	_ =	shalt  }
0x74: {  	_ =	shalt  }
0x75: {  	_ =	shalt  }
0x76: {  	_ =	shalt  }
0x77: {  	_ =	shalt  }
0x78: {  	_ =	shalt  }
0x79: {  	_ =	shalt  }
0x7a: {  	_ =	shalt  }
0x7b: {  	_ =	shalt  }
0x7c: {  	_ =	shalt  }
0x7d: {  	_ =	shalt  }
0x7e: {  	_ =	shalt  }
0x7f: {  	_ =	shalt  }
0x80: {  	_ =	shalt  }
0x81: {  	_ =	shalt  }
0x82: {  	_ =	shalt  }
0x83: {  	_ =	shalt  }
0x84: {  	_ =	shalt  }
0x85: {  	_ =	shalt  }
0x86: {  	_ =	shalt  }
0x87: {  	_ =	shalt  }
.Lfunc_end0:
.L_simem_size_0:
called_computation_lowered:
.L_overlay_start_0:
0x88: {  	s2 =	sld [smem:$0x3FD9]  }
0x89: {  	s3 =	sld [smem:$0x3FFE];
	_ =	sdelay $0x1  }
0x8a: {  	s1 =	srdreg.scid  }
0x8b: {  	s0 =	sand.u32 $0x1, s1  }
0x8c: {  	s14 =	sshll.u32 s0, $0xA;
	s2 =	sadd.s32 s3, s2  }
0x8d: {  	s2 =	sadd.s32 s2, s14  }
0x8e: {  	[smem:$0x3FC7] =	sst s2  }
0x8f: {  	_ = 	snop  }
0x90: {  	s2 =	sld [smem:$0x3FD0];
	_ =	sdelay $0x2  }
0x91: {  	s15 =	simm.s32 $0xA;
	s4 =	simm.s32 $0x10  }
0x92: {  	[smem:s4], [sflag:s15] =	dma.local [hbm:s2], $0x1  }
0x93: {  	_ =	swait.eq [sflag:s15], $0x1  }
0x94: {  	[sflag:s15] =	ssyncset.done $0x0  }
0x95: {  	[sflag:s15] =	ssyncadd.s32 $0xFFFFFFFF  }
0x96: {  	s16 =	sld [smem:$0x10];
	(tm) =	ssettm $0x1  }
0x97: {  	s17 =	sld [smem:$0x3FFB];
	_ =	sdelay $0x3  }
0x98: {  	_ =	strace s17  }
0x99: {  	s3 =	sld [smem:$0x3FFC];
	_ =	sdelay $0x3  }
0x9a: {  	_ =	strace s3  }
0x9b: {  	s3 =	sld [smem:$0x3FFD];
	_ =	sdelay $0x3  }
0x9c: {  	_ =	strace s3  }
0x9d: {  	_ =	strace $0x8FFFFFFF  }
0x9e: {  	s18 =	sld [smem:$0x3FDB];
	_ =	sdelay $0x1  }
0x9f: {  	s19 =	simm.s32 $_scs_section_size  }
0xa0: {  	s5 =	simm.s32 $_size__tile_overlayer_lowered;
	s6 =	simm.s32 $_tile_overlayer_lowered  }
0xa1: {  	s22 =	simm.s32 $0x1BFF;
	s21 =	sshll.u32 s6, $0x1;
	s3 =	sadd.s32 s19, s18  }
0xa2: {  	s7 =	simm.s32 $0x0;
	s20 =	sshll.u32 s5, $0x1;
	s5 =	sadd.s32 s21, s3  }
0xa3: {  	[timem:s7], [sflag:s22] =	dma.local [hbm:s5], s20  }
0xa4: {  	_ =	swait.ge [sflag:s22], s20  }
0xa5: {  	s4 =	ssub.s32 $0x0, s20;
	[sflag:s22] =	ssyncset.done $0x0  }
0xa6: {  	[sflag:s22] =	ssyncadd.s32 s4;
	_ =	sdelay $0x1  }
0xa7: {  	s23 =	simm.s32 $0x1B8B  }
0xa8: {  	_ =	swait.ge [sflag:s23], $0x1  }
0xa9: {  	[sflag:s23] =	ssyncset.done $0x0  }
0xaa: {  	s25 =	simm.s32 $0x1B8E;
	s24 =	sld [smem:$0x3FFE];
	[sflag:s23] =	ssyncadd.s32 $0xFFFFFFFF  }
0xab: {  	s26 =	simm.s32 $execute0_lowered;
	[smem:$0x3FD2] =	sst s25  }
0xac: {  	s5 =	sshll.u32 s26, $0x1;
	_ =	strace $0x80000046;
	[dreg:$0x1] =	wrdreg $0xFFFFFFFF  }
0xad: {  	s28 =	simm.s32 $_size_execute0_lowered;
	s3 =	sadd.s32 s3, s5;
	[dreg:$0x0] =	wrdreg $0x0  }
0xae: {  	s5 =	sshll.u32 s28, $0x1;
	[dreg:$0x2] =	wrdreg s3  }
0xaf: {  	[dreg:$0x3] =	wrdreg s5  }
0xb0: {  	[dreg:$0x4] =	wrdreg $0xC0  }
0xb1: {  	_ =	task [dreg:s7], $0x5FFFF  }
0xb2: {  	[dreg:$0x1] =	wrdreg $0xFFFFFFFF  }
0xb3: {  	[dreg:$0x0] =	wrdreg $0x60  }
0xb4: {  	[dreg:$0x2] =	wrdreg s16  }
0xb5: {  	[dreg:$0x3] =	wrdreg s24  }
0xb6: {  	[dreg:$0x4] =	wrdreg $0x9  }
0xb7: {  	_ =	task.clear_ibuf [dreg:s7], $0x5FFFF;
	_ =	strace $0x90000046  }
0xb8: {  	s29 =	simm.s32 $0x9;
	_ =	strace $0x80000048  }
0xb9: {  	_ =	swait.ge [sflag:s29], $0x1  }
0xba: {  	[sflag:s29] =	ssyncadd.s32 $0xFFFFFFFF  }
0xbb: {  	_ =	strace $0x90000048  }
0xbc: {  	_ =	sfence  }
0xbd: {  	s30 =	sld [smem:$0x0];
	_ =	sdelay $0x2  }
0xbe: {  	s31 =	sshll.u32 s1, $0xD;
	s1 =	sshrl.u32 s1, $0x2  }
0xbf: {  	s3 =	sand.u32 $0x4000, s31;
	s1 =	sadd.s32 s1, s30  }
0xc0: {  	s0 =	sor.u32 s3, s0;
	s1 =	sshll.u32 s1, $0x11  }
0xc1: {  	s0 =	sor.u32 s1, s0  }
0xc2: {  	s0 =	sadd.s32 $0x8F2B, s0  }
0xc3: {  	[sflag:s0] =	ssyncadd.remote.s32 $0x1  }
0xc4: {  	_ =	sfence.sel $0xFFFF  }
0xc5: {  	[dreg:$0x0] =	wrdreg $0xFFFFFFFF;
	(pc) =	sbr.abs _section_cstart, $3  }
0xc6: {  	[dreg:$0x1] =	wrdreg $0xFFFFFFFF  }
0xc7: {  	_ =	task.clear_ibuf [dreg:s7], $0x2FFFF;
	_ =	strace $0x9FFFFFFF  }
0xc8: {  	(tm) =	ssettm $0x7FFFFFFF  }
0xc9: {  	_ =	shalt  }
tec
execute0_lowered:
.L_overlay_start_1:
0x0: {  	(tag) =	ssettag $0x1  }
0x1: {  	s0 =	rddreg [dreg:$0x0]  }
0x2: {  	s1 =	srdreg.scid;
	s5 =	stileid.u32  }
0x3: {  	s3 =	rddreg [dreg:$0x1];
	s2 =	simm.s32 $0x0;
	s15 =	simm.s32 $0x1  }
0x4: {  	s24 =	simm.s32 $0x5880;
	s28 =	simm.s32 $0x6480;
	s29 =	simm.s32 $0x0  }
0x5: {  	s1 =	sand.u32 $0x1, s1;
	s4 =	sshll.u32 s5, $0x1;
	[smem:$0x7FF] =	sst s2  }
0x6: {  	s5 =	sshll.u32 s5, $0x6;
	s11 =	sadd.s32 $0x1200, s3;
	s4 =	sor.u32 s1, s4  }
0x7: {  	_ =	strace $0x80000047;
	s1 =	ssub.s32 $0x2, s1;
	s30 =	sand.u32 $0x380, s5  }
0x8: {  	s6 =	sshll.u32 s4, $0xD;
	s26 =	sshrl.u32 s1, $0x1;
	s4 =	smul.u32 $0x500, s4  }
0x9: {  	s7 =	sor.u32 s5, s6;
	s1 =	ssub.s32 s1, s26;
	s31 =	sor.u32 s30, s6  }
0xa: {  	v0 =	vlaneseq.u32;
	s26 =	simm.s32 $0x6080;
	s25 =	sand.u32 $0x6380, s7;
	s4 =	sadd.s32 s0, s4  }
0xb: {  	v0 =	vmul.u32 $0xA, v0;
	s0 =	sshrl.u32 s31, $0x3;
	s14 =	smax.u32 s1, $0x1;
	s3 =	sshrl.u32 s25, $0x3  }
0xc: {  	s0 =	sor.u32 $0x7000, s0;
	s25 =	simm.s32 $0x5C80;
	s3 =	sadd.s32 s11, s3  }
0xd: {  	v1 =	vor.u32 $0x1, v0;
	v2 =	vadd.s32 $0x2, v0;
	v3 =	vadd.s32 $0x3, v0;
	s11 =	sadd.s32 s11, s0;
	s5 =	sadd.s32 $0x1000, s3;
	s6 =	sadd.s32 $0x2000, s3  }
0xe: {  	v4 =	vadd.s32 $0x4, v0;
	v5 =	vadd.s32 $0x5, v0;
	v6 =	vadd.s32 $0x6, v0;
	s7 =	sadd.s32 $0x3000, s3;
	s8 =	sadd.s32 $0x4000, s3;
	s9 =	sadd.s32 $0x5000, s3  }
0xf: {  	v7 =	vadd.s32 $0x7, v0;
	v8 =	vadd.s32 $0x8, v0;
	v9 =	vadd.s32 $0x9, v0;
	s10 =	sadd.s32 $0x6000, s3;
	s12 =	sadd.s32 $0x8000, s3;
	s13 =	sadd.s32 $0x9000, s3  }
.LBB2_1:
0x10: {  	v10 =	vmov s2  }
0x11: {  	v10 =	vmul.u32 $0xA, v10;
	_ =	sdelay $0x1  }
0x12: {  	v10 =	vbroadcast v10, $0x0;
	_ =	sdelay $0x1  }
0x13: {  	v11 =	vadd.s32 v0, v10  }
0x14: {  	[tilespmem:s2], [sflag:$0x1] =	stream.linear.gather [hbm4b:s4+s2], $0x2800, $0x38;
	[tilespmem:$0x6800] =	vst v63  }
0x15: {  	_ =	swait.ge [sflag:s15], $0x2800  }
0x16: {  	[sflag:s15] =	ssyncset.done $0x0  }
0x17: {  	[sflag:s15] =	ssyncadd.s32 $0xFFFFD800  }
0x18: {  	v11 =	vld.idx.msk [tilespmem:v11+s2+$0x0], $0xffff  }
0x19: {  	v12 =	vadd.s32 v1, v10  }
0x1a: {  	s0 =	sand.u32 $0x1C00, s2  }
0x1b: {  	s1 =	sand.u32 $0x60, s2;
	s16 =	sadd.s32 $0x2800, s0  }
0x1c: {  	s17 =	sor.u32 s1, s16  }
0x1d: {  	[tilespmem:s17+$0x0] =	vst v11  }
0x1e: {  	v11 =	vld.idx.msk [tilespmem:v12+s2+$0x0], $0xffff  }
0x1f: {  	v12 =	vadd.s32 v2, v10;
	_ =	sdelay $0x3  }
0x20: {  	[tilespmem:s17+$0x80] =	vst v11  }
0x21: {  	v11 =	vld.idx.msk [tilespmem:v12+s2+$0x0], $0xffff  }
0x22: {  	v12 =	vadd.s32 v3, v10;
	_ =	sdelay $0x3  }
0x23: {  	[tilespmem:s17+$0x100] =	vst v11  }
0x24: {  	v11 =	vld.idx.msk [tilespmem:v12+s2+$0x0], $0xffff  }
0x25: {  	v12 =	vadd.s32 v4, v10;
	_ =	sdelay $0x3  }
0x26: {  	[tilespmem:s17+$0x180] =	vst v11  }
0x27: {  	v11 =	vld.idx.msk [tilespmem:v12+s2+$0x0], $0xffff  }
0x28: {  	v12 =	vadd.s32 v5, v10;
	_ =	sdelay $0x3  }
0x29: {  	[tilespmem:s17+$0x200] =	vst v11  }
0x2a: {  	v11 =	vld.idx.msk [tilespmem:v12+s2+$0x0], $0xffff  }
0x2b: {  	v12 =	vadd.s32 v6, v10;
	_ =	sdelay $0x3  }
0x2c: {  	[tilespmem:s17+$0x280] =	vst v11  }
0x2d: {  	v11 =	vld.idx.msk [tilespmem:v12+s2+$0x0], $0xffff  }
0x2e: {  	s21 =	sand.u32 $0x3, s2;
	v12 =	vadd.s32 v7, v10  }
0x2f: {  	s17 =	sshll.u32 s21, $0x5  }
0x30: {  	s17 =	sadd.s32 $0x0, s17  }
0x31: {  	s17 =	sor.u32 $0x300, s17  }
0x32: {  	[tilespmem:s17+$0x2800] =	vst v11  }
0x33: {  	v11 =	vld.idx.msk [tilespmem:v12+s2+$0x0], $0xffff  }
0x34: {  	v12 =	vadd.s32 v8, v10;
	_ =	sdelay $0x1  }
0x35: {  	s22 =	sor.u32 s2, s2  }
0x36: {  	s17 =	sor.u32 $0x380, s22  }
0x37: {  	[tilespmem:s17+$0x2800] =	vst v11  }
0x38: {  	v11 =	vld.idx.msk [tilespmem:v12+s2+$0x0], $0xffff  }
0x39: {  	s23 =	simm.s32 $0x10;
	v10 =	vadd.s32 v9, v10  }
0x3a: {  	v12 =	vmov s23  }
0x3b: {  	s18 =	sadd.s32 $0x4800, s0;
	v12 =	vmul.u32 $0xA, v12  }
0x3c: {  	s19 =	sor.u32 s1, s18  }
0x3d: {  	[tilespmem:s19+$0x0] =	vst v11;
	v11 =	vbroadcast v12, $0x0  }
0x3e: {  	v10 =	vld.idx.msk [tilespmem:v10+s2+$0x0], $0xffff  }
0x3f: {  	v12 =	vadd.s32 v0, v11;
	_ =	sdelay $0x1  }
0x40: {  	s0 =	sadd.s32 $0x4880, s0  }
0x41: {  	s1 =	sor.u32 s1, s0  }
0x42: {  	[tilespmem:s1+$0x0] =	vst v10  }
0x43: {  	v10 =	vld.idx.msk [tilespmem:v12+s2+$0x0], $0xffff  }
0x44: {  	v12 =	vadd.s32 v1, v11;
	_ =	sdelay $0x1  }
0x45: {  	s20 =	sand.u32 $0x70, s23  }
0x46: {  	s16 =	sor.u32 s20, s16  }
0x47: {  	[tilespmem:s16+$0x0] =	vst v10  }
0x48: {  	v10 =	vld.idx.msk [tilespmem:v12+s2+$0x0], $0xffff  }
0x49: {  	v12 =	vadd.s32 v2, v11;
	_ =	sdelay $0x3  }
0x4a: {  	[tilespmem:s16+$0x80] =	vst v10  }
0x4b: {  	v10 =	vld.idx.msk [tilespmem:v12+s2+$0x0], $0xffff  }
0x4c: {  	v12 =	vadd.s32 v3, v11;
	_ =	sdelay $0x3  }
0x4d: {  	[tilespmem:s16+$0x100] =	vst v10  }
0x4e: {  	v10 =	vld.idx.msk [tilespmem:v12+s2+$0x0], $0xffff  }
0x4f: {  	v12 =	vadd.s32 v4, v11;
	_ =	sdelay $0x3  }
0x50: {  	[tilespmem:s16+$0x180] =	vst v10  }
0x51: {  	v10 =	vld.idx.msk [tilespmem:v12+s2+$0x0], $0xffff  }
0x52: {  	v12 =	vadd.s32 v5, v11;
	_ =	sdelay $0x3  }
0x53: {  	[tilespmem:s16+$0x200] =	vst v10  }
0x54: {  	v10 =	vld.idx.msk [tilespmem:v12+s2+$0x0], $0xffff  }
0x55: {  	v12 =	vadd.s32 v6, v11;
	_ =	sdelay $0x3  }
0x56: {  	[tilespmem:s16+$0x280] =	vst v10  }
0x57: {  	s21 =	sand.u32 $0x7, s2;
	v10 =	vld.idx.msk [tilespmem:v12+s2+$0x0], $0xffff  }
0x58: {  	s16 =	sshll.u32 s21, $0x4;
	v12 =	vadd.s32 v7, v11  }
0x59: {  	s16 =	sadd.s32 $0x0, s16  }
0x5a: {  	s16 =	sadd.s32 $0x10, s16  }
0x5b: {  	s16 =	sor.u32 $0x300, s16  }
0x5c: {  	[tilespmem:s16+$0x2800] =	vst v10  }
0x5d: {  	v10 =	vld.idx.msk [tilespmem:v12+s2+$0x0], $0xffff  }
0x5e: {  	v12 =	vadd.s32 v8, v11;
	_ =	sdelay $0x1  }
0x5f: {  	s22 =	sor.u32 s23, s2  }
0x60: {  	s16 =	sor.u32 $0x380, s22  }
0x61: {  	[tilespmem:s16+$0x2800] =	vst v10  }
0x62: {  	v12 =	vld.idx.msk [tilespmem:v12+s2+$0x0], $0xffff  }
0x63: {  	s31 =	simm.s32 $0x20;
	v11 =	vadd.s32 v9, v11  }
0x64: {  	v10 =	vmov s31  }
0x65: {  	v10 =	vmul.u32 $0xA, v10  }
0x66: {  	s23 =	sor.u32 s20, s18  }
0x67: {  	v10 =	vbroadcast v10, $0x0;
	[tilespmem:s23+$0x0] =	vst v12  }
0x68: {  	v12 =	vld.idx.msk [tilespmem:v11+s2+$0x0], $0xffff  }
0x69: {  	v11 =	vadd.s32 v0, v10  }
0x6a: {  	s30 =	simm.s32 $0x0;
	s17 =	sor.u32 s20, s0  }
0x6b: {  	s0 =	simm.s32 $0x0;
	s19 =	simm.s32 $0x40;
	s1 =	simm.s32 $0x1  }
.LBB2_2:
0x6c: {  	s0 =	sadd.s32 $0x100, s0  }
0x6d: {  	[tilespmem:s17+$0x0] =	vst v12;
	s30 =	sadd.s32 $0x2, s30;
	s18 =	smov.u32 s19;
	s16 =	sadd.s32 $0x20, s19  }
0x6e: {  	p0 =	sne.s32 s19, $0x3E0;
	v11 =	vld.idx.msk [tilespmem:v11+s2+$0x0], $0xffff;
	_ =	sdelay $0x1  }
0x6f: {  	v12 =	vadd.s32 v1, v10  }
0x70: {  	s20 =	sand.u32 $0x1C00, s0  }
0x71: {  	s19 =	sand.u32 $0x60, s31;
	s17 =	sadd.s32 $0x2800, s20  }
0x72: {  	s21 =	sor.u32 s19, s17  }
0x73: {  	[tilespmem:s21+$0x0] =	vst v11  }
0x74: {  	v11 =	vld.idx.msk [tilespmem:v12+s2+$0x0], $0xffff;
	_ =	sdelay $0x1  }
0x75: {  	v12 =	vadd.s32 v2, v10;
	_ =	sdelay $0x3  }
0x76: {  	[tilespmem:s21+$0x80] =	vst v11  }
0x77: {  	v11 =	vld.idx.msk [tilespmem:v12+s2+$0x0], $0xffff;
	_ =	sdelay $0x1  }
0x78: {  	v12 =	vadd.s32 v3, v10;
	_ =	sdelay $0x3  }
0x79: {  	[tilespmem:s21+$0x100] =	vst v11  }
0x7a: {  	v11 =	vld.idx.msk [tilespmem:v12+s2+$0x0], $0xffff;
	_ =	sdelay $0x1  }
0x7b: {  	v12 =	vadd.s32 v4, v10;
	_ =	sdelay $0x3  }
0x7c: {  	[tilespmem:s21+$0x180] =	vst v11  }
0x7d: {  	v11 =	vld.idx.msk [tilespmem:v12+s2+$0x0], $0xffff;
	_ =	sdelay $0x1  }
0x7e: {  	v12 =	vadd.s32 v5, v10;
	_ =	sdelay $0x3  }
0x7f: {  	[tilespmem:s21+$0x200] =	vst v11  }
0x80: {  	v11 =	vld.idx.msk [tilespmem:v12+s2+$0x0], $0xffff;
	_ =	sdelay $0x1  }
0x81: {  	v12 =	vadd.s32 v6, v10;
	_ =	sdelay $0x3  }
0x82: {  	[tilespmem:s21+$0x280] =	vst v11  }
0x83: {  	v11 =	vld.idx.msk [tilespmem:v12+s2+$0x0], $0xffff;
	_ =	sdelay $0x1  }
0x84: {  	s21 =	sand.u32 $0x3, s1;
	v12 =	vadd.s32 v7, v10  }
0x85: {  	s21 =	sshll.u32 s21, $0x5  }
0x86: {  	s21 =	sadd.s32 s21, s0  }
0x87: {  	s21 =	sor.u32 $0x300, s21  }
0x88: {  	[tilespmem:s21+$0x2800] =	vst v11  }
0x89: {  	v11 =	vld.idx.msk [tilespmem:v12+s2+$0x0], $0xffff;
	_ =	sdelay $0x1  }
0x8a: {  	v12 =	vadd.s32 v8, v10;
	_ =	sdelay $0x1  }
0x8b: {  	s21 =	sor.u32 s31, s0  }
0x8c: {  	s21 =	sor.u32 $0x380, s21  }
0x8d: {  	[tilespmem:s21+$0x2800] =	vst v11  }
0x8e: {  	v11 =	vld.idx.msk [tilespmem:v12+s2+$0x0], $0xffff;
	_ =	sdelay $0x1  }
0x8f: {  	v10 =	vadd.s32 v9, v10  }
0x90: {  	s22 =	sadd.s32 $0x10, s31;
	s31 =	smov.u32 s18  }
0x91: {  	s18 =	sadd.s32 $0x4800, s20;
	s21 =	sor.u32 s22, s0;
	v12 =	vmov s22  }
0x92: {  	s23 =	sor.u32 s19, s18;
	v12 =	vmul.u32 $0xA, v12  }
0x93: {  	[tilespmem:s23+$0x0] =	vst v11  }
0x94: {  	v11 =	vbroadcast v12, $0x0;
	v10 =	vld.idx.msk [tilespmem:v10+s2+$0x0], $0xffff;
	_ =	sdelay $0x1  }
0x95: {  	v12 =	vadd.s32 v0, v11;
	_ =	sdelay $0x1  }
0x96: {  	s20 =	sadd.s32 $0x4880, s20  }
0x97: {  	s19 =	sor.u32 s19, s20  }
0x98: {  	[tilespmem:s19+$0x0] =	vst v10  }
0x99: {  	v10 =	vld.idx.msk [tilespmem:v12+s2+$0x0], $0xffff;
	_ =	sdelay $0x1  }
0x9a: {  	v12 =	vadd.s32 v1, v11;
	_ =	sdelay $0x1  }
0x9b: {  	s19 =	sand.u32 $0x70, s22  }
0x9c: {  	s22 =	sor.u32 s19, s17;
	s17 =	sor.u32 s19, s20  }
0x9d: {  	[tilespmem:s22+$0x0] =	vst v10  }
0x9e: {  	v10 =	vld.idx.msk [tilespmem:v12+s2+$0x0], $0xffff;
	_ =	sdelay $0x1  }
0x9f: {  	v12 =	vadd.s32 v2, v11;
	_ =	sdelay $0x3  }
0xa0: {  	[tilespmem:s22+$0x80] =	vst v10  }
0xa1: {  	v10 =	vld.idx.msk [tilespmem:v12+s2+$0x0], $0xffff;
	_ =	sdelay $0x1  }
0xa2: {  	v12 =	vadd.s32 v3, v11;
	_ =	sdelay $0x3  }
0xa3: {  	[tilespmem:s22+$0x100] =	vst v10  }
0xa4: {  	v10 =	vld.idx.msk [tilespmem:v12+s2+$0x0], $0xffff;
	_ =	sdelay $0x1  }
0xa5: {  	v12 =	vadd.s32 v4, v11;
	_ =	sdelay $0x3  }
0xa6: {  	[tilespmem:s22+$0x180] =	vst v10  }
0xa7: {  	v10 =	vld.idx.msk [tilespmem:v12+s2+$0x0], $0xffff;
	_ =	sdelay $0x1  }
0xa8: {  	v12 =	vadd.s32 v5, v11;
	_ =	sdelay $0x3  }
0xa9: {  	[tilespmem:s22+$0x200] =	vst v10  }
0xaa: {  	v10 =	vld.idx.msk [tilespmem:v12+s2+$0x0], $0xffff;
	_ =	sdelay $0x1  }
0xab: {  	v12 =	vadd.s32 v6, v11;
	_ =	sdelay $0x3  }
0xac: {  	[tilespmem:s22+$0x280] =	vst v10  }
0xad: {  	v10 =	vld.idx.msk [tilespmem:v12+s2+$0x0], $0xffff  }
0xae: {  	s20 =	sand.u32 $0x7, s30  }
0xaf: {  	s20 =	sshll.u32 s20, $0x4;
	v12 =	vadd.s32 v7, v11  }
0xb0: {  	s20 =	sadd.s32 s0, s20  }
0xb1: {  	s20 =	sadd.s32 $0x10, s20  }
0xb2: {  	s20 =	sor.u32 $0x300, s20  }
0xb3: {  	[tilespmem:s20+$0x2800] =	vst v10  }
0xb4: {  	v10 =	vld.idx.msk [tilespmem:v12+s2+$0x0], $0xffff;
	_ =	sdelay $0x1  }
0xb5: {  	v12 =	vadd.s32 v8, v11;
	_ =	sdelay $0x2  }
0xb6: {  	s20 =	sor.u32 $0x380, s21  }
0xb7: {  	[tilespmem:s20+$0x2800] =	vst v10  }
0xb8: {  	v10 =	vld.idx.msk [tilespmem:v12+s2+$0x0], $0xffff;
	_ =	sdelay $0x1  }
0xb9: {  	v11 =	vadd.s32 v9, v11;
	_ =	sdelay $0x1  }
0xba: {  	v12 =	vmov s31  }
0xbb: {  	s18 =	sor.u32 s19, s18;
	v12 =	vmul.u32 $0xA, v12  }
0xbc: {  	[tilespmem:s18+$0x0] =	vst v10  }
0xbd: {  	v10 =	vbroadcast v12, $0x0;
	v12 =	vld.idx.msk [tilespmem:v11+s2+$0x0], $0xffff  }
.Ltmp0:
0xbe: {  	(pc) =	sbr.rel @p0 .LBB2_2-.Ltmp0, $2  }
0xbf: {  	v11 =	vadd.s32 v0, v10;
	_ =	sdelay $0x2  }
0xc0: {  	s1 =	sadd.s32 $0x1, s1;
	s19 =	smov.u32 s16  }
0xc1: {  	_ =	sdelay $0x2  }
0xc2: {  	[tilespmem:s17+$0x0] =	vst v12  }
0xc3: {  	v11 =	vld.idx.msk [tilespmem:v11+s2+$0x0], $0xffff  }
0xc4: {  	s0 =	sadd.s32 $0x100, s0;
	v47 =	vadd.s32 v1, v10  }
0xc5: {  	s16 =	sand.u32 $0x1C00, s0  }
0xc6: {  	s23 =	sand.u32 $0x60, s31;
	s18 =	sadd.s32 $0x2800, s16  }
0xc7: {  	s19 =	sor.u32 s23, s18  }
0xc8: {  	[tilespmem:s19+$0x0] =	vst v11  }
0xc9: {  	v11 =	vld.idx.msk [tilespmem:v47+s2+$0x0], $0xffff  }
0xca: {  	v48 =	vadd.s32 v2, v10;
	_ =	sdelay $0x3  }
0xcb: {  	[tilespmem:s19+$0x80] =	vst v11  }
0xcc: {  	v11 =	vld.idx.msk [tilespmem:v48+s2+$0x0], $0xffff  }
0xcd: {  	v49 =	vadd.s32 v3, v10;
	_ =	sdelay $0x3  }
0xce: {  	[tilespmem:s19+$0x100] =	vst v11  }
0xcf: {  	v11 =	vld.idx.msk [tilespmem:v49+s2+$0x0], $0xffff  }
0xd0: {  	v50 =	vadd.s32 v4, v10;
	_ =	sdelay $0x3  }
0xd1: {  	[tilespmem:s19+$0x180] =	vst v11  }
0xd2: {  	v11 =	vld.idx.msk [tilespmem:v50+s2+$0x0], $0xffff  }
0xd3: {  	v51 =	vadd.s32 v5, v10;
	_ =	sdelay $0x3  }
0xd4: {  	[tilespmem:s19+$0x200] =	vst v11  }
0xd5: {  	v11 =	vld.idx.msk [tilespmem:v51+s2+$0x0], $0xffff  }
0xd6: {  	v52 =	vadd.s32 v6, v10;
	_ =	sdelay $0x3  }
0xd7: {  	[tilespmem:s19+$0x280] =	vst v11  }
0xd8: {  	v11 =	vld.idx.msk [tilespmem:v52+s2+$0x0], $0xffff  }
0xd9: {  	s1 =	sand.u32 $0x3, s1;
	v53 =	vadd.s32 v7, v10  }
0xda: {  	s1 =	sshll.u32 s1, $0x5  }
0xdb: {  	s1 =	sadd.s32 s1, s0  }
0xdc: {  	s1 =	sor.u32 $0x300, s1  }
0xdd: {  	[tilespmem:s1+$0x2800] =	vst v11  }
0xde: {  	v11 =	vld.idx.msk [tilespmem:v53+s2+$0x0], $0xffff  }
0xdf: {  	v54 =	vadd.s32 v8, v10;
	_ =	sdelay $0x1  }
0xe0: {  	s20 =	sor.u32 s31, s0  }
0xe1: {  	s1 =	sor.u32 $0x380, s20  }
0xe2: {  	[tilespmem:s1+$0x2800] =	vst v11  }
0xe3: {  	v11 =	vld.idx.msk [tilespmem:v54+s2+$0x0], $0xffff  }
0xe4: {  	v10 =	vadd.s32 v9, v10;
	s21 =	sadd.s32 $0x10, s31  }
0xe5: {  	v55 =	vmov s21  }
0xe6: {  	s22 =	sadd.s32 $0x4800, s16;
	v12 =	vmul.u32 $0xA, v55  }
0xe7: {  	s20 =	sor.u32 s23, s22  }
0xe8: {  	[tilespmem:s20+$0x0] =	vst v11;
	v11 =	vbroadcast v12, $0x0  }
0xe9: {  	v10 =	vld.idx.msk [tilespmem:v10+s2+$0x0], $0xffff  }
0xea: {  	v12 =	vadd.s32 v0, v11;
	_ =	sdelay $0x1  }
0xeb: {  	s16 =	sadd.s32 $0x4880, s16  }
0xec: {  	s17 =	sor.u32 s23, s16  }
0xed: {  	[tilespmem:s17+$0x0] =	vst v10  }
0xee: {  	v10 =	vld.idx.msk [tilespmem:v12+s2+$0x0], $0xffff  }
0xef: {  	v56 =	vadd.s32 v1, v11;
	_ =	sdelay $0x1  }
0xf0: {  	s23 =	sand.u32 $0x70, s21  }
0xf1: {  	s18 =	sor.u32 s23, s18  }
0xf2: {  	[tilespmem:s18+$0x0] =	vst v10  }
0xf3: {  	v10 =	vld.idx.msk [tilespmem:v56+s2+$0x0], $0xffff  }
0xf4: {  	v57 =	vadd.s32 v2, v11;
	_ =	sdelay $0x3  }
0xf5: {  	[tilespmem:s18+$0x80] =	vst v10  }
0xf6: {  	v10 =	vld.idx.msk [tilespmem:v57+s2+$0x0], $0xffff  }
0xf7: {  	v58 =	vadd.s32 v3, v11;
	_ =	sdelay $0x3  }
0xf8: {  	[tilespmem:s18+$0x100] =	vst v10  }
0xf9: {  	v10 =	vld.idx.msk [tilespmem:v58+s2+$0x0], $0xffff  }
0xfa: {  	v59 =	vadd.s32 v4, v11;
	_ =	sdelay $0x3  }
0xfb: {  	[tilespmem:s18+$0x180] =	vst v10  }
0xfc: {  	v10 =	vld.idx.msk [tilespmem:v59+s2+$0x0], $0xffff  }
0xfd: {  	v60 =	vadd.s32 v5, v11;
	_ =	sdelay $0x3  }
0xfe: {  	[tilespmem:s18+$0x200] =	vst v10  }
0xff: {  	v10 =	vld.idx.msk [tilespmem:v60+s2+$0x0], $0xffff  }
0x100: {  	v61 =	vadd.s32 v6, v11;
	_ =	sdelay $0x3  }
0x101: {  	s31 =	sadd.s32 $0x2, s30;
	[tilespmem:s18+$0x280] =	vst v10  }
0x102: {  	s18 =	sand.u32 $0x7, s31;
	v10 =	vld.idx.msk [tilespmem:v61+s2+$0x0], $0xffff  }
0x103: {  	v62 =	vadd.s32 v7, v11;
	s18 =	sshll.u32 s18, $0x4  }
0x104: {  	s18 =	sadd.s32 s0, s18  }
0x105: {  	s18 =	sadd.s32 $0x10, s18  }
0x106: {  	s18 =	sor.u32 $0x300, s18  }
0x107: {  	[tilespmem:s18+$0x2800] =	vst v10  }
0x108: {  	v10 =	vld.idx.msk [tilespmem:v62+s2+$0x0], $0xffff  }
0x109: {  	v63 =	vadd.s32 v8, v11;
	_ =	sdelay $0x1  }
0x10a: {  	s0 =	sor.u32 s21, s0  }
0x10b: {  	s0 =	sor.u32 $0x380, s0  }
0x10c: {  	[tilespmem:s0+$0x2800] =	vst v10  }
0x10d: {  	v10 =	vld.idx.msk [tilespmem:v63+s2+$0x0], $0xffff  }
0x10e: {  	v11 =	vadd.s32 v9, v11;
	_ =	sdelay $0x2  }
0x10f: {  	s1 =	sor.u32 s23, s22  }
0x110: {  	[tilespmem:s1+$0x0] =	vst v10  }
0x111: {  	v10 =	vld.idx.msk [tilespmem:v11+s2+$0x0], $0xffff;
	_ =	sdelay $0x3  }
0x112: {  	s18 =	sor.u32 s23, s16  }
0x113: {  	s19 =	simm.s32 $0x2800;
	[tilespmem:s18+$0x0] =	vst v10  }
0x114: {  	[hbm4b:s3+s2] =	stream.linear.scatter [tilespmem:s19], [sflag:$0x1], $0x80, $0x38;
	[tilespmem:$0x6800] =	vst v63  }
0x115: {  	s20 =	sadd.s32 $0x80, s3;
	s21 =	simm.s32 $0x2C00  }
0x116: {  	[hbm4b:s20+s2] =	stream.linear.scatter [tilespmem:s21], [sflag:$0x1], $0x80, $0x38;
	[tilespmem:$0x6800] =	vst v63  }
0x117: {  	s22 =	sadd.s32 $0x100, s3;
	s23 =	simm.s32 $0x3000  }
0x118: {  	[hbm4b:s22+s2] =	stream.linear.scatter [tilespmem:s23], [sflag:$0x1], $0x80, $0x38;
	[tilespmem:$0x6800] =	vst v63  }
0x119: {  	s30 =	sadd.s32 $0x180, s3;
	s31 =	simm.s32 $0x3400  }
0x11a: {  	[hbm4b:s30+s2] =	stream.linear.scatter [tilespmem:s31], [sflag:$0x1], $0x80, $0x38;
	[tilespmem:$0x6800] =	vst v63  }
0x11b: {  	s16 =	simm.s32 $0x3800;
	s1 =	sadd.s32 $0x200, s3  }
0x11c: {  	[hbm4b:s1+s2] =	stream.linear.scatter [tilespmem:s16], [sflag:$0x1], $0x80, $0x38;
	[tilespmem:$0x6800] =	vst v63  }
0x11d: {  	s17 =	sadd.s32 $0x280, s3;
	s18 =	simm.s32 $0x3C00  }
0x11e: {  	[hbm4b:s17+s2] =	stream.linear.scatter [tilespmem:s18], [sflag:$0x1], $0x80, $0x38;
	[tilespmem:$0x6800] =	vst v63  }
0x11f: {  	s19 =	sadd.s32 $0x300, s3;
	s20 =	simm.s32 $0x4000  }
0x120: {  	[hbm4b:s19+s2] =	stream.linear.scatter [tilespmem:s20], [sflag:$0x1], $0x80, $0x38;
	[tilespmem:$0x6800] =	vst v63  }
0x121: {  	s21 =	sadd.s32 $0x380, s3;
	s22 =	simm.s32 $0x4400  }
0x122: {  	[hbm4b:s21+s2] =	stream.linear.scatter [tilespmem:s22], [sflag:$0x1], $0x80, $0x38;
	[tilespmem:$0x6800] =	vst v63  }
0x123: {  	_ =	swait.ge [sflag:s15], $0x400  }
0x124: {  	[sflag:s15] =	ssyncset.done $0x0  }
0x125: {  	s23 =	simm.s32 $0x2880;
	[sflag:s15] =	ssyncadd.s32 $0xFFFFFC00  }
0x126: {  	[hbm4b:s5+s2] =	stream.linear.scatter [tilespmem:s23], [sflag:$0x1], $0x80, $0x38;
	[tilespmem:$0x6800] =	vst v63  }
0x127: {  	s30 =	sadd.s32 $0x80, s5;
	s31 =	simm.s32 $0x2C80  }
0x128: {  	[hbm4b:s30+s2] =	stream.linear.scatter [tilespmem:s31], [sflag:$0x1], $0x80, $0x38;
	[tilespmem:$0x6800] =	vst v63  }
0x129: {  	s16 =	sadd.s32 $0x100, s5;
	s17 =	simm.s32 $0x3080  }
0x12a: {  	[hbm4b:s16+s2] =	stream.linear.scatter [tilespmem:s17], [sflag:$0x1], $0x80, $0x38;
	[tilespmem:$0x6800] =	vst v63  }
0x12b: {  	s18 =	sadd.s32 $0x180, s5;
	s19 =	simm.s32 $0x3480  }
0x12c: {  	[hbm4b:s18+s2] =	stream.linear.scatter [tilespmem:s19], [sflag:$0x1], $0x80, $0x38;
	[tilespmem:$0x6800] =	vst v63  }
0x12d: {  	s20 =	sadd.s32 $0x200, s5;
	s21 =	simm.s32 $0x3880  }
0x12e: {  	[hbm4b:s20+s2] =	stream.linear.scatter [tilespmem:s21], [sflag:$0x1], $0x80, $0x38;
	[tilespmem:$0x6800] =	vst v63  }
0x12f: {  	s22 =	sadd.s32 $0x280, s5;
	s23 =	simm.s32 $0x3C80  }
0x130: {  	[hbm4b:s22+s2] =	stream.linear.scatter [tilespmem:s23], [sflag:$0x1], $0x80, $0x38;
	[tilespmem:$0x6800] =	vst v63  }
0x131: {  	s30 =	sadd.s32 $0x300, s5;
	s31 =	simm.s32 $0x4080  }
0x132: {  	[hbm4b:s30+s2] =	stream.linear.scatter [tilespmem:s31], [sflag:$0x1], $0x80, $0x38;
	[tilespmem:$0x6800] =	vst v63  }
0x133: {  	s1 =	sadd.s32 $0x380, s5;
	s16 =	simm.s32 $0x4480  }
0x134: {  	[hbm4b:s1+s2] =	stream.linear.scatter [tilespmem:s16], [sflag:$0x1], $0x80, $0x38;
	[tilespmem:$0x6800] =	vst v63  }
0x135: {  	_ =	swait.ge [sflag:s15], $0x400  }
0x136: {  	[sflag:s15] =	ssyncset.done $0x0  }
0x137: {  	s17 =	simm.s32 $0x2900;
	[sflag:s15] =	ssyncadd.s32 $0xFFFFFC00  }
0x138: {  	[hbm4b:s6+s2] =	stream.linear.scatter [tilespmem:s17], [sflag:$0x1], $0x80, $0x38;
	[tilespmem:$0x6800] =	vst v63  }
0x139: {  	s18 =	sadd.s32 $0x80, s6;
	s19 =	simm.s32 $0x2D00  }
0x13a: {  	[hbm4b:s18+s2] =	stream.linear.scatter [tilespmem:s19], [sflag:$0x1], $0x80, $0x38;
	[tilespmem:$0x6800] =	vst v63  }
0x13b: {  	s20 =	sadd.s32 $0x100, s6;
	s21 =	simm.s32 $0x3100  }
0x13c: {  	[hbm4b:s20+s2] =	stream.linear.scatter [tilespmem:s21], [sflag:$0x1], $0x80, $0x38;
	[tilespmem:$0x6800] =	vst v63  }
0x13d: {  	s22 =	sadd.s32 $0x180, s6;
	s23 =	simm.s32 $0x3500  }
0x13e: {  	[hbm4b:s22+s2] =	stream.linear.scatter [tilespmem:s23], [sflag:$0x1], $0x80, $0x38;
	[tilespmem:$0x6800] =	vst v63  }
0x13f: {  	s30 =	sadd.s32 $0x200, s6;
	s31 =	simm.s32 $0x3900  }
0x140: {  	[hbm4b:s30+s2] =	stream.linear.scatter [tilespmem:s31], [sflag:$0x1], $0x80, $0x38;
	[tilespmem:$0x6800] =	vst v63  }
0x141: {  	s1 =	sadd.s32 $0x280, s6;
	s16 =	simm.s32 $0x3D00  }
0x142: {  	[hbm4b:s1+s2] =	stream.linear.scatter [tilespmem:s16], [sflag:$0x1], $0x80, $0x38;
	[tilespmem:$0x6800] =	vst v63  }
0x143: {  	s17 =	sadd.s32 $0x300, s6;
	s18 =	simm.s32 $0x4100  }
0x144: {  	[hbm4b:s17+s2] =	stream.linear.scatter [tilespmem:s18], [sflag:$0x1], $0x80, $0x38;
	[tilespmem:$0x6800] =	vst v63  }
0x145: {  	s19 =	sadd.s32 $0x380, s6;
	s20 =	simm.s32 $0x4500  }
0x146: {  	[hbm4b:s19+s2] =	stream.linear.scatter [tilespmem:s20], [sflag:$0x1], $0x80, $0x38;
	[tilespmem:$0x6800] =	vst v63  }
0x147: {  	_ =	swait.ge [sflag:s15], $0x400  }
0x148: {  	[sflag:s15] =	ssyncset.done $0x0  }
0x149: {  	s21 =	simm.s32 $0x2980;
	[sflag:s15] =	ssyncadd.s32 $0xFFFFFC00  }
0x14a: {  	[hbm4b:s7+s2] =	stream.linear.scatter [tilespmem:s21], [sflag:$0x1], $0x80, $0x38;
	[tilespmem:$0x6800] =	vst v63  }
0x14b: {  	s22 =	sadd.s32 $0x80, s7;
	s23 =	simm.s32 $0x2D80  }
0x14c: {  	[hbm4b:s22+s2] =	stream.linear.scatter [tilespmem:s23], [sflag:$0x1], $0x80, $0x38;
	[tilespmem:$0x6800] =	vst v63  }
0x14d: {  	s30 =	sadd.s32 $0x100, s7;
	s31 =	simm.s32 $0x3180  }
0x14e: {  	[hbm4b:s30+s2] =	stream.linear.scatter [tilespmem:s31], [sflag:$0x1], $0x80, $0x38;
	[tilespmem:$0x6800] =	vst v63  }
0x14f: {  	s16 =	sadd.s32 $0x180, s7;
	s17 =	simm.s32 $0x3580  }
0x150: {  	[hbm4b:s16+s2] =	stream.linear.scatter [tilespmem:s17], [sflag:$0x1], $0x80, $0x38;
	[tilespmem:$0x6800] =	vst v63  }
0x151: {  	s18 =	sadd.s32 $0x200, s7;
	s19 =	simm.s32 $0x3980  }
0x152: {  	[hbm4b:s18+s2] =	stream.linear.scatter [tilespmem:s19], [sflag:$0x1], $0x80, $0x38;
	[tilespmem:$0x6800] =	vst v63  }
0x153: {  	s20 =	sadd.s32 $0x280, s7;
	s21 =	simm.s32 $0x3D80  }
0x154: {  	[hbm4b:s20+s2] =	stream.linear.scatter [tilespmem:s21], [sflag:$0x1], $0x80, $0x38;
	[tilespmem:$0x6800] =	vst v63  }
0x155: {  	s22 =	sadd.s32 $0x300, s7;
	s23 =	simm.s32 $0x4180  }
0x156: {  	[hbm4b:s22+s2] =	stream.linear.scatter [tilespmem:s23], [sflag:$0x1], $0x80, $0x38;
	[tilespmem:$0x6800] =	vst v63  }
0x157: {  	s30 =	sadd.s32 $0x380, s7;
	s31 =	simm.s32 $0x4580  }
0x158: {  	[hbm4b:s30+s2] =	stream.linear.scatter [tilespmem:s31], [sflag:$0x1], $0x80, $0x38;
	[tilespmem:$0x6800] =	vst v63  }
0x159: {  	_ =	swait.ge [sflag:s15], $0x400  }
0x15a: {  	[sflag:s15] =	ssyncset.done $0x0  }
0x15b: {  	s1 =	simm.s32 $0x2A00;
	[sflag:s15] =	ssyncadd.s32 $0xFFFFFC00  }
0x15c: {  	[hbm4b:s8+s2] =	stream.linear.scatter [tilespmem:s1], [sflag:$0x1], $0x80, $0x38;
	[tilespmem:$0x6800] =	vst v63  }
0x15d: {  	s16 =	sadd.s32 $0x80, s8;
	s17 =	simm.s32 $0x2E00  }
0x15e: {  	[hbm4b:s16+s2] =	stream.linear.scatter [tilespmem:s17], [sflag:$0x1], $0x80, $0x38;
	[tilespmem:$0x6800] =	vst v63  }
0x15f: {  	s18 =	sadd.s32 $0x100, s8;
	s19 =	simm.s32 $0x3200  }
0x160: {  	[hbm4b:s18+s2] =	stream.linear.scatter [tilespmem:s19], [sflag:$0x1], $0x80, $0x38;
	[tilespmem:$0x6800] =	vst v63  }
0x161: {  	s20 =	sadd.s32 $0x180, s8;
	s21 =	simm.s32 $0x3600  }
0x162: {  	[hbm4b:s20+s2] =	stream.linear.scatter [tilespmem:s21], [sflag:$0x1], $0x80, $0x38;
	[tilespmem:$0x6800] =	vst v63  }
0x163: {  	s22 =	sadd.s32 $0x200, s8;
	s23 =	simm.s32 $0x3A00  }
0x164: {  	[hbm4b:s22+s2] =	stream.linear.scatter [tilespmem:s23], [sflag:$0x1], $0x80, $0x38;
	[tilespmem:$0x6800] =	vst v63  }
0x165: {  	s30 =	sadd.s32 $0x280, s8;
	s31 =	simm.s32 $0x3E00  }
0x166: {  	[hbm4b:s30+s2] =	stream.linear.scatter [tilespmem:s31], [sflag:$0x1], $0x80, $0x38;
	[tilespmem:$0x6800] =	vst v63  }
0x167: {  	s1 =	sadd.s32 $0x300, s8;
	s16 =	simm.s32 $0x4200  }
0x168: {  	[hbm4b:s1+s2] =	stream.linear.scatter [tilespmem:s16], [sflag:$0x1], $0x80, $0x38;
	[tilespmem:$0x6800] =	vst v63  }
0x169: {  	s17 =	sadd.s32 $0x380, s8;
	s18 =	simm.s32 $0x4600  }
0x16a: {  	[hbm4b:s17+s2] =	stream.linear.scatter [tilespmem:s18], [sflag:$0x1], $0x80, $0x38;
	[tilespmem:$0x6800] =	vst v63  }
0x16b: {  	_ =	swait.ge [sflag:s15], $0x400  }
0x16c: {  	[sflag:s15] =	ssyncset.done $0x0  }
0x16d: {  	s19 =	simm.s32 $0x2A80;
	[sflag:s15] =	ssyncadd.s32 $0xFFFFFC00  }
0x16e: {  	[hbm4b:s9+s2] =	stream.linear.scatter [tilespmem:s19], [sflag:$0x1], $0x80, $0x38;
	[tilespmem:$0x6800] =	vst v63  }
0x16f: {  	s20 =	sadd.s32 $0x80, s9;
	s21 =	simm.s32 $0x2E80  }
0x170: {  	[hbm4b:s20+s2] =	stream.linear.scatter [tilespmem:s21], [sflag:$0x1], $0x80, $0x38;
	[tilespmem:$0x6800] =	vst v63  }
0x171: {  	s22 =	sadd.s32 $0x100, s9;
	s23 =	simm.s32 $0x3280  }
0x172: {  	[hbm4b:s22+s2] =	stream.linear.scatter [tilespmem:s23], [sflag:$0x1], $0x80, $0x38;
	[tilespmem:$0x6800] =	vst v63  }
0x173: {  	s30 =	sadd.s32 $0x180, s9;
	s31 =	simm.s32 $0x3680  }
0x174: {  	[hbm4b:s30+s2] =	stream.linear.scatter [tilespmem:s31], [sflag:$0x1], $0x80, $0x38;
	[tilespmem:$0x6800] =	vst v63  }
0x175: {  	s1 =	sadd.s32 $0x200, s9;
	s16 =	simm.s32 $0x3A80  }
0x176: {  	[hbm4b:s1+s2] =	stream.linear.scatter [tilespmem:s16], [sflag:$0x1], $0x80, $0x38;
	[tilespmem:$0x6800] =	vst v63  }
0x177: {  	s17 =	sadd.s32 $0x280, s9;
	s18 =	simm.s32 $0x3E80  }
0x178: {  	[hbm4b:s17+s2] =	stream.linear.scatter [tilespmem:s18], [sflag:$0x1], $0x80, $0x38;
	[tilespmem:$0x6800] =	vst v63  }
0x179: {  	s19 =	sadd.s32 $0x300, s9;
	s20 =	simm.s32 $0x4280  }
0x17a: {  	[hbm4b:s19+s2] =	stream.linear.scatter [tilespmem:s20], [sflag:$0x1], $0x80, $0x38;
	[tilespmem:$0x6800] =	vst v63  }
0x17b: {  	s21 =	sadd.s32 $0x380, s9;
	s22 =	simm.s32 $0x4680  }
0x17c: {  	[hbm4b:s21+s2] =	stream.linear.scatter [tilespmem:s22], [sflag:$0x1], $0x80, $0x38;
	[tilespmem:$0x6800] =	vst v63  }
0x17d: {  	_ =	swait.ge [sflag:s15], $0x400  }
0x17e: {  	[sflag:s15] =	ssyncset.done $0x0  }
0x17f: {  	s23 =	simm.s32 $0x2B00;
	[sflag:s15] =	ssyncadd.s32 $0xFFFFFC00  }
0x180: {  	[hbm4b:s10+s2] =	stream.linear.scatter [tilespmem:s23], [sflag:$0x1], $0x80, $0x38;
	[tilespmem:$0x6800] =	vst v63  }
0x181: {  	s30 =	sadd.s32 $0x80, s10;
	s31 =	simm.s32 $0x2F00  }
0x182: {  	[hbm4b:s30+s2] =	stream.linear.scatter [tilespmem:s31], [sflag:$0x1], $0x80, $0x38;
	[tilespmem:$0x6800] =	vst v63  }
0x183: {  	s16 =	sadd.s32 $0x100, s10;
	s17 =	simm.s32 $0x3300  }
0x184: {  	[hbm4b:s16+s2] =	stream.linear.scatter [tilespmem:s17], [sflag:$0x1], $0x80, $0x38;
	[tilespmem:$0x6800] =	vst v63  }
0x185: {  	s18 =	sadd.s32 $0x180, s10;
	s19 =	simm.s32 $0x3700  }
0x186: {  	[hbm4b:s18+s2] =	stream.linear.scatter [tilespmem:s19], [sflag:$0x1], $0x80, $0x38;
	[tilespmem:$0x6800] =	vst v63  }
0x187: {  	s20 =	sadd.s32 $0x200, s10;
	s21 =	simm.s32 $0x3B00  }
0x188: {  	[hbm4b:s20+s2] =	stream.linear.scatter [tilespmem:s21], [sflag:$0x1], $0x80, $0x38;
	[tilespmem:$0x6800] =	vst v63  }
0x189: {  	s22 =	sadd.s32 $0x280, s10;
	s23 =	simm.s32 $0x3F00  }
0x18a: {  	[hbm4b:s22+s2] =	stream.linear.scatter [tilespmem:s23], [sflag:$0x1], $0x80, $0x38;
	[tilespmem:$0x6800] =	vst v63  }
0x18b: {  	s30 =	sadd.s32 $0x300, s10;
	s31 =	simm.s32 $0x4300  }
0x18c: {  	[hbm4b:s30+s2] =	stream.linear.scatter [tilespmem:s31], [sflag:$0x1], $0x80, $0x38;
	[tilespmem:$0x6800] =	vst v63  }
0x18d: {  	s1 =	sadd.s32 $0x380, s10;
	s16 =	simm.s32 $0x4700  }
0x18e: {  	[hbm4b:s1+s2] =	stream.linear.scatter [tilespmem:s16], [sflag:$0x1], $0x80, $0x38;
	[tilespmem:$0x6800] =	vst v63  }
0x18f: {  	_ =	swait.ge [sflag:s15], $0x400  }
0x190: {  	[sflag:s15] =	ssyncset.done $0x0  }
0x191: {  	s17 =	simm.s32 $0x2B80;
	[sflag:s15] =	ssyncadd.s32 $0xFFFFFC00  }
0x192: {  	[hbm4b:s11+s2] =	stream.linear.scatter [tilespmem:s17], [sflag:$0x1], $0x80, $0x38;
	[tilespmem:$0x6800] =	vst v63  }
0x193: {  	s18 =	sadd.s32 $0x80, s11;
	s19 =	simm.s32 $0x2F80  }
0x194: {  	[hbm4b:s18+s2] =	stream.linear.scatter [tilespmem:s19], [sflag:$0x1], $0x80, $0x38;
	[tilespmem:$0x6800] =	vst v63  }
0x195: {  	s20 =	sadd.s32 $0x100, s11;
	s21 =	simm.s32 $0x3380  }
0x196: {  	[hbm4b:s20+s2] =	stream.linear.scatter [tilespmem:s21], [sflag:$0x1], $0x80, $0x38;
	[tilespmem:$0x6800] =	vst v63  }
0x197: {  	s22 =	sadd.s32 $0x180, s11;
	s23 =	simm.s32 $0x3780  }
0x198: {  	[hbm4b:s22+s2] =	stream.linear.scatter [tilespmem:s23], [sflag:$0x1], $0x80, $0x38;
	[tilespmem:$0x6800] =	vst v63  }
0x199: {  	s30 =	sadd.s32 $0x200, s11;
	s31 =	simm.s32 $0x3B80  }
0x19a: {  	[hbm4b:s30+s2] =	stream.linear.scatter [tilespmem:s31], [sflag:$0x1], $0x80, $0x38;
	[tilespmem:$0x6800] =	vst v63  }
0x19b: {  	s1 =	sadd.s32 $0x280, s11;
	s16 =	simm.s32 $0x3F80  }
0x19c: {  	[hbm4b:s1+s2] =	stream.linear.scatter [tilespmem:s16], [sflag:$0x1], $0x80, $0x38;
	[tilespmem:$0x6800] =	vst v63  }
0x19d: {  	s17 =	sadd.s32 $0x300, s11;
	s18 =	simm.s32 $0x4380  }
0x19e: {  	[hbm4b:s17+s2] =	stream.linear.scatter [tilespmem:s18], [sflag:$0x1], $0x80, $0x38;
	[tilespmem:$0x6800] =	vst v63  }
0x19f: {  	s19 =	sadd.s32 $0x380, s11;
	s20 =	simm.s32 $0x4780  }
0x1a0: {  	[hbm4b:s19+s2] =	stream.linear.scatter [tilespmem:s20], [sflag:$0x1], $0x80, $0x38;
	[tilespmem:$0x6800] =	vst v63  }
0x1a1: {  	_ =	swait.ge [sflag:s15], $0x400  }
0x1a2: {  	[sflag:s15] =	ssyncset.done $0x0  }
0x1a3: {  	s21 =	simm.s32 $0x4800;
	[sflag:s15] =	ssyncadd.s32 $0xFFFFFC00  }
0x1a4: {  	[hbm4b:s12+s2] =	stream.linear.scatter [tilespmem:s21], [sflag:$0x1], $0x80, $0x38;
	[tilespmem:$0x6800] =	vst v63  }
0x1a5: {  	s22 =	sadd.s32 $0x80, s12;
	s23 =	simm.s32 $0x4C00  }
0x1a6: {  	[hbm4b:s22+s2] =	stream.linear.scatter [tilespmem:s23], [sflag:$0x1], $0x80, $0x38;
	[tilespmem:$0x6800] =	vst v63  }
0x1a7: {  	s30 =	sadd.s32 $0x100, s12;
	s31 =	simm.s32 $0x5000  }
0x1a8: {  	[hbm4b:s30+s2] =	stream.linear.scatter [tilespmem:s31], [sflag:$0x1], $0x80, $0x38;
	[tilespmem:$0x6800] =	vst v63  }
0x1a9: {  	s16 =	sadd.s32 $0x180, s12;
	s17 =	simm.s32 $0x5400  }
0x1aa: {  	[hbm4b:s16+s2] =	stream.linear.scatter [tilespmem:s17], [sflag:$0x1], $0x80, $0x38;
	[tilespmem:$0x6800] =	vst v63  }
0x1ab: {  	s18 =	sadd.s32 $0x200, s12;
	s19 =	simm.s32 $0x5800  }
0x1ac: {  	[hbm4b:s18+s2] =	stream.linear.scatter [tilespmem:s19], [sflag:$0x1], $0x80, $0x38;
	[tilespmem:$0x6800] =	vst v63  }
0x1ad: {  	s20 =	sadd.s32 $0x280, s12;
	s21 =	simm.s32 $0x5C00  }
0x1ae: {  	[hbm4b:s20+s2] =	stream.linear.scatter [tilespmem:s21], [sflag:$0x1], $0x80, $0x38;
	[tilespmem:$0x6800] =	vst v63  }
0x1af: {  	s22 =	sadd.s32 $0x300, s12;
	s23 =	simm.s32 $0x6000  }
0x1b0: {  	[hbm4b:s22+s2] =	stream.linear.scatter [tilespmem:s23], [sflag:$0x1], $0x80, $0x38;
	[tilespmem:$0x6800] =	vst v63  }
0x1b1: {  	s30 =	sadd.s32 $0x380, s12;
	s31 =	simm.s32 $0x6400  }
0x1b2: {  	[hbm4b:s30+s2] =	stream.linear.scatter [tilespmem:s31], [sflag:$0x1], $0x80, $0x38;
	[tilespmem:$0x6800] =	vst v63  }
0x1b3: {  	_ =	swait.ge [sflag:s15], $0x400  }
0x1b4: {  	[sflag:s15] =	ssyncset.done $0x0  }
0x1b5: {  	s1 =	simm.s32 $0x4880;
	[sflag:s15] =	ssyncadd.s32 $0xFFFFFC00  }
0x1b6: {  	[hbm4b:s13+s2] =	stream.linear.scatter [tilespmem:s1], [sflag:$0x1], $0x80, $0x38;
	[tilespmem:$0x6800] =	vst v63  }
0x1b7: {  	s16 =	sadd.s32 $0x80, s13;
	s17 =	simm.s32 $0x4C80  }
0x1b8: {  	[hbm4b:s16+s2] =	stream.linear.scatter [tilespmem:s17], [sflag:$0x1], $0x80, $0x38;
	[tilespmem:$0x6800] =	vst v63  }
0x1b9: {  	s18 =	sadd.s32 $0x100, s13;
	s19 =	simm.s32 $0x5080  }
0x1ba: {  	[hbm4b:s18+s2] =	stream.linear.scatter [tilespmem:s19], [sflag:$0x1], $0x80, $0x38;
	[tilespmem:$0x6800] =	vst v63  }
0x1bb: {  	s20 =	sadd.s32 $0x180, s13;
	s21 =	simm.s32 $0x5480  }
0x1bc: {  	[hbm4b:s20+s2] =	stream.linear.scatter [tilespmem:s21], [sflag:$0x1], $0x80, $0x38;
	[tilespmem:$0x6800] =	vst v63  }
0x1bd: {  	s22 =	sadd.s32 $0x200, s13  }
0x1be: {  	[hbm4b:s22+s2] =	stream.linear.scatter [tilespmem:s24], [sflag:$0x1], $0x80, $0x38;
	[tilespmem:$0x6800] =	vst v63  }
0x1bf: {  	s29 =	sadd.s32 $0x1, s29;
	s23 =	sadd.s32 $0x280, s13  }
0x1c0: {  	[hbm4b:s23+s2] =	stream.linear.scatter [tilespmem:s25], [sflag:$0x1], $0x80, $0x38;
	[tilespmem:$0x6800] =	vst v63  }
0x1c1: {  	p0 =	sne.s32 s29, s14;
	s30 =	sadd.s32 $0x300, s13  }
0x1c2: {  	[hbm4b:s30+s2] =	stream.linear.scatter [tilespmem:s26], [sflag:$0x1], $0x80, $0x38;
	[tilespmem:$0x6800] =	vst v63  }
.Ltmp1:
0x1c3: {  	s31 =	sadd.s32 $0x380, s13;
	(pc) =	sbr.rel @p0 .LBB2_1-.Ltmp1, $4  }
0x1c4: {  	[hbm4b:s31+s2] =	stream.linear.scatter [tilespmem:s28], [sflag:$0x1], $0x80, $0x38;
	[tilespmem:$0x6800] =	vst v63  }
0x1c5: {  	_ =	swait.ge [sflag:s15], $0x400  }
0x1c6: {  	[sflag:s15] =	ssyncset.done $0x0  }
0x1c7: {  	[sflag:s15] =	ssyncadd.s32 $0xFFFFFC00  }
0x1c8: {  	_ =	sfence.sel $0x180000  }
0x1c9: {  	[bflag:$0x0] =	sbarrier.arrive $0xFFFF  }
0x1ca: {  	_ =	strace $0x90000047  }
0x1cb: {  	s0 =	stileid.u32;
	[bflag:$0x2] =	sbarrier.arrive $0xFFFF  }
0x1cc: {  	p0 =	sne.s32 s0, $0x0;
	s0 =	rddreg [dreg:$0x2]  }
0x1cd: {  	s0 =	sadd.s32 @!p0 $0x100000, s0  }
0x1ce: {  	[sflag:s0] =	ssyncadd.tile.s32 @!p0 $0x1;
	_ =	shalt  }
.Lfunc_end2:
_tile_overlayer_lowered:
.L_overlay_start_2:
0x1cf: {  	(tag) =	ssettag $0x2  }
0x1d0: {  	s0 =	rddreg [dreg:$0x0];
	s2 =	stileid.u32  }
0x1d1: {  	s1 =	rddreg [dreg:$0x1];
	p0 =	sne.s32 s2, $0x0  }
0x1d2: {  	s3 =	rddreg [dreg:$0x2];
	[bflag:$0x3] =	sbarrier.arrive $0xFFFF;
	s2 =	simm.s32 @!p0 $0x1C01  }
0x1d3: {  	[timem:s3], [sflag:s2] =	dma.local @!p0 [hbm:s0], s1  }
0x1d4: {  	s0 =	simm.s32 @!p0 $0x1  }
0x1d5: {  	_ =	swait.ge @!p0 [sflag:s0], s1  }
0x1d6: {  	s1 =	ssub.s32 @!p0 $0x0, s1;
	[sflag:s0] =	ssyncset.done @!p0 $0x0  }
0x1d7: {  	[sflag:s0] =	ssyncadd.s32 @!p0 s1  }
0x1d8: {  	[bflag:$0x3] =	sbarrier.arrive $0xFFFF  }
0x1d9: {  	_ =	shalt  }

// kernel: kernel.8.cloned.1.call-start
scs
__scs_entry_jumppad:
0x0: {  	(pc) =	sbr.rel $0x88, $3  }
0x1: {  	(tag) =	ssettag $0x0;
	lr =	simm.s32 $0x1  }
0x2: {  	[smem:$0x3FA0] =	sst lr;
	_ =	strace $0xD0000000  }
0x3: {  	_ = 	snop  }
0x4: {  	_ = 	snop  }
0x5: {  	_ = 	snop  }
0x6: {  	_ = 	snop  }
0x7: {  	_ = 	snop  }
__scs_overlays_trampoline_lowered:
0x8: {  	[smem:$0x3FAF] =	sst s0  }
0x9: {  	[smem:$0x3FB0] =	sst s1  }
0xa: {  	[smem:$0x3FB1] =	sst s2  }
0xb: {  	[smem:$0x3FB2] =	sst s3  }
0xc: {  	[smem:$0x3FB3] =	sst s4  }
0xd: {  	[smem:$0x3FB4] =	sst s5  }
0xe: {  	[smem:$0x3FB5] =	sst s6  }
0xf: {  	[smem:$0x3FB6] =	sst s7  }
0x10: {  	[smem:$0x3FB7] =	sst s8  }
0x11: {  	[smem:$0x3FB8] =	sst s9;
	s0 =	simm.s32 @!p0 $0x0  }
0x12: {  	s1 =	sld [smem:$0x3F9E];
	s0 =	simm.s32 @p0 $0x1  }
0x13: {  	[smem:$0x3FB9] =	sst s0;
	s0 =	simm.s32 @!p1 $0x0  }
0x14: {  	s2 =	sld [smem:$0x3F9D];
	s0 =	simm.s32 @p1 $0x1  }
0x15: {  	[smem:$0x3FBA] =	sst s0;
	s0 =	simm.s32 @!p2 $0x0  }
0x16: {  	s3 =	sld [smem:$0x3FDB];
	s0 =	simm.s32 @p2 $0x1  }
0x17: {  	s4 =	simm.s32 $0x1BF5;
	[smem:$0x3FBC] =	sst s0  }
0x18: {  	s0 =	sld [smem:$0x3F9F];
	_ =	swait.ge [sflag:s4], $0x0  }
0x19: {  	s7 =	sld [smem:$0x3FA0]  }
0x1a: {  	s8 =	sadd.s32 $0xFFFFE003, lr  }
0x1b: {  	s9 =	sadd.s32 $0xFFFFFEF7, lr;
	s5 =	simm.s32 $0xFFFFFFFF;
	p2 =	slt.u32 s8, $0xFFFFF086  }
0x1c: {  	p1 =	slt.u32 s9, $0xF7A;
	s5 =	simm.s32 @!p2 $0x0  }
0x1d: {  	s5 =	simm.s32 @p1 $0x1;
	p0 =	seq.s32 s7, s2  }
0x1e: {  	s7 =	smul.u32 @!p0 $0xF7A, s2;
	p2 =	seq.s32 @!p0 s5, $0x0  }
0x1f: {  	s9 =	smul.u32 $0xF7A, s1;
	s8 =	simm.s32 @!p0 $0x1BF5;
	p2 =	por !p2, p0  }
0x20: {  	[sflag:s8] =	ssyncset.s32 @!p0 $0xFFFFF086;
	s6 =	sadd.s32 @!p0 s3, s7;
	s7 =	simm.s32 @!p0 $0x108  }
0x21: {  	s3 =	sadd.s32 s3, s9;
	s6 =	sadd.s32 @!p0 $0x88, s6;
	s7 =	simm.s32 @p2 $0x1082  }
0x22: {  	[simem:s7], [sflag:s8] =	dma.local @!p0 [hbm:s6], $0xF7A  }
0x23: {  	s9 =	sor.u32 $0xD0000000, s2;
	s6 =	simm.s32 $0x108;
	_ =	swait.ge @!p0 [sflag:s8], $0x0  }
0x24: {  	s3 =	sadd.s32 $0x88, s3;
	s6 =	simm.s32 @!p1 $0x1082;
	[sflag:s4] =	ssyncset.s32 $0xFFFFF086  }
0x25: {  	[simem:s6], [sflag:s4] =	dma.local [hbm:s3], $0xF7A  }
0x26: {  	[smem:$0x3FA0] =	sst s1;
	(tag) =	ssettag s2;
	_ =	strace s9  }
0x27: {  	s1 =	sld [smem:$0x3FB0]  }
0x28: {  	s2 =	sld [smem:$0x3FB1]  }
0x29: {  	s4 =	sld [smem:$0x3FB3]  }
0x2a: {  	p0 =	seq.s32 s5, $0x0;
	s5 =	sld [smem:$0x3FB4]  }
0x2b: {  	s6 =	sld [smem:$0x3FB5]  }
0x2c: {  	s7 =	sld [smem:$0x3FB6]  }
0x2d: {  	s3 =	simm.s32 $0x108;
	s8 =	sld [smem:$0x3FB7]  }
0x2e: {  	s3 =	simm.s32 @!p0 $0x1082;
	s9 =	sld [smem:$0x3FB8]  }
0x2f: {  	lr =	sadd.s32 s0, s3;
	s0 =	sld [smem:$0x3FAF]  }
0x30: {  	s3 =	sld [smem:$0x3FB2]  }
0x31: {  	[smem:$0x3FBB] =	sst s10  }
0x32: {  	s10 =	sld [smem:$0x3FB9];
	_ =	sdelay $0x3  }
0x33: {  	p0 =	seq.s32 s10, $0x1;
	s10 =	sld [smem:$0x3FBB];
	_ =	sdelay $0x3  }
0x34: {  	[smem:$0x3FBB] =	sst s10  }
0x35: {  	s10 =	sld [smem:$0x3FBA];
	_ =	sdelay $0x3  }
0x36: {  	p1 =	seq.s32 s10, $0x1;
	s10 =	sld [smem:$0x3FBB];
	_ =	sdelay $0x3  }
0x37: {  	[smem:$0x3FBB] =	sst s10  }
0x38: {  	s10 =	sld [smem:$0x3FBC]  }
0x39: {  	_ = 	snop;
	(pc) =	sbr.ind lr, $3  }
0x3a: {  	_ = 	snop  }
0x3b: {  	_ = 	snop  }
0x3c: {  	p2 =	seq.s32 s10, $0x1;
	s10 =	sld [smem:$0x3FBB]  }
0x3d: {  	_ =	shalt  }
0x3e: {  	_ =	shalt  }
0x3f: {  	_ =	shalt  }
0x40: {  	_ =	shalt  }
0x41: {  	_ =	shalt  }
0x42: {  	_ =	shalt  }
0x43: {  	_ =	shalt  }
0x44: {  	_ =	shalt  }
0x45: {  	_ =	shalt  }
0x46: {  	_ =	shalt  }
0x47: {  	_ =	shalt  }
0x48: {  	_ =	shalt  }
0x49: {  	_ =	shalt  }
0x4a: {  	_ =	shalt  }
0x4b: {  	_ =	shalt  }
0x4c: {  	_ =	shalt  }
0x4d: {  	_ =	shalt  }
0x4e: {  	_ =	shalt  }
0x4f: {  	_ =	shalt  }
0x50: {  	_ =	shalt  }
0x51: {  	_ =	shalt  }
0x52: {  	_ =	shalt  }
0x53: {  	_ =	shalt  }
0x54: {  	_ =	shalt  }
0x55: {  	_ =	shalt  }
0x56: {  	_ =	shalt  }
0x57: {  	_ =	shalt  }
0x58: {  	_ =	shalt  }
0x59: {  	_ =	shalt  }
0x5a: {  	_ =	shalt  }
0x5b: {  	_ =	shalt  }
0x5c: {  	_ =	shalt  }
0x5d: {  	_ =	shalt  }
0x5e: {  	_ =	shalt  }
0x5f: {  	_ =	shalt  }
0x60: {  	_ =	shalt  }
0x61: {  	_ =	shalt  }
0x62: {  	_ =	shalt  }
0x63: {  	_ =	shalt  }
0x64: {  	_ =	shalt  }
0x65: {  	_ =	shalt  }
0x66: {  	_ =	shalt  }
0x67: {  	_ =	shalt  }
0x68: {  	_ =	shalt  }
0x69: {  	_ =	shalt  }
0x6a: {  	_ =	shalt  }
0x6b: {  	_ =	shalt  }
0x6c: {  	_ =	shalt  }
0x6d: {  	_ =	shalt  }
0x6e: {  	_ =	shalt  }
0x6f: {  	_ =	shalt  }
0x70: {  	_ =	shalt  }
0x71: {  	_ =	shalt  }
0x72: {  	_ =	shalt  }
0x73: {  	_ =	shalt  }
0x74: {  	_ =	shalt  }
0x75: {  	_ =	shalt  }
0x76: {  	_ =	shalt  }
0x77: {  	_ =	shalt  }
0x78: {  	_ =	shalt  }
0x79: {  	_ =	shalt  }
0x7a: {  	_ =	shalt  }
0x7b: {  	_ =	shalt  }
0x7c: {  	_ =	shalt  }
0x7d: {  	_ =	shalt  }
0x7e: {  	_ =	shalt  }
0x7f: {  	_ =	shalt  }
0x80: {  	_ =	shalt  }
0x81: {  	_ =	shalt  }
0x82: {  	_ =	shalt  }
0x83: {  	_ =	shalt  }
0x84: {  	_ =	shalt  }
0x85: {  	_ =	shalt  }
0x86: {  	_ =	shalt  }
0x87: {  	_ =	shalt  }
.Lfunc_end0:
.L_simem_size_0:
called_computation.1_lowered:
.L_overlay_start_0:
0x88: {  	s2 =	sld [smem:$0x3FD9]  }
0x89: {  	s3 =	sld [smem:$0x3FFE];
	_ =	sdelay $0x1  }
0x8a: {  	s1 =	srdreg.scid  }
0x8b: {  	s0 =	sand.u32 $0x1, s1  }
0x8c: {  	s14 =	sshll.u32 s0, $0xA;
	s2 =	sadd.s32 s3, s2  }
0x8d: {  	s2 =	sadd.s32 s2, s14  }
0x8e: {  	[smem:$0x3FC7] =	sst s2  }
0x8f: {  	_ = 	snop  }
0x90: {  	s2 =	sld [smem:$0x3FD0];
	_ =	sdelay $0x2  }
0x91: {  	s15 =	simm.s32 $0xA;
	s4 =	simm.s32 $0x10  }
0x92: {  	[smem:s4], [sflag:s15] =	dma.local [hbm:s2], $0x1  }
0x93: {  	_ =	swait.eq [sflag:s15], $0x1  }
0x94: {  	[sflag:s15] =	ssyncset.done $0x0  }
0x95: {  	s16 =	sld [smem:$0x10];
	[sflag:s15] =	ssyncadd.s32 $0xFFFFFFFF  }
0x96: {  	s17 =	sld [smem:$0x12];
	(tm) =	ssettm $0x1  }
0x97: {  	s18 =	sld [smem:$0x3FFB];
	_ =	sdelay $0x3  }
0x98: {  	_ =	strace s18  }
0x99: {  	s4 =	sld [smem:$0x3FFC];
	_ =	sdelay $0x3  }
0x9a: {  	_ =	strace s4  }
0x9b: {  	s4 =	sld [smem:$0x3FFD];
	_ =	sdelay $0x3  }
0x9c: {  	_ =	strace s4  }
0x9d: {  	_ =	strace $0x8FFFFFFF  }
0x9e: {  	s19 =	sld [smem:$0x3FDB];
	_ =	sdelay $0x1  }
0x9f: {  	s5 =	simm.s32 $_scs_section_size  }
0xa0: {  	s6 =	simm.s32 $_size__tile_overlayer_lowered;
	s7 =	simm.s32 $_tile_overlayer_lowered  }
0xa1: {  	s22 =	simm.s32 $0x1BFF;
	s21 =	sshll.u32 s7, $0x1;
	s4 =	sadd.s32 s5, s19  }
0xa2: {  	s8 =	simm.s32 $0x0;
	s20 =	sshll.u32 s6, $0x1;
	s6 =	sadd.s32 s21, s4  }
0xa3: {  	[timem:s8], [sflag:s22] =	dma.local [hbm:s6], s20  }
0xa4: {  	_ =	swait.ge [sflag:s22], s20  }
0xa5: {  	s5 =	ssub.s32 $0x0, s20;
	[sflag:s22] =	ssyncset.done $0x0  }
0xa6: {  	[sflag:s22] =	ssyncadd.s32 s5;
	_ =	sdelay $0x1  }
0xa7: {  	s23 =	simm.s32 $0x1B8B  }
0xa8: {  	_ =	swait.ge [sflag:s23], $0x1  }
0xa9: {  	[sflag:s23] =	ssyncset.done $0x0  }
0xaa: {  	s25 =	simm.s32 $0x1B8E;
	s24 =	sld [smem:$0x3FFE];
	[sflag:s23] =	ssyncadd.s32 $0xFFFFFFFF  }
0xab: {  	s26 =	simm.s32 $execute0_lowered;
	[smem:$0x3FD2] =	sst s25  }
0xac: {  	s6 =	sshll.u32 s26, $0x1;
	_ =	strace $0x80000049;
	[dreg:$0x1] =	wrdreg $0xFFFFFFFF  }
0xad: {  	s28 =	simm.s32 $_size_execute0_lowered;
	s4 =	sadd.s32 s4, s6;
	[dreg:$0x0] =	wrdreg $0x0  }
0xae: {  	s6 =	sshll.u32 s28, $0x1;
	[dreg:$0x2] =	wrdreg s4  }
0xaf: {  	[dreg:$0x3] =	wrdreg s6  }
0xb0: {  	[dreg:$0x4] =	wrdreg $0xC0  }
0xb1: {  	_ =	task [dreg:s8], $0x5FFFF  }
0xb2: {  	[dreg:$0x1] =	wrdreg $0xFFFFFFFF  }
0xb3: {  	[dreg:$0x0] =	wrdreg $0x60  }
0xb4: {  	[dreg:$0x2] =	wrdreg s24  }
0xb5: {  	[dreg:$0x3] =	wrdreg s16  }
0xb6: {  	[dreg:$0x4] =	wrdreg s17  }
0xb7: {  	[dreg:$0x5] =	wrdreg $0x9  }
0xb8: {  	_ =	task.clear_ibuf [dreg:s8], $0x6FFFF;
	_ =	strace $0x90000049  }
0xb9: {  	s29 =	simm.s32 $0x9;
	_ =	strace $0x8000004B  }
0xba: {  	_ =	swait.ge [sflag:s29], $0x1  }
0xbb: {  	[sflag:s29] =	ssyncadd.s32 $0xFFFFFFFF  }
0xbc: {  	_ =	strace $0x9000004B  }
0xbd: {  	_ =	sfence  }
0xbe: {  	s30 =	sld [smem:$0x0];
	_ =	sdelay $0x2  }
0xbf: {  	s31 =	sshll.u32 s1, $0xD;
	s1 =	sshrl.u32 s1, $0x2  }
0xc0: {  	s3 =	sand.u32 $0x4000, s31;
	s1 =	sadd.s32 s1, s30  }
0xc1: {  	s0 =	sor.u32 s3, s0;
	s1 =	sshll.u32 s1, $0x11  }
0xc2: {  	s0 =	sor.u32 s1, s0  }
0xc3: {  	s0 =	sadd.s32 $0x8F2B, s0  }
0xc4: {  	[sflag:s0] =	ssyncadd.remote.s32 $0x1  }
0xc5: {  	_ =	sfence.sel $0xFFFF  }
0xc6: {  	[dreg:$0x0] =	wrdreg $0xFFFFFFFF;
	(pc) =	sbr.abs _section_cstart, $3  }
0xc7: {  	[dreg:$0x1] =	wrdreg $0xFFFFFFFF  }
0xc8: {  	_ =	task.clear_ibuf [dreg:s8], $0x2FFFF;
	_ =	strace $0x9FFFFFFF  }
0xc9: {  	(tm) =	ssettm $0x7FFFFFFF  }
tec
execute0_lowered:
.L_overlay_start_1:
0x0: {  	(tag) =	ssettag $0x1  }
0x1: {  	s3 =	rddreg [dreg:$0x0]  }
0x2: {  	s4 =	rddreg [dreg:$0x1]  }
0x3: {  	s5 =	rddreg [dreg:$0x2]  }
0x4: {  	s0 =	rddreg [dreg:$0x3]  }
0x5: {  	s2 =	simm.s32 $0x0;
	s1 =	stileid.u32;
	s6 =	srdreg.scid  }
0x6: {  	s7 =	sshll.u32 s1, $0x3;
	s6 =	sand.u32 $0x1, s6;
	s8 =	sshll.u32 s1, $0x1  }
0x7: {  	[smem:$0x7FF] =	sst s2;
	s7 =	sand.u32 $0x70, s7;
	s8 =	sor.u32 s6, s8  }
0x8: {  	v0 =	vlaneseq.u32;
	s6 =	ssub.s32 $0x2, s6;
	_ =	strace $0x8000004A;
	s3 =	sadd.s32 s7, s3  }
0x9: {  	v0 =	vmul.u32 $0xA, v0;
	s30 =	sshll.u32 s8, $0xA;
	s9 =	sshrl.u32 s6, $0x1;
	s10 =	smul.u32 $0x500, s8  }
0xa: {  	s31 =	sshll.u32 s8, $0x7;
	s8 =	simm.s32 $0x400;
	s7 =	sand.u32 $0xC00, s30  }
0xb: {  	v1 =	vor.u32 $0x1, v0;
	v2 =	vadd.s32 $0x2, v0;
	v3 =	vadd.s32 $0x3, v0;
	s6 =	ssub.s32 s6, s9;
	s5 =	sadd.s32 s5, s31;
	s9 =	simm.s32 $0x1  }
0xc: {  	v4 =	vadd.s32 $0x4, v0;
	v5 =	vadd.s32 $0x5, v0;
	v6 =	vadd.s32 $0x6, v0;
	s3 =	sadd.s32 s7, s3;
	s4 =	sadd.s32 s4, s10;
	s6 =	smax.u32 s6, $0x1  }
0xd: {  	v7 =	vadd.s32 $0x7, v0;
	v8 =	vadd.s32 $0x8, v0;
	v9 =	vadd.s32 $0x9, v0;
	s7 =	simm.s32 $0x80;
	s10 =	simm.s32 $0x0;
	s3 =	sadd.s32 $0x1200, s3  }
.LBB2_1:
0xe: {  	[tilespmem:s2], [sflag:$0x1] =	stream.strided.gather [hbm4b:s3+s7], $0x400, s8, s7, $0x38;
	v10 =	vmov s2;
	[tilespmem:$0x2C00] =	vst v63  }
0xf: {  	_ =	swait.ge [sflag:s9], $0x400;
	v10 =	vmul.u32 $0xA, v10  }
0x10: {  	[sflag:s9] =	ssyncset.done $0x0  }
0x11: {  	s11 =	simm.s32 $0x10;
	s12 =	simm.s32 $0x10;
	[sflag:s9] =	ssyncadd.s32 $0xFFFFFC00;
	v11 =	vbroadcast v10, $0x0  }
0x12: {  	v10 =	vmov s12;
	v14 =	vld [tilespmem:s11+$0xFFFFFFF0]  }
0x13: {  	v12 =	vmul.u32 $0xA, v10;
	v17 =	vadd.s32 v0, v11  }
0x14: {  	v18 =	vadd.s32 v4, v11;
	v19 =	vadd.s32 v1, v11;
	v20 =	vadd.s32 v5, v11  }
0x15: {  	v21 =	vadd.s32 v6, v11;
	v10 =	vadd.s32 v8, v11;
	v13 =	vbroadcast v12, $0x0  }
0x16: {  	v22 =	vadd.s32 v3, v11;
	v16 =	vadd.s32 v7, v11;
	v15 =	vadd.s32 v9, v11  }
0x17: {  	v23 =	vadd.s32 v2, v11;
	v12 =	vadd.s32 v0, v13;
	v24 =	vshrl.u32 v14, $0x9  }
0x18: {  	v11 =	vadd.s32 v1, v13;
	v25 =	vshrl.u32 v14, $0x8;
	v24 =	vand.u32 $0x1, v24  }
0x19: {  	v26 =	vshrl.u32 v14, $0x7;
	v25 =	vand.u32 $0x1, v25;
	v24 =	vcvt.s32.f32 v24  }
0x1a: {  	v27 =	vshrl.u32 v14, $0x6;
	v26 =	vand.u32 $0x1, v26;
	v25 =	vcvt.s32.f32 v25  }
0x1b: {  	v28 =	vshrl.u32 v14, $0x5;
	v55 =	vand.u32 $0x1, v27;
	[tilespmem:v17+s8+$0x0] =	vst.idx.msk $0xffff, v24;
	v17 =	vcvt.s32.f32 v26  }
0x1c: {  	v56 =	vshrl.u32 v14, $0x4;
	v57 =	vand.u32 $0x1, v28;
	[tilespmem:v19+s8+$0x0] =	vst.idx.msk $0xffff, v25;
	v19 =	vcvt.s32.f32 v55  }
0x1d: {  	v59 =	vshrl.u32 v14, $0x3;
	v58 =	vand.u32 $0x1, v56;
	[tilespmem:v23+s8+$0x0] =	vst.idx.msk $0xffff, v17;
	v17 =	vcvt.s32.f32 v57  }
0x1e: {  	v61 =	vshrl.u32 v14, $0x2;
	v60 =	vand.u32 $0x1, v59;
	[tilespmem:v22+s8+$0x0] =	vst.idx.msk $0xffff, v19;
	v19 =	vcvt.s32.f32 v58  }
0x1f: {  	v63 =	vshrl.u32 v14, $0x1;
	v62 =	vand.u32 $0x1, v61;
	v23 =	vcvt.s32.f32 v60;
	[tilespmem:v18+s8+$0x0] =	vst.idx.msk $0xffff, v17  }
0x20: {  	v24 =	vand.u32 $0x1, v63;
	v17 =	vand.u32 $0x1, v14;
	v18 =	vcvt.s32.f32 v62;
	[tilespmem:v20+s8+$0x0] =	vst.idx.msk $0xffff, v19  }
0x21: {  	s13 =	simm.s32 $0x40;
	s14 =	simm.s32 $0x10;
	s12 =	simm.s32 $0x20;
	v14 =	vadd.s32 v3, v13;
	v17 =	vcvt.s32.f32 v17;
	v19 =	vcvt.s32.f32 v24;
	[tilespmem:v21+s8+$0x0] =	vst.idx.msk $0xffff, v23  }
.LBB2_2:
0x22: {  	p0 =	sne.s32 s13, $0x3E0  }
0x23: {  	v20 =	vmov s12;
	[tilespmem:v16+s8+$0x0] =	vst.idx.msk $0xffff, v18;
	s11 =	sadd.s32 $0x20, s11;
	s15 =	smov.u32 s13;
	s13 =	sadd.s32 $0x20, s13  }
0x24: {  	v16 =	vmul.u32 $0xA, v20;
	[tilespmem:v10+s8+$0x0] =	vst.idx.msk $0xffff, v19  }
0x25: {  	[tilespmem:v15+s8+$0x0] =	vst.idx.msk $0xffff, v17  }
0x26: {  	v17 =	vbroadcast v16, $0x0;
	v15 =	vld [tilespmem:s14+$0x0];
	v16 =	vadd.s32 v9, v13;
	s14 =	smov.u32 s11  }
0x27: {  	v18 =	vadd.s32 v6, v13;
	v19 =	vadd.s32 v7, v13;
	v20 =	vadd.s32 v8, v13  }
0x28: {  	v23 =	vadd.s32 v5, v13;
	v21 =	vadd.s32 v0, v17;
	v22 =	vadd.s32 v4, v17  }
0x29: {  	v26 =	vadd.s32 v4, v13;
	v24 =	vadd.s32 v1, v17;
	v25 =	vadd.s32 v5, v17  }
0x2a: {  	v13 =	vadd.s32 v2, v13;
	v27 =	vadd.s32 v6, v17;
	v10 =	vadd.s32 v8, v17  }
0x2b: {  	v28 =	vadd.s32 v3, v17;
	v29 =	vshrl.u32 v15, $0x9;
	v30 =	vshrl.u32 v15, $0x4  }
0x2c: {  	v31 =	vshrl.u32 v15, $0x8;
	v32 =	vshrl.u32 v15, $0x7;
	v29 =	vand.u32 $0x1, v29  }
0x2d: {  	v31 =	vand.u32 $0x1, v31;
	v32 =	vand.u32 $0x1, v32;
	v29 =	vcvt.s32.f32 v29  }
0x2e: {  	v33 =	vshrl.u32 v15, $0x6;
	v34 =	vshrl.u32 v15, $0x5;
	v31 =	vcvt.s32.f32 v31  }
0x2f: {  	[tilespmem:v12+s8+$0x0] =	vst.idx.msk $0xffff, v29;
	v12 =	vcvt.s32.f32 v32;
	v29 =	vand.u32 $0x1, v33;
	v32 =	vand.u32 $0x1, v34  }
0x30: {  	[tilespmem:v11+s8+$0x0] =	vst.idx.msk $0xffff, v31;
	v11 =	vcvt.s32.f32 v29;
	v29 =	vand.u32 $0x1, v30;
	v30 =	vshrl.u32 v15, $0x3  }
0x31: {  	[tilespmem:v13+s8+$0x0] =	vst.idx.msk $0xffff, v12;
	v12 =	vcvt.s32.f32 v32;
	v13 =	vand.u32 $0x1, v30;
	v30 =	vshrl.u32 v15, $0x2  }
0x32: {  	[tilespmem:v14+s8+$0x0] =	vst.idx.msk $0xffff, v11;
	v11 =	vcvt.s32.f32 v29;
	v14 =	vand.u32 $0x1, v30;
	v29 =	vshrl.u32 v15, $0x1  }
0x33: {  	v15 =	vand.u32 $0x1, v15;
	[tilespmem:v26+s8+$0x0] =	vst.idx.msk $0xffff, v12;
	v12 =	vcvt.s32.f32 v13;
	v13 =	vand.u32 $0x1, v29  }
0x34: {  	[tilespmem:v23+s8+$0x0] =	vst.idx.msk $0xffff, v11;
	v11 =	vcvt.s32.f32 v14  }
0x35: {  	[tilespmem:v18+s8+$0x0] =	vst.idx.msk $0xffff, v12;
	v12 =	vcvt.s32.f32 v13  }
0x36: {  	[tilespmem:v19+s8+$0x0] =	vst.idx.msk $0xffff, v11;
	v11 =	vcvt.s32.f32 v15  }
0x37: {  	s16 =	sadd.s32 $0x10, s12;
	s12 =	smov.u32 s15;
	[tilespmem:v20+s8+$0x0] =	vst.idx.msk $0xffff, v12  }
0x38: {  	v12 =	vmov s16;
	[tilespmem:v16+s8+$0x0] =	vst.idx.msk $0xffff, v11  }
0x39: {  	v11 =	vmul.u32 $0xA, v12;
	v18 =	vld [tilespmem:s11+$0xFFFFFFF0];
	_ =	sdelay $0x1  }
0x3a: {  	v13 =	vbroadcast v11, $0x0  }
0x3b: {  	v15 =	vadd.s32 v9, v17;
	v16 =	vadd.s32 v7, v17  }
0x3c: {  	v17 =	vadd.s32 v2, v17;
	v12 =	vadd.s32 v0, v13;
	v11 =	vadd.s32 v1, v13  }
0x3d: {  	v14 =	vshrl.u32 v18, $0x9;
	v19 =	vshrl.u32 v18, $0x8;
	v20 =	vshrl.u32 v18, $0x7  }
0x3e: {  	v14 =	vand.u32 $0x1, v14;
	v19 =	vand.u32 $0x1, v19;
	v20 =	vand.u32 $0x1, v20  }
0x3f: {  	v23 =	vcvt.s32.f32 v14;
	v19 =	vcvt.s32.f32 v19;
	v14 =	vadd.s32 v3, v13  }
0x40: {  	v26 =	vshrl.u32 v18, $0x6;
	v29 =	vshrl.u32 v18, $0x5;
	v30 =	vshrl.u32 v18, $0x4  }
0x41: {  	v20 =	vcvt.s32.f32 v20;
	[tilespmem:v21+s8+$0x0] =	vst.idx.msk $0xffff, v23;
	v21 =	vand.u32 $0x1, v26;
	v23 =	vand.u32 $0x1, v29  }
0x42: {  	[tilespmem:v24+s8+$0x0] =	vst.idx.msk $0xffff, v19;
	v19 =	vcvt.s32.f32 v21;
	v21 =	vand.u32 $0x1, v30;
	v24 =	vshrl.u32 v18, $0x3  }
.Ltmp0:
0x43: {  	[tilespmem:v17+s8+$0x0] =	vst.idx.msk $0xffff, v20;
	v17 =	vcvt.s32.f32 v23;
	v20 =	vand.u32 $0x1, v24;
	v23 =	vshrl.u32 v18, $0x2;
	(pc) =	sbr.rel @p0 .LBB2_2-.Ltmp0, $4  }
0x44: {  	[tilespmem:v28+s8+$0x0] =	vst.idx.msk $0xffff, v19;
	v19 =	vcvt.s32.f32 v21;
	v21 =	vand.u32 $0x1, v23;
	v23 =	vshrl.u32 v18, $0x1  }
0x45: {  	v20 =	vcvt.s32.f32 v20;
	[tilespmem:v22+s8+$0x0] =	vst.idx.msk $0xffff, v17;
	v22 =	vand.u32 $0x1, v23;
	v17 =	vand.u32 $0x1, v18  }
0x46: {  	v18 =	vcvt.s32.f32 v21;
	[tilespmem:v25+s8+$0x0] =	vst.idx.msk $0xffff, v19;
	v17 =	vcvt.s32.f32 v17  }
0x47: {  	v19 =	vcvt.s32.f32 v22;
	[tilespmem:v27+s8+$0x0] =	vst.idx.msk $0xffff, v20  }
0x48: {  	_ =	sdelay $0x3  }
0x49: {  	[tilespmem:v16+s8+$0x0] =	vst.idx.msk $0xffff, v18  }
0x4a: {  	[tilespmem:v10+s8+$0x0] =	vst.idx.msk $0xffff, v19  }
0x4b: {  	[tilespmem:v15+s8+$0x0] =	vst.idx.msk $0xffff, v17  }
0x4c: {  	v10 =	vld [tilespmem:s14+$0x0];
	_ =	sdelay $0x2  }
0x4d: {  	v61 =	vadd.s32 v9, v13  }
0x4e: {  	v62 =	vadd.s32 v6, v13;
	v63 =	vadd.s32 v7, v13;
	v28 =	vadd.s32 v8, v13  }
0x4f: {  	v29 =	vadd.s32 v5, v13;
	v20 =	vadd.s32 v4, v13;
	v21 =	vshrl.u32 v10, $0x9  }
0x50: {  	v30 =	vadd.s32 v2, v13;
	v22 =	vshrl.u32 v10, $0x8;
	v21 =	vand.u32 $0x1, v21  }
0x51: {  	v23 =	vshrl.u32 v10, $0x7;
	v22 =	vand.u32 $0x1, v22;
	v21 =	vcvt.s32.f32 v21  }
0x52: {  	v24 =	vshrl.u32 v10, $0x6;
	v23 =	vand.u32 $0x1, v23;
	v22 =	vcvt.s32.f32 v22  }
0x53: {  	v25 =	vshrl.u32 v10, $0x5;
	v32 =	vand.u32 $0x1, v24;
	v31 =	vcvt.s32.f32 v23;
	[tilespmem:v12+s8+$0x0] =	vst.idx.msk $0xffff, v21  }
0x54: {  	v33 =	vshrl.u32 v10, $0x4;
	v34 =	vand.u32 $0x1, v25;
	[tilespmem:v11+s8+$0x0] =	vst.idx.msk $0xffff, v22;
	v11 =	vcvt.s32.f32 v32  }
0x55: {  	v36 =	vshrl.u32 v10, $0x3;
	v35 =	vand.u32 $0x1, v33;
	v37 =	vcvt.s32.f32 v34;
	[tilespmem:v30+s8+$0x0] =	vst.idx.msk $0xffff, v31  }
0x56: {  	v39 =	vshrl.u32 v10, $0x2;
	v38 =	vand.u32 $0x1, v36;
	[tilespmem:v14+s8+$0x0] =	vst.idx.msk $0xffff, v11;
	v11 =	vcvt.s32.f32 v35  }
0x57: {  	v41 =	vshrl.u32 v10, $0x1;
	v40 =	vand.u32 $0x1, v39;
	v42 =	vcvt.s32.f32 v38;
	[tilespmem:v20+s8+$0x0] =	vst.idx.msk $0xffff, v37  }
0x58: {  	v43 =	vand.u32 $0x1, v41;
	[tilespmem:v29+s8+$0x0] =	vst.idx.msk $0xffff, v11;
	v11 =	vcvt.s32.f32 v40  }
0x59: {  	v10 =	vand.u32 $0x1, v10;
	v44 =	vcvt.s32.f32 v43;
	[tilespmem:v62+s8+$0x0] =	vst.idx.msk $0xffff, v42  }
0x5a: {  	v45 =	vmov s12;
	v10 =	vcvt.s32.f32 v10;
	[tilespmem:v63+s8+$0x0] =	vst.idx.msk $0xffff, v11  }
0x5b: {  	v11 =	vmul.u32 $0xA, v45;
	[tilespmem:v28+s8+$0x0] =	vst.idx.msk $0xffff, v44  }
0x5c: {  	s11 =	sadd.s32 $0x20, s11;
	[tilespmem:v61+s8+$0x0] =	vst.idx.msk $0xffff, v10  }
0x5d: {  	v10 =	vbroadcast v11, $0x0;
	v11 =	vld [tilespmem:s11+$0xFFFFFFF0];
	_ =	sdelay $0x1  }
0x5e: {  	v46 =	vadd.s32 v0, v10  }
0x5f: {  	v47 =	vadd.s32 v4, v10;
	v48 =	vadd.s32 v1, v10;
	v49 =	vadd.s32 v5, v10  }
0x60: {  	v50 =	vadd.s32 v6, v10;
	v51 =	vadd.s32 v8, v10;
	v52 =	vadd.s32 v3, v10  }
0x61: {  	v53 =	vadd.s32 v7, v10;
	v54 =	vadd.s32 v9, v10;
	v55 =	vshrl.u32 v11, $0x9  }
0x62: {  	v10 =	vadd.s32 v2, v10;
	v56 =	vshrl.u32 v11, $0x8;
	v21 =	vand.u32 $0x1, v55  }
0x63: {  	v57 =	vshrl.u32 v11, $0x7;
	v22 =	vand.u32 $0x1, v56;
	v21 =	vcvt.s32.f32 v21  }
0x64: {  	v58 =	vshrl.u32 v11, $0x6;
	v23 =	vand.u32 $0x1, v57;
	v22 =	vcvt.s32.f32 v22  }
0x65: {  	v59 =	vshrl.u32 v11, $0x5;
	v61 =	vand.u32 $0x1, v58;
	v60 =	vcvt.s32.f32 v23;
	[tilespmem:v46+s8+$0x0] =	vst.idx.msk $0xffff, v21  }
0x66: {  	v62 =	vshrl.u32 v11, $0x4;
	v63 =	vand.u32 $0x1, v59;
	v26 =	vcvt.s32.f32 v61;
	[tilespmem:v48+s8+$0x0] =	vst.idx.msk $0xffff, v22  }
0x67: {  	v28 =	vshrl.u32 v11, $0x3;
	v27 =	vand.u32 $0x1, v62;
	[tilespmem:v10+s8+$0x0] =	vst.idx.msk $0xffff, v60;
	v10 =	vcvt.s32.f32 v63  }
0x68: {  	v30 =	vshrl.u32 v11, $0x2;
	v29 =	vand.u32 $0x1, v28;
	v31 =	vcvt.s32.f32 v27;
	[tilespmem:v52+s8+$0x0] =	vst.idx.msk $0xffff, v26  }
0x69: {  	v33 =	vshrl.u32 v11, $0x1;
	v32 =	vand.u32 $0x1, v30;
	[tilespmem:v47+s8+$0x0] =	vst.idx.msk $0xffff, v10;
	v10 =	vcvt.s32.f32 v29  }
0x6a: {  	v34 =	vand.u32 $0x1, v33;
	v35 =	vcvt.s32.f32 v32;
	[tilespmem:v49+s8+$0x0] =	vst.idx.msk $0xffff, v31  }
0x6b: {  	s31 =	sadd.s32 $0x10, s12;
	v11 =	vand.u32 $0x1, v11;
	[tilespmem:v50+s8+$0x0] =	vst.idx.msk $0xffff, v10;
	v10 =	vcvt.s32.f32 v34  }
0x6c: {  	v36 =	vmov s31;
	v11 =	vcvt.s32.f32 v11;
	[tilespmem:v53+s8+$0x0] =	vst.idx.msk $0xffff, v35  }
0x6d: {  	v12 =	vmul.u32 $0xA, v36;
	[tilespmem:v51+s8+$0x0] =	vst.idx.msk $0xffff, v10  }
0x6e: {  	[tilespmem:v54+s8+$0x0] =	vst.idx.msk $0xffff, v11  }
0x6f: {  	v10 =	vbroadcast v12, $0x0;
	v11 =	vld [tilespmem:s11+$0x0];
	_ =	sdelay $0x1  }
0x70: {  	v12 =	vadd.s32 v0, v10  }
0x71: {  	v37 =	vadd.s32 v1, v10;
	v38 =	vadd.s32 v3, v10;
	v39 =	vadd.s32 v9, v10  }
0x72: {  	v40 =	vadd.s32 v6, v10;
	v41 =	vadd.s32 v7, v10;
	v42 =	vadd.s32 v8, v10  }
0x73: {  	v43 =	vadd.s32 v5, v10;
	v44 =	vadd.s32 v4, v10;
	v45 =	vshrl.u32 v11, $0x9  }
0x74: {  	v10 =	vadd.s32 v2, v10;
	v46 =	vshrl.u32 v11, $0x8;
	v21 =	vand.u32 $0x1, v45  }
0x75: {  	v47 =	vshrl.u32 v11, $0x7;
	v22 =	vand.u32 $0x1, v46;
	v21 =	vcvt.s32.f32 v21  }
0x76: {  	v48 =	vshrl.u32 v11, $0x6;
	v23 =	vand.u32 $0x1, v47;
	v22 =	vcvt.s32.f32 v22  }
0x77: {  	v49 =	vshrl.u32 v11, $0x5;
	v51 =	vand.u32 $0x1, v48;
	v50 =	vcvt.s32.f32 v23;
	[tilespmem:v12+s8+$0x0] =	vst.idx.msk $0xffff, v21  }
0x78: {  	v52 =	vshrl.u32 v11, $0x4;
	v53 =	vand.u32 $0x1, v49;
	v54 =	vcvt.s32.f32 v51;
	[tilespmem:v37+s8+$0x0] =	vst.idx.msk $0xffff, v22  }
0x79: {  	v56 =	vshrl.u32 v11, $0x3;
	v55 =	vand.u32 $0x1, v52;
	[tilespmem:v10+s8+$0x0] =	vst.idx.msk $0xffff, v50;
	v10 =	vcvt.s32.f32 v53  }
0x7a: {  	v58 =	vshrl.u32 v11, $0x2;
	v57 =	vand.u32 $0x1, v56;
	v59 =	vcvt.s32.f32 v55;
	[tilespmem:v38+s8+$0x0] =	vst.idx.msk $0xffff, v54  }
0x7b: {  	v61 =	vshrl.u32 v11, $0x1;
	v60 =	vand.u32 $0x1, v58;
	[tilespmem:v44+s8+$0x0] =	vst.idx.msk $0xffff, v10;
	v10 =	vcvt.s32.f32 v57  }
0x7c: {  	v62 =	vand.u32 $0x1, v61;
	v63 =	vcvt.s32.f32 v60;
	[tilespmem:v43+s8+$0x0] =	vst.idx.msk $0xffff, v59  }
0x7d: {  	v11 =	vand.u32 $0x1, v11;
	[tilespmem:v40+s8+$0x0] =	vst.idx.msk $0xffff, v10;
	v10 =	vcvt.s32.f32 v62  }
0x7e: {  	v11 =	vcvt.s32.f32 v11;
	[tilespmem:v41+s8+$0x0] =	vst.idx.msk $0xffff, v63  }
0x7f: {  	[tilespmem:v42+s8+$0x0] =	vst.idx.msk $0xffff, v10  }
0x80: {  	[tilespmem:v39+s8+$0x0] =	vst.idx.msk $0xffff, v11  }
0x81: {  	[hbm4b:s4+s2] =	stream.linear.scatter [tilespmem:s8], [sflag:$0x1], $0x2800, $0x38;
	[tilespmem:$0x2C00] =	vst v63  }
0x82: {  	s10 =	sadd.s32 $0x1, s10;
	_ =	swait.ge [sflag:s9], $0x2800  }
0x83: {  	p0 =	sne.s32 s10, s6;
	[sflag:s9] =	ssyncset.done $0x0  }
.Ltmp1:
0x84: {  	[sflag:s9] =	ssyncadd.s32 $0xFFFFD800;
	(pc) =	sbr.rel @p0 .LBB2_1-.Ltmp1, $4  }
0x85: {  	[hbm4b:s5+s2] =	stream.linear.scatter [tilespmem:s2], [sflag:$0x1], $0x400, $0x38;
	[tilespmem:$0x2C00] =	vst v63  }
0x86: {  	_ =	swait.ge [sflag:s9], $0x400  }
0x87: {  	[sflag:s9] =	ssyncset.done $0x0  }
0x88: {  	[sflag:s9] =	ssyncadd.s32 $0xFFFFFC00  }
0x89: {  	_ =	sfence.sel $0x180000  }
0x8a: {  	[bflag:$0x0] =	sbarrier.arrive $0xFFFF  }
0x8b: {  	p0 =	sne.s32 s1, $0x0;
	_ =	strace $0x9000004A  }
0x8c: {  	s0 =	sadd.s32 @!p0 $0x100000, s0;
	[bflag:$0x2] =	sbarrier.arrive $0xFFFF  }
0x8d: {  	[sflag:s0] =	ssyncadd.tile.s32 @!p0 $0x1;
	_ =	shalt  }
.Lfunc_end2:
_tile_overlayer_lowered:
.L_overlay_start_2:
0x8e: {  	(tag) =	ssettag $0x2  }
0x8f: {  	s0 =	rddreg [dreg:$0x0];
	s2 =	stileid.u32  }
0x90: {  	s1 =	rddreg [dreg:$0x1];
	p0 =	sne.s32 s2, $0x0  }
0x91: {  	s3 =	rddreg [dreg:$0x2];
	[bflag:$0x3] =	sbarrier.arrive $0xFFFF;
	s2 =	simm.s32 @!p0 $0x1C01  }
0x92: {  	[timem:s3], [sflag:s2] =	dma.local @!p0 [hbm:s0], s1  }
0x93: {  	s0 =	simm.s32 @!p0 $0x1  }
0x94: {  	_ =	swait.ge @!p0 [sflag:s0], s1  }
0x95: {  	s1 =	ssub.s32 @!p0 $0x0, s1;
	[sflag:s0] =	ssyncset.done @!p0 $0x0  }
0x96: {  	[sflag:s0] =	ssyncadd.s32 @!p0 s1  }
0x97: {  	[bflag:$0x3] =	sbarrier.arrive $0xFFFF  }
0x98: {  	_ =	shalt  }

</sc_bundles>
